<compile_context>
chip_gen: v7x
topology: tpu7x:2x2x1
jax: 0.10.2.dev20260603
libtpu: 0.0.44.dev20260713+nightly
codegen_flags: <defaults>
</compile_context>

<pallas_src>
import functools

import jax
import jax.numpy as jnp
from jax import lax
from jax.experimental import pallas as pl
from jax.experimental.pallas import tpu as pltpu
from jax.experimental.pallas import tpu_sc as plsc

N = 10000
E = 320000
D = 128

NC = 2
NS = 16
NW = NC * NS

CH = 128
NCHUNK = 80
NST = 2
SB = NCHUNK // NST
EPW = CH * NCHUNK
EPAD = EPW * NW
NPAD = 10240
STRIPE = NPAD // NS

_mesh = plsc.VectorSubcoreMesh(core_axis_name="c", subcore_axis_name="s")


@functools.partial(
    pl.kernel,
    out_type=jax.ShapeDtypeStruct((NC, NPAD, D), jnp.float32),
    mesh=_mesh,
    scratch_types=[
        pltpu.VMEM((2 * SB, CH), jnp.int32),
        pltpu.VMEM((CH, D), jnp.float32),
        pltpu.VMEM((CH, D), jnp.float32),
        pltpu.VMEM_SHARED((NPAD, D), jnp.float32),
        pltpu.SemaphoreType.DMA,
        pltpu.SemaphoreType.DMA,
    ],
)
def _sc_agg(h_hbm, idx_hbm, zeros_hbm, out_hbm,
            idx_v, rows0_v, rows1_v, agg_sh, sem0, sem1):
    c = lax.axis_index("c")
    s = lax.axis_index("s")
    wid = c * NS + s
    stripe = pl.ds(s * STRIPE, STRIPE)

    def gather_start(j, buf, sem):
        pltpu.async_copy(h_hbm.at[idx_v.at[j]], buf, sem)

    def gather_wait(j, buf, sem):
        pltpu.make_async_copy(h_hbm.at[idx_v.at[j]], buf, sem).wait()

    def scatter(j, buf):
        pltpu.sync_copy(buf, agg_sh.at[idx_v.at[SB + j]], add=True)

    row0 = wid * NST * 2 * SB
    for st in range(NST):
        pltpu.sync_copy(idx_hbm.at[pl.ds(row0 + st * 2 * SB, 2 * SB)], idx_v)

        gather_start(0, rows0_v, sem0)
        gather_start(1, rows1_v, sem1)

        if st == 0:
            @pl.when(c == 0)
            def _():
                pltpu.sync_copy(h_hbm.at[stripe], agg_sh.at[stripe])

            @pl.when(c != 0)
            def _():
                pltpu.sync_copy(zeros_hbm, agg_sh.at[stripe])

            plsc.subcore_barrier()

        def group(k, carry):
            j0 = 2 * k
            j1 = j0 + 1
            gather_wait(j0, rows0_v, sem0)
            scatter(j0, rows0_v)
            gather_start(j0 + 2, rows0_v, sem0)
            gather_wait(j1, rows1_v, sem1)
            scatter(j1, rows1_v)
            gather_start(j1 + 2, rows1_v, sem1)
            return carry

        lax.fori_loop(0, SB // 2 - 1, group, 0)

        jt = SB - 2
        gather_wait(jt, rows0_v, sem0)
        scatter(jt, rows0_v)
        gather_wait(jt + 1, rows1_v, sem1)
        scatter(jt + 1, rows1_v)

    plsc.subcore_barrier()
    pltpu.sync_copy(agg_sh.at[stripe], out_hbm.at[c, stripe])


def _mlp_call(parts, w1, b1, w2, b2, relu_out, out_rows, blk):
    grid = out_rows // blk

    def body(p_ref, w1_ref, b1_ref, w2_ref, b2_ref, o_ref):
        z = p_ref[0] + p_ref[1]
        z1 = jnp.maximum(
            jnp.dot(z, w1_ref[...], preferred_element_type=jnp.float32)
            + b1_ref[...], 0.0)
        z2 = (jnp.dot(z1, w2_ref[...], preferred_element_type=jnp.float32)
              + b2_ref[...])
        o_ref[...] = jnp.maximum(z2, 0.0) if relu_out else z2

    return pl.pallas_call(
        body,
        grid=(grid,),
        in_specs=[
            pl.BlockSpec((NC, blk, D), lambda i: (0, i, 0)),
            pl.BlockSpec((D, D), lambda i: (0, 0)),
            pl.BlockSpec((1, D), lambda i: (0, 0)),
            pl.BlockSpec((D, D), lambda i: (0, 0)),
            pl.BlockSpec((1, D), lambda i: (0, 0)),
        ],
        out_specs=pl.BlockSpec((blk, D), lambda i: (i, 0)),
        out_shape=jax.ShapeDtypeStruct((out_rows, D), jnp.float32),
    )(parts, w1, b1.reshape(1, D), w2, b2.reshape(1, D))


def kernel(features, edge_index,
           W1_0, b1_0, W2_0, b2_0,
           W1_1, b1_1, W2_1, b2_1,
           W1_2, b1_2, W2_2, b2_2):
    src = edge_index[0]
    dst = edge_index[1]
    pad = N + (jnp.arange(EPAD - E, dtype=jnp.int32) % (NPAD - N))
    srcp = jnp.concatenate([src, pad]).reshape(NW, NST, SB, CH)
    dstp = jnp.concatenate([dst, pad]).reshape(NW, NST, SB, CH)
    idxp = jnp.stack([srcp, dstp], axis=2).reshape(NW * NST * 2 * SB, CH)
    zeros = jnp.zeros((STRIPE, D), dtype=jnp.float32)

    h = jnp.concatenate(
        [features, jnp.zeros((NPAD - N, D), dtype=jnp.float32)], axis=0)

    params = [(W1_0, b1_0, W2_0, b2_0),
              (W1_1, b1_1, W2_1, b2_1),
              (W1_2, b1_2, W2_2, b2_2)]
    for i, (w1, b1, w2, b2) in enumerate(params):
        parts = _sc_agg(h, idxp, zeros)
        last = i == len(params) - 1
        h = _mlp_call(parts, w1, b1, w2, b2,
                      relu_out=not last,
                      out_rows=N if last else NPAD,
                      blk=2000 if last else 2048)
    return h

# --- scband reference (transcript-rebuilt; emitter-appended) ---
"""Pipeline reference for scband-gin-29661044146327 (READ-ONLY COPY).

The authoritative reference and input builder live on the scoring server;
editing this copy changes nothing except your own understanding.
"""

import jax, jax.numpy as jnp
import numpy as np

N = 10000
E = 320000
D = 128
N_GIN_LAYERS = 3  # n_layers=2 hidden + 1 output GINConv


def setup_inputs(seed: int = 0) -> dict:
    key = jax.random.key(seed)
    ks = jax.random.split(key, 2 + 4 * N_GIN_LAYERS)
    features = jax.random.normal(ks[0], (N, D), dtype=jnp.float32)
    edge_index = jax.random.randint(ks[1], (2, E), 0, N, dtype=jnp.int32)
    inp = {"features": features, "edge_index": edge_index}
    scale = 1.0 / np.sqrt(D)
    kidx = 2
    for i in range(N_GIN_LAYERS):
        inp[f"W1_{i}"] = jax.random.normal(ks[kidx], (D, D), dtype=jnp.float32) * scale; kidx += 1
        inp[f"b1_{i}"] = jnp.zeros((D,), dtype=jnp.float32); kidx += 1
        inp[f"W2_{i}"] = jax.random.normal(ks[kidx], (D, D), dtype=jnp.float32) * scale; kidx += 1
        inp[f"b2_{i}"] = jnp.zeros((D,), dtype=jnp.float32); kidx += 1
    return inp


def reference(features, edge_index,
              W1_0, b1_0, W2_0, b2_0,
              W1_1, b1_1, W2_1, b2_1,
              W1_2, b1_2, W2_2, b2_2):
    # GIN with sum aggregator, learn_eps=False (eps=0), dropout=0.
    # Each GINConv: h_out = MLP((1+eps)*h + sum_{u in N(v)} h_u)
    src = edge_index[0]
    dst = edge_index[1]
    params = [(W1_0, b1_0, W2_0, b2_0),
              (W1_1, b1_1, W2_1, b2_1),
              (W1_2, b1_2, W2_2, b2_2)]
    h = features
    for i, (W1, b1, W2, b2) in enumerate(params):
        msg = jnp.take(h, src, axis=0)              # gather source features
        agg = jnp.zeros_like(h).at[dst].add(msg)    # scatter-add to dst
        z = h + agg                                  # (1 + eps) * h + agg, eps = 0
        z = jnp.maximum(z @ W1 + b1, 0.0)            # MLP layer 1 + ReLU
        z = z @ W2 + b2                              # MLP layer 2
        h = z
        if i != len(params) - 1:
            h = jax.nn.relu(h)                       # activation between layers
            # dropout p=0.0 -> identity
    return h

if __name__ == "__main__":
    import jax
    _d = setup_inputs()
    print(jax.jit(kernel)(*tuple(_d.values())))

</pallas_src>

<mosaic_0001>
#map = affine_map<(d0, d1) -> (0, 0)>
#map1 = affine_map<(d0, d1) -> (0, 0, 0)>
module attributes {stable_mosaic.version = 14 : i64} {
  func.func @_sc_agg(%arg0: i32, %arg1: i32, %arg2: memref<10240x128xf32, #tpu.memory_space<hbm>>, %arg3: memref<5120x128xi32, #tpu.memory_space<hbm>>, %arg4: memref<640x128xf32, #tpu.memory_space<hbm>>, %arg5: memref<2x10240x128xf32, #tpu.memory_space<hbm>>, %arg6: memref<80x128xi32, #tpu.memory_space<vmem>>, %arg7: memref<128x128xf32, #tpu.memory_space<vmem>>, %arg8: memref<128x128xf32, #tpu.memory_space<vmem>>, %arg9: memref<10240x128xf32, #tpu.memory_space<vmem_shared>>, %arg10: memref<!tpu.dma_semaphore, #tpu.memory_space<semaphore_mem>>, %arg11: memref<!tpu.dma_semaphore, #tpu.memory_space<semaphore_mem>>) attributes {dimension_semantics = [#tpu.dimension_semantics<core_parallel>, #tpu.dimension_semantics<subcore_parallel>], iteration_bounds = array<i64: 2, 16>, scalar_prefetch = 0 : i64, scratch_operands = 6 : i64, tpu.core_type = #tpu.core_type<sc_vector_subcore>, window_params = [{transform_indices = #map}, {transform_indices = #map}, {transform_indices = #map}, {transform_indices = #map1}]} {
    %mul3A = arith.constant 16 : i32
    %mul3A_0 = arith.muli %arg0, %mul3A : i32
    %add3A = arith.addi %mul3A_0, %arg1 : i32
    %mul3A_1 = arith.constant 640 : i32
    %mul3A_2 = arith.muli %arg1, %mul3A_1 : i32
    %mul3A_3 = arith.constant 2 : i32
    %mul3A_4 = arith.muli %add3A, %mul3A_3 : i32
    %mul3A_5 = arith.constant 2 : i32
    %mul3A_6 = arith.muli %mul3A_4, %mul3A_5 : i32
    %mul3A_7 = arith.constant 40 : i32
    %mul3A_8 = arith.muli %mul3A_6, %mul3A_7 : i32
    %add3A_9 = arith.constant 0 : i32
    %add3A_10 = arith.addi %mul3A_8, %add3A_9 : i32
    "tpu.region"() ({
      %run_scoped3A_88 = tpu.sem_alloc : memref<!tpu.dma_semaphore, #tpu.memory_space<semaphore_mem>>
      %dma_start3A_89 = arith.constant 0 : i32
      %dma_start3A_90 = tpu.memref_slice %arg3[%add3A_10, %dma_start3A_89] : memref<5120x128xi32, #tpu.memory_space<hbm>> -> memref<80x128xi32, #tpu.memory_space<hbm>>
      %dma_start3A_91 = arith.constant 0 : i32
      %dma_start3A_92 = tpu.memref_slice %arg3[%add3A_10, %dma_start3A_91] : memref<5120x128xi32, #tpu.memory_space<hbm>> -> memref<80x128xi32, #tpu.memory_space<hbm>>
      tpu.enqueue_dma source(%dma_start3A_92 : memref<80x128xi32, #tpu.memory_space<hbm>>) target(%arg6 : memref<80x128xi32, #tpu.memory_space<vmem>>) target_semaphore(%run_scoped3A_88 : memref<!tpu.dma_semaphore, #tpu.memory_space<semaphore_mem>>)
      %dma_wait3A_93 = arith.constant 0 : i32
      %dma_wait3A_94 = tpu.memref_slice %arg3[%add3A_10, %dma_wait3A_93] : memref<5120x128xi32, #tpu.memory_space<hbm>> -> memref<80x128xi32, #tpu.memory_space<hbm>>
      %dma_wait3A_95 = arith.constant 0 : i32
      %dma_wait3A_96 = tpu.memref_slice %arg3[%add3A_10, %dma_wait3A_95] : memref<5120x128xi32, #tpu.memory_space<hbm>> -> memref<80x128xi32, #tpu.memory_space<hbm>>
      tpu.wait_dma2 semaphore(%run_scoped3A_88 : memref<!tpu.dma_semaphore, #tpu.memory_space<semaphore_mem>>) src(%dma_wait3A_96 : memref<80x128xi32, #tpu.memory_space<hbm>>) dst(%arg6 : memref<80x128xi32, #tpu.memory_space<vmem>>)
      tpu.yield
    }) : () -> ()
    %dma_start3A = arith.constant 0 : i32
    %dma_start3A_11 = arith.constant 0 : i32
    %dma_start3A_12 = tpu.memref_slice %arg6[%dma_start3A, %dma_start3A_11] : memref<80x128xi32, #tpu.memory_space<vmem>> -> memref<1x128xi32, #tpu.memory_space<vmem>>
    %dma_start3A_13 = tpu.memref_squeeze %dma_start3A_12 : memref<1x128xi32, #tpu.memory_space<vmem>> -> memref<128xi32, #tpu.memory_space<vmem>>
    %dma_start3A_14 = arith.constant 0 : i32
    %dma_start3A_15 = arith.constant 0 : i32
    %dma_start3A_16 = tpu.memref_slice %arg2[%dma_start3A_14, %dma_start3A_15] : memref<10240x128xf32, #tpu.memory_space<hbm>> -> memref<10240x128xf32, #tpu.memory_space<hbm>>
    tpu.enqueue_indirect_dma source(%dma_start3A_16 : memref<10240x128xf32, #tpu.memory_space<hbm>>) target(%arg7 : memref<128x128xf32, #tpu.memory_space<vmem>>) offsets(%dma_start3A_13 : memref<128xi32, #tpu.memory_space<vmem>>) semaphore(%arg10 : memref<!tpu.dma_semaphore, #tpu.memory_space<semaphore_mem>>)
    %dma_start3A_17 = arith.constant 1 : i32
    %dma_start3A_18 = arith.constant 0 : i32
    %dma_start3A_19 = tpu.memref_slice %arg6[%dma_start3A_17, %dma_start3A_18] : memref<80x128xi32, #tpu.memory_space<vmem>> -> memref<1x128xi32, #tpu.memory_space<vmem>>
    %dma_start3A_20 = tpu.memref_squeeze %dma_start3A_19 : memref<1x128xi32, #tpu.memory_space<vmem>> -> memref<128xi32, #tpu.memory_space<vmem>>
    %dma_start3A_21 = arith.constant 0 : i32
    %dma_start3A_22 = arith.constant 0 : i32
    %dma_start3A_23 = tpu.memref_slice %arg2[%dma_start3A_21, %dma_start3A_22] : memref<10240x128xf32, #tpu.memory_space<hbm>> -> memref<10240x128xf32, #tpu.memory_space<hbm>>
    tpu.enqueue_indirect_dma source(%dma_start3A_23 : memref<10240x128xf32, #tpu.memory_space<hbm>>) target(%arg8 : memref<128x128xf32, #tpu.memory_space<vmem>>) offsets(%dma_start3A_20 : memref<128xi32, #tpu.memory_space<vmem>>) semaphore(%arg11 : memref<!tpu.dma_semaphore, #tpu.memory_space<semaphore_mem>>)
    %eq3A = arith.constant 0 : i32
    %eq3A_24 = arith.cmpi eq, %arg0, %eq3A : i32
    %convert_element_type3A = arith.extui %eq3A_24 : i1 to i32
    %cond3A = arith.constant 0 : i32
    %cond3A_25 = arith.cmpi ne, %convert_element_type3A, %cond3A : i32
    scf.if %cond3A_25 {
      "tpu.region"() ({
        %run_scoped3A_88 = tpu.sem_alloc : memref<!tpu.dma_semaphore, #tpu.memory_space<semaphore_mem>>
        %dma_start3A_89 = arith.constant 0 : i32
        %dma_start3A_90 = tpu.memref_slice %arg9[%mul3A_2, %dma_start3A_89] : memref<10240x128xf32, #tpu.memory_space<vmem_shared>> -> memref<640x128xf32, #tpu.memory_space<vmem_shared>>
        %dma_start3A_91 = arith.constant 0 : i32
        %dma_start3A_92 = tpu.memref_slice %arg2[%mul3A_2, %dma_start3A_91] : memref<10240x128xf32, #tpu.memory_space<hbm>> -> memref<640x128xf32, #tpu.memory_space<hbm>>
        tpu.enqueue_dma source(%dma_start3A_92 : memref<640x128xf32, #tpu.memory_space<hbm>>) target(%dma_start3A_90 : memref<640x128xf32, #tpu.memory_space<vmem_shared>>) target_semaphore(%run_scoped3A_88 : memref<!tpu.dma_semaphore, #tpu.memory_space<semaphore_mem>>)
        %dma_wait3A_93 = arith.constant 0 : i32
        %dma_wait3A_94 = tpu.memref_slice %arg9[%mul3A_2, %dma_wait3A_93] : memref<10240x128xf32, #tpu.memory_space<vmem_shared>> -> memref<640x128xf32, #tpu.memory_space<vmem_shared>>
        %dma_wait3A_95 = arith.constant 0 : i32
        %dma_wait3A_96 = tpu.memref_slice %arg2[%mul3A_2, %dma_wait3A_95] : memref<10240x128xf32, #tpu.memory_space<hbm>> -> memref<640x128xf32, #tpu.memory_space<hbm>>
        tpu.wait_dma2 semaphore(%run_scoped3A_88 : memref<!tpu.dma_semaphore, #tpu.memory_space<semaphore_mem>>) src(%dma_wait3A_96 : memref<640x128xf32, #tpu.memory_space<hbm>>) dst(%dma_wait3A_94 : memref<640x128xf32, #tpu.memory_space<vmem_shared>>)
        tpu.yield
      }) : () -> ()
    } else {
    }
    %ne3A = arith.constant 0 : i32
    %ne3A_26 = arith.cmpi ne, %arg0, %ne3A : i32
    %convert_element_type3A_27 = arith.extui %ne3A_26 : i1 to i32
    %cond3A_28 = arith.constant 0 : i32
    %cond3A_29 = arith.cmpi ne, %convert_element_type3A_27, %cond3A_28 : i32
    scf.if %cond3A_29 {
      "tpu.region"() ({
        %run_scoped3A_88 = tpu.sem_alloc : memref<!tpu.dma_semaphore, #tpu.memory_space<semaphore_mem>>
        %dma_start3A_89 = arith.constant 0 : i32
        %dma_start3A_90 = tpu.memref_slice %arg9[%mul3A_2, %dma_start3A_89] : memref<10240x128xf32, #tpu.memory_space<vmem_shared>> -> memref<640x128xf32, #tpu.memory_space<vmem_shared>>
        tpu.enqueue_dma source(%arg4 : memref<640x128xf32, #tpu.memory_space<hbm>>) target(%dma_start3A_90 : memref<640x128xf32, #tpu.memory_space<vmem_shared>>) target_semaphore(%run_scoped3A_88 : memref<!tpu.dma_semaphore, #tpu.memory_space<semaphore_mem>>)
        %dma_wait3A_91 = arith.constant 0 : i32
        %dma_wait3A_92 = tpu.memref_slice %arg9[%mul3A_2, %dma_wait3A_91] : memref<10240x128xf32, #tpu.memory_space<vmem_shared>> -> memref<640x128xf32, #tpu.memory_space<vmem_shared>>
        tpu.wait_dma2 semaphore(%run_scoped3A_88 : memref<!tpu.dma_semaphore, #tpu.memory_space<semaphore_mem>>) src(%arg4 : memref<640x128xf32, #tpu.memory_space<hbm>>) dst(%dma_wait3A_92 : memref<640x128xf32, #tpu.memory_space<vmem_shared>>)
        tpu.yield
      }) : () -> ()
    } else {
    }
    %barrier3A = arith.constant 0 : index
    tpu.barrier barrier_id(%barrier3A)
    %scan3A = arith.constant 0 : i32
    %scan3A_30 = arith.constant 0 : i32
    %scan3A_31 = arith.constant 19 : i32
    %scan3A_32 = arith.addi %scan3A_30, %scan3A_31 : i32
    %scan3A_33 = arith.constant 1 : i32
    scf.for %scan3A_88 = %scan3A_30 to %scan3A_32 step %scan3A_33  : i32 {
      %mul3A_89 = arith.constant 2 : i32
      %mul3A_90 = arith.muli %mul3A_89, %scan3A_88 : i32
      %add3A_91 = arith.constant 1 : i32
      %add3A_92 = arith.addi %mul3A_90, %add3A_91 : i32
      %dma_wait3A_93 = arith.constant 0 : i32
      %dma_wait3A_94 = tpu.memref_slice %arg6[%mul3A_90, %dma_wait3A_93] : memref<80x128xi32, #tpu.memory_space<vmem>> -> memref<1x128xi32, #tpu.memory_space<vmem>>
      %dma_wait3A_95 = tpu.memref_squeeze %dma_wait3A_94 : memref<1x128xi32, #tpu.memory_space<vmem>> -> memref<128xi32, #tpu.memory_space<vmem>>
      %dma_wait3A_96 = arith.constant 0 : i32
      %dma_wait3A_97 = arith.constant 0 : i32
      %dma_wait3A_98 = tpu.memref_slice %arg2[%dma_wait3A_96, %dma_wait3A_97] : memref<10240x128xf32, #tpu.memory_space<hbm>> -> memref<10240x128xf32, #tpu.memory_space<hbm>>
      tpu.wait_indirect_dma semaphore(%arg10 : memref<!tpu.dma_semaphore, #tpu.memory_space<semaphore_mem>>) src(%dma_wait3A_98 : memref<10240x128xf32, #tpu.memory_space<hbm>>) dst(%arg7 : memref<128x128xf32, #tpu.memory_space<vmem>>)
      %add3A_99 = arith.constant 40 : i32
      %add3A_100 = arith.addi %add3A_99, %mul3A_90 : i32
      "tpu.region"() ({
        %run_scoped3A_125 = tpu.sem_alloc : memref<!tpu.dma_semaphore, #tpu.memory_space<semaphore_mem>>
        %dma_start3A_126 = arith.constant 0 : i32
        %dma_start3A_127 = tpu.memref_slice %arg6[%add3A_100, %dma_start3A_126] : memref<80x128xi32, #tpu.memory_space<vmem>> -> memref<1x128xi32, #tpu.memory_space<vmem>>
        %dma_start3A_128 = tpu.memref_squeeze %dma_start3A_127 : memref<1x128xi32, #tpu.memory_space<vmem>> -> memref<128xi32, #tpu.memory_space<vmem>>
        %dma_start3A_129 = arith.constant 0 : i32
        %dma_start3A_130 = arith.constant 0 : i32
        %dma_start3A_131 = tpu.memref_slice %arg9[%dma_start3A_129, %dma_start3A_130] : memref<10240x128xf32, #tpu.memory_space<vmem_shared>> -> memref<10240x128xf32, #tpu.memory_space<vmem_shared>>
        tpu.enqueue_indirect_dma source(%arg7 : memref<128x128xf32, #tpu.memory_space<vmem>>) target(%dma_start3A_131 : memref<10240x128xf32, #tpu.memory_space<vmem_shared>>) offsets(%dma_start3A_128 : memref<128xi32, #tpu.memory_space<vmem>>) semaphore(%run_scoped3A_125 : memref<!tpu.dma_semaphore, #tpu.memory_space<semaphore_mem>>) {add = true}
        %dma_wait3A_132 = arith.constant 0 : i32
        %dma_wait3A_133 = tpu.memref_slice %arg6[%add3A_100, %dma_wait3A_132] : memref<80x128xi32, #tpu.memory_space<vmem>> -> memref<1x128xi32, #tpu.memory_space<vmem>>
        %dma_wait3A_134 = tpu.memref_squeeze %dma_wait3A_133 : memref<1x128xi32, #tpu.memory_space<vmem>> -> memref<128xi32, #tpu.memory_space<vmem>>
        %dma_wait3A_135 = arith.constant 0 : i32
        %dma_wait3A_136 = arith.constant 0 : i32
        %dma_wait3A_137 = tpu.memref_slice %arg9[%dma_wait3A_135, %dma_wait3A_136] : memref<10240x128xf32, #tpu.memory_space<vmem_shared>> -> memref<10240x128xf32, #tpu.memory_space<vmem_shared>>
        tpu.wait_indirect_dma semaphore(%run_scoped3A_125 : memref<!tpu.dma_semaphore, #tpu.memory_space<semaphore_mem>>) src(%arg7 : memref<128x128xf32, #tpu.memory_space<vmem>>) dst(%dma_wait3A_137 : memref<10240x128xf32, #tpu.memory_space<vmem_shared>>)
        tpu.yield
      }) : () -> ()
      %add3A_101 = arith.constant 2 : i32
      %add3A_102 = arith.addi %mul3A_90, %add3A_101 : i32
      %dma_start3A_103 = arith.constant 0 : i32
      %dma_start3A_104 = tpu.memref_slice %arg6[%add3A_102, %dma_start3A_103] : memref<80x128xi32, #tpu.memory_space<vmem>> -> memref<1x128xi32, #tpu.memory_space<vmem>>
      %dma_start3A_105 = tpu.memref_squeeze %dma_start3A_104 : memref<1x128xi32, #tpu.memory_space<vmem>> -> memref<128xi32, #tpu.memory_space<vmem>>
      %dma_start3A_106 = arith.constant 0 : i32
      %dma_start3A_107 = arith.constant 0 : i32
      %dma_start3A_108 = tpu.memref_slice %arg2[%dma_start3A_106, %dma_start3A_107] : memref<10240x128xf32, #tpu.memory_space<hbm>> -> memref<10240x128xf32, #tpu.memory_space<hbm>>
      tpu.enqueue_indirect_dma source(%dma_start3A_108 : memref<10240x128xf32, #tpu.memory_space<hbm>>) target(%arg7 : memref<128x128xf32, #tpu.memory_space<vmem>>) offsets(%dma_start3A_105 : memref<128xi32, #tpu.memory_space<vmem>>) semaphore(%arg10 : memref<!tpu.dma_semaphore, #tpu.memory_space<semaphore_mem>>)
      %dma_wait3A_109 = arith.constant 0 : i32
      %dma_wait3A_110 = tpu.memref_slice %arg6[%add3A_92, %dma_wait3A_109] : memref<80x128xi32, #tpu.memory_space<vmem>> -> memref<1x128xi32, #tpu.memory_space<vmem>>
      %dma_wait3A_111 = tpu.memref_squeeze %dma_wait3A_110 : memref<1x128xi32, #tpu.memory_space<vmem>> -> memref<128xi32, #tpu.memory_space<vmem>>
      %dma_wait3A_112 = arith.constant 0 : i32
      %dma_wait3A_113 = arith.constant 0 : i32
      %dma_wait3A_114 = tpu.memref_slice %arg2[%dma_wait3A_112, %dma_wait3A_113] : memref<10240x128xf32, #tpu.memory_space<hbm>> -> memref<10240x128xf32, #tpu.memory_space<hbm>>
      tpu.wait_indirect_dma semaphore(%arg11 : memref<!tpu.dma_semaphore, #tpu.memory_space<semaphore_mem>>) src(%dma_wait3A_114 : memref<10240x128xf32, #tpu.memory_space<hbm>>) dst(%arg8 : memref<128x128xf32, #tpu.memory_space<vmem>>)
      %add3A_115 = arith.constant 40 : i32
      %add3A_116 = arith.addi %add3A_115, %add3A_92 : i32
      "tpu.region"() ({
        %run_scoped3A_125 = tpu.sem_alloc : memref<!tpu.dma_semaphore, #tpu.memory_space<semaphore_mem>>
        %dma_start3A_126 = arith.constant 0 : i32
        %dma_start3A_127 = tpu.memref_slice %arg6[%add3A_116, %dma_start3A_126] : memref<80x128xi32, #tpu.memory_space<vmem>> -> memref<1x128xi32, #tpu.memory_space<vmem>>
        %dma_start3A_128 = tpu.memref_squeeze %dma_start3A_127 : memref<1x128xi32, #tpu.memory_space<vmem>> -> memref<128xi32, #tpu.memory_space<vmem>>
        %dma_start3A_129 = arith.constant 0 : i32
        %dma_start3A_130 = arith.constant 0 : i32
        %dma_start3A_131 = tpu.memref_slice %arg9[%dma_start3A_129, %dma_start3A_130] : memref<10240x128xf32, #tpu.memory_space<vmem_shared>> -> memref<10240x128xf32, #tpu.memory_space<vmem_shared>>
        tpu.enqueue_indirect_dma source(%arg8 : memref<128x128xf32, #tpu.memory_space<vmem>>) target(%dma_start3A_131 : memref<10240x128xf32, #tpu.memory_space<vmem_shared>>) offsets(%dma_start3A_128 : memref<128xi32, #tpu.memory_space<vmem>>) semaphore(%run_scoped3A_125 : memref<!tpu.dma_semaphore, #tpu.memory_space<semaphore_mem>>) {add = true}
        %dma_wait3A_132 = arith.constant 0 : i32
        %dma_wait3A_133 = tpu.memref_slice %arg6[%add3A_116, %dma_wait3A_132] : memref<80x128xi32, #tpu.memory_space<vmem>> -> memref<1x128xi32, #tpu.memory_space<vmem>>
        %dma_wait3A_134 = tpu.memref_squeeze %dma_wait3A_133 : memref<1x128xi32, #tpu.memory_space<vmem>> -> memref<128xi32, #tpu.memory_space<vmem>>
        %dma_wait3A_135 = arith.constant 0 : i32
        %dma_wait3A_136 = arith.constant 0 : i32
        %dma_wait3A_137 = tpu.memref_slice %arg9[%dma_wait3A_135, %dma_wait3A_136] : memref<10240x128xf32, #tpu.memory_space<vmem_shared>> -> memref<10240x128xf32, #tpu.memory_space<vmem_shared>>
        tpu.wait_indirect_dma semaphore(%run_scoped3A_125 : memref<!tpu.dma_semaphore, #tpu.memory_space<semaphore_mem>>) src(%arg8 : memref<128x128xf32, #tpu.memory_space<vmem>>) dst(%dma_wait3A_137 : memref<10240x128xf32, #tpu.memory_space<vmem_shared>>)
        tpu.yield
      }) : () -> ()
      %add3A_117 = arith.constant 2 : i32
      %add3A_118 = arith.addi %add3A_92, %add3A_117 : i32
      %dma_start3A_119 = arith.constant 0 : i32
      %dma_start3A_120 = tpu.memref_slice %arg6[%add3A_118, %dma_start3A_119] : memref<80x128xi32, #tpu.memory_space<vmem>> -> memref<1x128xi32, #tpu.memory_space<vmem>>
      %dma_start3A_121 = tpu.memref_squeeze %dma_start3A_120 : memref<1x128xi32, #tpu.memory_space<vmem>> -> memref<128xi32, #tpu.memory_space<vmem>>
      %dma_start3A_122 = arith.constant 0 : i32
      %dma_start3A_123 = arith.constant 0 : i32
      %dma_start3A_124 = tpu.memref_slice %arg2[%dma_start3A_122, %dma_start3A_123] : memref<10240x128xf32, #tpu.memory_space<hbm>> -> memref<10240x128xf32, #tpu.memory_space<hbm>>
      tpu.enqueue_indirect_dma source(%dma_start3A_124 : memref<10240x128xf32, #tpu.memory_space<hbm>>) target(%arg8 : memref<128x128xf32, #tpu.memory_space<vmem>>) offsets(%dma_start3A_121 : memref<128xi32, #tpu.memory_space<vmem>>) semaphore(%arg11 : memref<!tpu.dma_semaphore, #tpu.memory_space<semaphore_mem>>)
    }
    %scan3A_34 = arith.constant 19 : i32
    %dma_wait3A = arith.constant 38 : i32
    %dma_wait3A_35 = arith.constant 0 : i32
    %dma_wait3A_36 = tpu.memref_slice %arg6[%dma_wait3A, %dma_wait3A_35] : memref<80x128xi32, #tpu.memory_space<vmem>> -> memref<1x128xi32, #tpu.memory_space<vmem>>
    %dma_wait3A_37 = tpu.memref_squeeze %dma_wait3A_36 : memref<1x128xi32, #tpu.memory_space<vmem>> -> memref<128xi32, #tpu.memory_space<vmem>>
    %dma_wait3A_38 = arith.constant 0 : i32
    %dma_wait3A_39 = arith.constant 0 : i32
    %dma_wait3A_40 = tpu.memref_slice %arg2[%dma_wait3A_38, %dma_wait3A_39] : memref<10240x128xf32, #tpu.memory_space<hbm>> -> memref<10240x128xf32, #tpu.memory_space<hbm>>
    tpu.wait_indirect_dma semaphore(%arg10 : memref<!tpu.dma_semaphore, #tpu.memory_space<semaphore_mem>>) src(%dma_wait3A_40 : memref<10240x128xf32, #tpu.memory_space<hbm>>) dst(%arg7 : memref<128x128xf32, #tpu.memory_space<vmem>>)
    %run_scoped3A = arith.constant 78 : i32
    "tpu.region"() ({
      %run_scoped3A_88 = tpu.sem_alloc : memref<!tpu.dma_semaphore, #tpu.memory_space<semaphore_mem>>
      %dma_start3A_89 = arith.constant 0 : i32
      %dma_start3A_90 = tpu.memref_slice %arg6[%run_scoped3A, %dma_start3A_89] : memref<80x128xi32, #tpu.memory_space<vmem>> -> memref<1x128xi32, #tpu.memory_space<vmem>>
      %dma_start3A_91 = tpu.memref_squeeze %dma_start3A_90 : memref<1x128xi32, #tpu.memory_space<vmem>> -> memref<128xi32, #tpu.memory_space<vmem>>
      %dma_start3A_92 = arith.constant 0 : i32
      %dma_start3A_93 = arith.constant 0 : i32
      %dma_start3A_94 = tpu.memref_slice %arg9[%dma_start3A_92, %dma_start3A_93] : memref<10240x128xf32, #tpu.memory_space<vmem_shared>> -> memref<10240x128xf32, #tpu.memory_space<vmem_shared>>
      tpu.enqueue_indirect_dma source(%arg7 : memref<128x128xf32, #tpu.memory_space<vmem>>) target(%dma_start3A_94 : memref<10240x128xf32, #tpu.memory_space<vmem_shared>>) offsets(%dma_start3A_91 : memref<128xi32, #tpu.memory_space<vmem>>) semaphore(%run_scoped3A_88 : memref<!tpu.dma_semaphore, #tpu.memory_space<semaphore_mem>>) {add = true}
      %dma_wait3A_95 = arith.constant 0 : i32
      %dma_wait3A_96 = tpu.memref_slice %arg6[%run_scoped3A, %dma_wait3A_95] : memref<80x128xi32, #tpu.memory_space<vmem>> -> memref<1x128xi32, #tpu.memory_space<vmem>>
      %dma_wait3A_97 = tpu.memref_squeeze %dma_wait3A_96 : memref<1x128xi32, #tpu.memory_space<vmem>> -> memref<128xi32, #tpu.memory_space<vmem>>
      %dma_wait3A_98 = arith.constant 0 : i32
      %dma_wait3A_99 = arith.constant 0 : i32
      %dma_wait3A_100 = tpu.memref_slice %arg9[%dma_wait3A_98, %dma_wait3A_99] : memref<10240x128xf32, #tpu.memory_space<vmem_shared>> -> memref<10240x128xf32, #tpu.memory_space<vmem_shared>>
      tpu.wait_indirect_dma semaphore(%run_scoped3A_88 : memref<!tpu.dma_semaphore, #tpu.memory_space<semaphore_mem>>) src(%arg7 : memref<128x128xf32, #tpu.memory_space<vmem>>) dst(%dma_wait3A_100 : memref<10240x128xf32, #tpu.memory_space<vmem_shared>>)
      tpu.yield
    }) : () -> ()
    %dma_wait3A_41 = arith.constant 39 : i32
    %dma_wait3A_42 = arith.constant 0 : i32
    %dma_wait3A_43 = tpu.memref_slice %arg6[%dma_wait3A_41, %dma_wait3A_42] : memref<80x128xi32, #tpu.memory_space<vmem>> -> memref<1x128xi32, #tpu.memory_space<vmem>>
    %dma_wait3A_44 = tpu.memref_squeeze %dma_wait3A_43 : memref<1x128xi32, #tpu.memory_space<vmem>> -> memref<128xi32, #tpu.memory_space<vmem>>
    %dma_wait3A_45 = arith.constant 0 : i32
    %dma_wait3A_46 = arith.constant 0 : i32
    %dma_wait3A_47 = tpu.memref_slice %arg2[%dma_wait3A_45, %dma_wait3A_46] : memref<10240x128xf32, #tpu.memory_space<hbm>> -> memref<10240x128xf32, #tpu.memory_space<hbm>>
    tpu.wait_indirect_dma semaphore(%arg11 : memref<!tpu.dma_semaphore, #tpu.memory_space<semaphore_mem>>) src(%dma_wait3A_47 : memref<10240x128xf32, #tpu.memory_space<hbm>>) dst(%arg8 : memref<128x128xf32, #tpu.memory_space<vmem>>)
    %run_scoped3A_48 = arith.constant 79 : i32
    "tpu.region"() ({
      %run_scoped3A_88 = tpu.sem_alloc : memref<!tpu.dma_semaphore, #tpu.memory_space<semaphore_mem>>
      %dma_start3A_89 = arith.constant 0 : i32
      %dma_start3A_90 = tpu.memref_slice %arg6[%run_scoped3A_48, %dma_start3A_89] : memref<80x128xi32, #tpu.memory_space<vmem>> -> memref<1x128xi32, #tpu.memory_space<vmem>>
      %dma_start3A_91 = tpu.memref_squeeze %dma_start3A_90 : memref<1x128xi32, #tpu.memory_space<vmem>> -> memref<128xi32, #tpu.memory_space<vmem>>
      %dma_start3A_92 = arith.constant 0 : i32
      %dma_start3A_93 = arith.constant 0 : i32
      %dma_start3A_94 = tpu.memref_slice %arg9[%dma_start3A_92, %dma_start3A_93] : memref<10240x128xf32, #tpu.memory_space<vmem_shared>> -> memref<10240x128xf32, #tpu.memory_space<vmem_shared>>
      tpu.enqueue_indirect_dma source(%arg8 : memref<128x128xf32, #tpu.memory_space<vmem>>) target(%dma_start3A_94 : memref<10240x128xf32, #tpu.memory_space<vmem_shared>>) offsets(%dma_start3A_91 : memref<128xi32, #tpu.memory_space<vmem>>) semaphore(%run_scoped3A_88 : memref<!tpu.dma_semaphore, #tpu.memory_space<semaphore_mem>>) {add = true}
      %dma_wait3A_95 = arith.constant 0 : i32
      %dma_wait3A_96 = tpu.memref_slice %arg6[%run_scoped3A_48, %dma_wait3A_95] : memref<80x128xi32, #tpu.memory_space<vmem>> -> memref<1x128xi32, #tpu.memory_space<vmem>>
      %dma_wait3A_97 = tpu.memref_squeeze %dma_wait3A_96 : memref<1x128xi32, #tpu.memory_space<vmem>> -> memref<128xi32, #tpu.memory_space<vmem>>
      %dma_wait3A_98 = arith.constant 0 : i32
      %dma_wait3A_99 = arith.constant 0 : i32
      %dma_wait3A_100 = tpu.memref_slice %arg9[%dma_wait3A_98, %dma_wait3A_99] : memref<10240x128xf32, #tpu.memory_space<vmem_shared>> -> memref<10240x128xf32, #tpu.memory_space<vmem_shared>>
      tpu.wait_indirect_dma semaphore(%run_scoped3A_88 : memref<!tpu.dma_semaphore, #tpu.memory_space<semaphore_mem>>) src(%arg8 : memref<128x128xf32, #tpu.memory_space<vmem>>) dst(%dma_wait3A_100 : memref<10240x128xf32, #tpu.memory_space<vmem_shared>>)
      tpu.yield
    }) : () -> ()
    %add3A_49 = arith.constant 80 : i32
    %add3A_50 = arith.addi %mul3A_8, %add3A_49 : i32
    "tpu.region"() ({
      %run_scoped3A_88 = tpu.sem_alloc : memref<!tpu.dma_semaphore, #tpu.memory_space<semaphore_mem>>
      %dma_start3A_89 = arith.constant 0 : i32
      %dma_start3A_90 = tpu.memref_slice %arg3[%add3A_50, %dma_start3A_89] : memref<5120x128xi32, #tpu.memory_space<hbm>> -> memref<80x128xi32, #tpu.memory_space<hbm>>
      %dma_start3A_91 = arith.constant 0 : i32
      %dma_start3A_92 = tpu.memref_slice %arg3[%add3A_50, %dma_start3A_91] : memref<5120x128xi32, #tpu.memory_space<hbm>> -> memref<80x128xi32, #tpu.memory_space<hbm>>
      tpu.enqueue_dma source(%dma_start3A_92 : memref<80x128xi32, #tpu.memory_space<hbm>>) target(%arg6 : memref<80x128xi32, #tpu.memory_space<vmem>>) target_semaphore(%run_scoped3A_88 : memref<!tpu.dma_semaphore, #tpu.memory_space<semaphore_mem>>)
      %dma_wait3A_93 = arith.constant 0 : i32
      %dma_wait3A_94 = tpu.memref_slice %arg3[%add3A_50, %dma_wait3A_93] : memref<5120x128xi32, #tpu.memory_space<hbm>> -> memref<80x128xi32, #tpu.memory_space<hbm>>
      %dma_wait3A_95 = arith.constant 0 : i32
      %dma_wait3A_96 = tpu.memref_slice %arg3[%add3A_50, %dma_wait3A_95] : memref<5120x128xi32, #tpu.memory_space<hbm>> -> memref<80x128xi32, #tpu.memory_space<hbm>>
      tpu.wait_dma2 semaphore(%run_scoped3A_88 : memref<!tpu.dma_semaphore, #tpu.memory_space<semaphore_mem>>) src(%dma_wait3A_96 : memref<80x128xi32, #tpu.memory_space<hbm>>) dst(%arg6 : memref<80x128xi32, #tpu.memory_space<vmem>>)
      tpu.yield
    }) : () -> ()
    %dma_start3A_51 = arith.constant 0 : i32
    %dma_start3A_52 = arith.constant 0 : i32
    %dma_start3A_53 = tpu.memref_slice %arg6[%dma_start3A_51, %dma_start3A_52] : memref<80x128xi32, #tpu.memory_space<vmem>> -> memref<1x128xi32, #tpu.memory_space<vmem>>
    %dma_start3A_54 = tpu.memref_squeeze %dma_start3A_53 : memref<1x128xi32, #tpu.memory_space<vmem>> -> memref<128xi32, #tpu.memory_space<vmem>>
    %dma_start3A_55 = arith.constant 0 : i32
    %dma_start3A_56 = arith.constant 0 : i32
    %dma_start3A_57 = tpu.memref_slice %arg2[%dma_start3A_55, %dma_start3A_56] : memref<10240x128xf32, #tpu.memory_space<hbm>> -> memref<10240x128xf32, #tpu.memory_space<hbm>>
    tpu.enqueue_indirect_dma source(%dma_start3A_57 : memref<10240x128xf32, #tpu.memory_space<hbm>>) target(%arg7 : memref<128x128xf32, #tpu.memory_space<vmem>>) offsets(%dma_start3A_54 : memref<128xi32, #tpu.memory_space<vmem>>) semaphore(%arg10 : memref<!tpu.dma_semaphore, #tpu.memory_space<semaphore_mem>>)
    %dma_start3A_58 = arith.constant 1 : i32
    %dma_start3A_59 = arith.constant 0 : i32
    %dma_start3A_60 = tpu.memref_slice %arg6[%dma_start3A_58, %dma_start3A_59] : memref<80x128xi32, #tpu.memory_space<vmem>> -> memref<1x128xi32, #tpu.memory_space<vmem>>
    %dma_start3A_61 = tpu.memref_squeeze %dma_start3A_60 : memref<1x128xi32, #tpu.memory_space<vmem>> -> memref<128xi32, #tpu.memory_space<vmem>>
    %dma_start3A_62 = arith.constant 0 : i32
    %dma_start3A_63 = arith.constant 0 : i32
    %dma_start3A_64 = tpu.memref_slice %arg2[%dma_start3A_62, %dma_start3A_63] : memref<10240x128xf32, #tpu.memory_space<hbm>> -> memref<10240x128xf32, #tpu.memory_space<hbm>>
    tpu.enqueue_indirect_dma source(%dma_start3A_64 : memref<10240x128xf32, #tpu.memory_space<hbm>>) target(%arg8 : memref<128x128xf32, #tpu.memory_space<vmem>>) offsets(%dma_start3A_61 : memref<128xi32, #tpu.memory_space<vmem>>) semaphore(%arg11 : memref<!tpu.dma_semaphore, #tpu.memory_space<semaphore_mem>>)
    %scan3A_65 = arith.constant 0 : i32
    %scan3A_66 = arith.constant 0 : i32
    %scan3A_67 = arith.constant 19 : i32
    %scan3A_68 = arith.addi %scan3A_66, %scan3A_67 : i32
    %scan3A_69 = arith.constant 1 : i32
    scf.for %scan3A_88 = %scan3A_66 to %scan3A_68 step %scan3A_69  : i32 {
      %mul3A_89 = arith.constant 2 : i32
      %mul3A_90 = arith.muli %mul3A_89, %scan3A_88 : i32
      %add3A_91 = arith.constant 1 : i32
      %add3A_92 = arith.addi %mul3A_90, %add3A_91 : i32
      %dma_wait3A_93 = arith.constant 0 : i32
      %dma_wait3A_94 = tpu.memref_slice %arg6[%mul3A_90, %dma_wait3A_93] : memref<80x128xi32, #tpu.memory_space<vmem>> -> memref<1x128xi32, #tpu.memory_space<vmem>>
      %dma_wait3A_95 = tpu.memref_squeeze %dma_wait3A_94 : memref<1x128xi32, #tpu.memory_space<vmem>> -> memref<128xi32, #tpu.memory_space<vmem>>
      %dma_wait3A_96 = arith.constant 0 : i32
      %dma_wait3A_97 = arith.constant 0 : i32
      %dma_wait3A_98 = tpu.memref_slice %arg2[%dma_wait3A_96, %dma_wait3A_97] : memref<10240x128xf32, #tpu.memory_space<hbm>> -> memref<10240x128xf32, #tpu.memory_space<hbm>>
      tpu.wait_indirect_dma semaphore(%arg10 : memref<!tpu.dma_semaphore, #tpu.memory_space<semaphore_mem>>) src(%dma_wait3A_98 : memref<10240x128xf32, #tpu.memory_space<hbm>>) dst(%arg7 : memref<128x128xf32, #tpu.memory_space<vmem>>)
      %add3A_99 = arith.constant 40 : i32
      %add3A_100 = arith.addi %add3A_99, %mul3A_90 : i32
      "tpu.region"() ({
        %run_scoped3A_125 = tpu.sem_alloc : memref<!tpu.dma_semaphore, #tpu.memory_space<semaphore_mem>>
        %dma_start3A_126 = arith.constant 0 : i32
        %dma_start3A_127 = tpu.memref_slice %arg6[%add3A_100, %dma_start3A_126] : memref<80x128xi32, #tpu.memory_space<vmem>> -> memref<1x128xi32, #tpu.memory_space<vmem>>
        %dma_start3A_128 = tpu.memref_squeeze %dma_start3A_127 : memref<1x128xi32, #tpu.memory_space<vmem>> -> memref<128xi32, #tpu.memory_space<vmem>>
        %dma_start3A_129 = arith.constant 0 : i32
        %dma_start3A_130 = arith.constant 0 : i32
        %dma_start3A_131 = tpu.memref_slice %arg9[%dma_start3A_129, %dma_start3A_130] : memref<10240x128xf32, #tpu.memory_space<vmem_shared>> -> memref<10240x128xf32, #tpu.memory_space<vmem_shared>>
        tpu.enqueue_indirect_dma source(%arg7 : memref<128x128xf32, #tpu.memory_space<vmem>>) target(%dma_start3A_131 : memref<10240x128xf32, #tpu.memory_space<vmem_shared>>) offsets(%dma_start3A_128 : memref<128xi32, #tpu.memory_space<vmem>>) semaphore(%run_scoped3A_125 : memref<!tpu.dma_semaphore, #tpu.memory_space<semaphore_mem>>) {add = true}
        %dma_wait3A_132 = arith.constant 0 : i32
        %dma_wait3A_133 = tpu.memref_slice %arg6[%add3A_100, %dma_wait3A_132] : memref<80x128xi32, #tpu.memory_space<vmem>> -> memref<1x128xi32, #tpu.memory_space<vmem>>
        %dma_wait3A_134 = tpu.memref_squeeze %dma_wait3A_133 : memref<1x128xi32, #tpu.memory_space<vmem>> -> memref<128xi32, #tpu.memory_space<vmem>>
        %dma_wait3A_135 = arith.constant 0 : i32
        %dma_wait3A_136 = arith.constant 0 : i32
        %dma_wait3A_137 = tpu.memref_slice %arg9[%dma_wait3A_135, %dma_wait3A_136] : memref<10240x128xf32, #tpu.memory_space<vmem_shared>> -> memref<10240x128xf32, #tpu.memory_space<vmem_shared>>
        tpu.wait_indirect_dma semaphore(%run_scoped3A_125 : memref<!tpu.dma_semaphore, #tpu.memory_space<semaphore_mem>>) src(%arg7 : memref<128x128xf32, #tpu.memory_space<vmem>>) dst(%dma_wait3A_137 : memref<10240x128xf32, #tpu.memory_space<vmem_shared>>)
        tpu.yield
      }) : () -> ()
      %add3A_101 = arith.constant 2 : i32
      %add3A_102 = arith.addi %mul3A_90, %add3A_101 : i32
      %dma_start3A_103 = arith.constant 0 : i32
      %dma_start3A_104 = tpu.memref_slice %arg6[%add3A_102, %dma_start3A_103] : memref<80x128xi32, #tpu.memory_space<vmem>> -> memref<1x128xi32, #tpu.memory_space<vmem>>
      %dma_start3A_105 = tpu.memref_squeeze %dma_start3A_104 : memref<1x128xi32, #tpu.memory_space<vmem>> -> memref<128xi32, #tpu.memory_space<vmem>>
      %dma_start3A_106 = arith.constant 0 : i32
      %dma_start3A_107 = arith.constant 0 : i32
      %dma_start3A_108 = tpu.memref_slice %arg2[%dma_start3A_106, %dma_start3A_107] : memref<10240x128xf32, #tpu.memory_space<hbm>> -> memref<10240x128xf32, #tpu.memory_space<hbm>>
      tpu.enqueue_indirect_dma source(%dma_start3A_108 : memref<10240x128xf32, #tpu.memory_space<hbm>>) target(%arg7 : memref<128x128xf32, #tpu.memory_space<vmem>>) offsets(%dma_start3A_105 : memref<128xi32, #tpu.memory_space<vmem>>) semaphore(%arg10 : memref<!tpu.dma_semaphore, #tpu.memory_space<semaphore_mem>>)
      %dma_wait3A_109 = arith.constant 0 : i32
      %dma_wait3A_110 = tpu.memref_slice %arg6[%add3A_92, %dma_wait3A_109] : memref<80x128xi32, #tpu.memory_space<vmem>> -> memref<1x128xi32, #tpu.memory_space<vmem>>
      %dma_wait3A_111 = tpu.memref_squeeze %dma_wait3A_110 : memref<1x128xi32, #tpu.memory_space<vmem>> -> memref<128xi32, #tpu.memory_space<vmem>>
      %dma_wait3A_112 = arith.constant 0 : i32
      %dma_wait3A_113 = arith.constant 0 : i32
      %dma_wait3A_114 = tpu.memref_slice %arg2[%dma_wait3A_112, %dma_wait3A_113] : memref<10240x128xf32, #tpu.memory_space<hbm>> -> memref<10240x128xf32, #tpu.memory_space<hbm>>
      tpu.wait_indirect_dma semaphore(%arg11 : memref<!tpu.dma_semaphore, #tpu.memory_space<semaphore_mem>>) src(%dma_wait3A_114 : memref<10240x128xf32, #tpu.memory_space<hbm>>) dst(%arg8 : memref<128x128xf32, #tpu.memory_space<vmem>>)
      %add3A_115 = arith.constant 40 : i32
      %add3A_116 = arith.addi %add3A_115, %add3A_92 : i32
      "tpu.region"() ({
        %run_scoped3A_125 = tpu.sem_alloc : memref<!tpu.dma_semaphore, #tpu.memory_space<semaphore_mem>>
        %dma_start3A_126 = arith.constant 0 : i32
        %dma_start3A_127 = tpu.memref_slice %arg6[%add3A_116, %dma_start3A_126] : memref<80x128xi32, #tpu.memory_space<vmem>> -> memref<1x128xi32, #tpu.memory_space<vmem>>
        %dma_start3A_128 = tpu.memref_squeeze %dma_start3A_127 : memref<1x128xi32, #tpu.memory_space<vmem>> -> memref<128xi32, #tpu.memory_space<vmem>>
        %dma_start3A_129 = arith.constant 0 : i32
        %dma_start3A_130 = arith.constant 0 : i32
        %dma_start3A_131 = tpu.memref_slice %arg9[%dma_start3A_129, %dma_start3A_130] : memref<10240x128xf32, #tpu.memory_space<vmem_shared>> -> memref<10240x128xf32, #tpu.memory_space<vmem_shared>>
        tpu.enqueue_indirect_dma source(%arg8 : memref<128x128xf32, #tpu.memory_space<vmem>>) target(%dma_start3A_131 : memref<10240x128xf32, #tpu.memory_space<vmem_shared>>) offsets(%dma_start3A_128 : memref<128xi32, #tpu.memory_space<vmem>>) semaphore(%run_scoped3A_125 : memref<!tpu.dma_semaphore, #tpu.memory_space<semaphore_mem>>) {add = true}
        %dma_wait3A_132 = arith.constant 0 : i32
        %dma_wait3A_133 = tpu.memref_slice %arg6[%add3A_116, %dma_wait3A_132] : memref<80x128xi32, #tpu.memory_space<vmem>> -> memref<1x128xi32, #tpu.memory_space<vmem>>
        %dma_wait3A_134 = tpu.memref_squeeze %dma_wait3A_133 : memref<1x128xi32, #tpu.memory_space<vmem>> -> memref<128xi32, #tpu.memory_space<vmem>>
        %dma_wait3A_135 = arith.constant 0 : i32
        %dma_wait3A_136 = arith.constant 0 : i32
        %dma_wait3A_137 = tpu.memref_slice %arg9[%dma_wait3A_135, %dma_wait3A_136] : memref<10240x128xf32, #tpu.memory_space<vmem_shared>> -> memref<10240x128xf32, #tpu.memory_space<vmem_shared>>
        tpu.wait_indirect_dma semaphore(%run_scoped3A_125 : memref<!tpu.dma_semaphore, #tpu.memory_space<semaphore_mem>>) src(%arg8 : memref<128x128xf32, #tpu.memory_space<vmem>>) dst(%dma_wait3A_137 : memref<10240x128xf32, #tpu.memory_space<vmem_shared>>)
        tpu.yield
      }) : () -> ()
      %add3A_117 = arith.constant 2 : i32
      %add3A_118 = arith.addi %add3A_92, %add3A_117 : i32
      %dma_start3A_119 = arith.constant 0 : i32
      %dma_start3A_120 = tpu.memref_slice %arg6[%add3A_118, %dma_start3A_119] : memref<80x128xi32, #tpu.memory_space<vmem>> -> memref<1x128xi32, #tpu.memory_space<vmem>>
      %dma_start3A_121 = tpu.memref_squeeze %dma_start3A_120 : memref<1x128xi32, #tpu.memory_space<vmem>> -> memref<128xi32, #tpu.memory_space<vmem>>
      %dma_start3A_122 = arith.constant 0 : i32
      %dma_start3A_123 = arith.constant 0 : i32
      %dma_start3A_124 = tpu.memref_slice %arg2[%dma_start3A_122, %dma_start3A_123] : memref<10240x128xf32, #tpu.memory_space<hbm>> -> memref<10240x128xf32, #tpu.memory_space<hbm>>
      tpu.enqueue_indirect_dma source(%dma_start3A_124 : memref<10240x128xf32, #tpu.memory_space<hbm>>) target(%arg8 : memref<128x128xf32, #tpu.memory_space<vmem>>) offsets(%dma_start3A_121 : memref<128xi32, #tpu.memory_space<vmem>>) semaphore(%arg11 : memref<!tpu.dma_semaphore, #tpu.memory_space<semaphore_mem>>)
    }
    %scan3A_70 = arith.constant 19 : i32
    %dma_wait3A_71 = arith.constant 38 : i32
    %dma_wait3A_72 = arith.constant 0 : i32
    %dma_wait3A_73 = tpu.memref_slice %arg6[%dma_wait3A_71, %dma_wait3A_72] : memref<80x128xi32, #tpu.memory_space<vmem>> -> memref<1x128xi32, #tpu.memory_space<vmem>>
    %dma_wait3A_74 = tpu.memref_squeeze %dma_wait3A_73 : memref<1x128xi32, #tpu.memory_space<vmem>> -> memref<128xi32, #tpu.memory_space<vmem>>
    %dma_wait3A_75 = arith.constant 0 : i32
    %dma_wait3A_76 = arith.constant 0 : i32
    %dma_wait3A_77 = tpu.memref_slice %arg2[%dma_wait3A_75, %dma_wait3A_76] : memref<10240x128xf32, #tpu.memory_space<hbm>> -> memref<10240x128xf32, #tpu.memory_space<hbm>>
    tpu.wait_indirect_dma semaphore(%arg10 : memref<!tpu.dma_semaphore, #tpu.memory_space<semaphore_mem>>) src(%dma_wait3A_77 : memref<10240x128xf32, #tpu.memory_space<hbm>>) dst(%arg7 : memref<128x128xf32, #tpu.memory_space<vmem>>)
    %run_scoped3A_78 = arith.constant 78 : i32
    "tpu.region"() ({
      %run_scoped3A_88 = tpu.sem_alloc : memref<!tpu.dma_semaphore, #tpu.memory_space<semaphore_mem>>
      %dma_start3A_89 = arith.constant 0 : i32
      %dma_start3A_90 = tpu.memref_slice %arg6[%run_scoped3A_78, %dma_start3A_89] : memref<80x128xi32, #tpu.memory_space<vmem>> -> memref<1x128xi32, #tpu.memory_space<vmem>>
      %dma_start3A_91 = tpu.memref_squeeze %dma_start3A_90 : memref<1x128xi32, #tpu.memory_space<vmem>> -> memref<128xi32, #tpu.memory_space<vmem>>
      %dma_start3A_92 = arith.constant 0 : i32
      %dma_start3A_93 = arith.constant 0 : i32
      %dma_start3A_94 = tpu.memref_slice %arg9[%dma_start3A_92, %dma_start3A_93] : memref<10240x128xf32, #tpu.memory_space<vmem_shared>> -> memref<10240x128xf32, #tpu.memory_space<vmem_shared>>
      tpu.enqueue_indirect_dma source(%arg7 : memref<128x128xf32, #tpu.memory_space<vmem>>) target(%dma_start3A_94 : memref<10240x128xf32, #tpu.memory_space<vmem_shared>>) offsets(%dma_start3A_91 : memref<128xi32, #tpu.memory_space<vmem>>) semaphore(%run_scoped3A_88 : memref<!tpu.dma_semaphore, #tpu.memory_space<semaphore_mem>>) {add = true}
      %dma_wait3A_95 = arith.constant 0 : i32
      %dma_wait3A_96 = tpu.memref_slice %arg6[%run_scoped3A_78, %dma_wait3A_95] : memref<80x128xi32, #tpu.memory_space<vmem>> -> memref<1x128xi32, #tpu.memory_space<vmem>>
      %dma_wait3A_97 = tpu.memref_squeeze %dma_wait3A_96 : memref<1x128xi32, #tpu.memory_space<vmem>> -> memref<128xi32, #tpu.memory_space<vmem>>
      %dma_wait3A_98 = arith.constant 0 : i32
      %dma_wait3A_99 = arith.constant 0 : i32
      %dma_wait3A_100 = tpu.memref_slice %arg9[%dma_wait3A_98, %dma_wait3A_99] : memref<10240x128xf32, #tpu.memory_space<vmem_shared>> -> memref<10240x128xf32, #tpu.memory_space<vmem_shared>>
      tpu.wait_indirect_dma semaphore(%run_scoped3A_88 : memref<!tpu.dma_semaphore, #tpu.memory_space<semaphore_mem>>) src(%arg7 : memref<128x128xf32, #tpu.memory_space<vmem>>) dst(%dma_wait3A_100 : memref<10240x128xf32, #tpu.memory_space<vmem_shared>>)
      tpu.yield
    }) : () -> ()
    %dma_wait3A_79 = arith.constant 39 : i32
    %dma_wait3A_80 = arith.constant 0 : i32
    %dma_wait3A_81 = tpu.memref_slice %arg6[%dma_wait3A_79, %dma_wait3A_80] : memref<80x128xi32, #tpu.memory_space<vmem>> -> memref<1x128xi32, #tpu.memory_space<vmem>>
    %dma_wait3A_82 = tpu.memref_squeeze %dma_wait3A_81 : memref<1x128xi32, #tpu.memory_space<vmem>> -> memref<128xi32, #tpu.memory_space<vmem>>
    %dma_wait3A_83 = arith.constant 0 : i32
    %dma_wait3A_84 = arith.constant 0 : i32
    %dma_wait3A_85 = tpu.memref_slice %arg2[%dma_wait3A_83, %dma_wait3A_84] : memref<10240x128xf32, #tpu.memory_space<hbm>> -> memref<10240x128xf32, #tpu.memory_space<hbm>>
    tpu.wait_indirect_dma semaphore(%arg11 : memref<!tpu.dma_semaphore, #tpu.memory_space<semaphore_mem>>) src(%dma_wait3A_85 : memref<10240x128xf32, #tpu.memory_space<hbm>>) dst(%arg8 : memref<128x128xf32, #tpu.memory_space<vmem>>)
    %run_scoped3A_86 = arith.constant 79 : i32
    "tpu.region"() ({
      %run_scoped3A_88 = tpu.sem_alloc : memref<!tpu.dma_semaphore, #tpu.memory_space<semaphore_mem>>
      %dma_start3A_89 = arith.constant 0 : i32
      %dma_start3A_90 = tpu.memref_slice %arg6[%run_scoped3A_86, %dma_start3A_89] : memref<80x128xi32, #tpu.memory_space<vmem>> -> memref<1x128xi32, #tpu.memory_space<vmem>>
      %dma_start3A_91 = tpu.memref_squeeze %dma_start3A_90 : memref<1x128xi32, #tpu.memory_space<vmem>> -> memref<128xi32, #tpu.memory_space<vmem>>
      %dma_start3A_92 = arith.constant 0 : i32
      %dma_start3A_93 = arith.constant 0 : i32
      %dma_start3A_94 = tpu.memref_slice %arg9[%dma_start3A_92, %dma_start3A_93] : memref<10240x128xf32, #tpu.memory_space<vmem_shared>> -> memref<10240x128xf32, #tpu.memory_space<vmem_shared>>
      tpu.enqueue_indirect_dma source(%arg8 : memref<128x128xf32, #tpu.memory_space<vmem>>) target(%dma_start3A_94 : memref<10240x128xf32, #tpu.memory_space<vmem_shared>>) offsets(%dma_start3A_91 : memref<128xi32, #tpu.memory_space<vmem>>) semaphore(%run_scoped3A_88 : memref<!tpu.dma_semaphore, #tpu.memory_space<semaphore_mem>>) {add = true}
      %dma_wait3A_95 = arith.constant 0 : i32
      %dma_wait3A_96 = tpu.memref_slice %arg6[%run_scoped3A_86, %dma_wait3A_95] : memref<80x128xi32, #tpu.memory_space<vmem>> -> memref<1x128xi32, #tpu.memory_space<vmem>>
      %dma_wait3A_97 = tpu.memref_squeeze %dma_wait3A_96 : memref<1x128xi32, #tpu.memory_space<vmem>> -> memref<128xi32, #tpu.memory_space<vmem>>
      %dma_wait3A_98 = arith.constant 0 : i32
      %dma_wait3A_99 = arith.constant 0 : i32
      %dma_wait3A_100 = tpu.memref_slice %arg9[%dma_wait3A_98, %dma_wait3A_99] : memref<10240x128xf32, #tpu.memory_space<vmem_shared>> -> memref<10240x128xf32, #tpu.memory_space<vmem_shared>>
      tpu.wait_indirect_dma semaphore(%run_scoped3A_88 : memref<!tpu.dma_semaphore, #tpu.memory_space<semaphore_mem>>) src(%arg8 : memref<128x128xf32, #tpu.memory_space<vmem>>) dst(%dma_wait3A_100 : memref<10240x128xf32, #tpu.memory_space<vmem_shared>>)
      tpu.yield
    }) : () -> ()
    %barrier3A_87 = arith.constant 0 : index
    tpu.barrier barrier_id(%barrier3A_87)
    "tpu.region"() ({
      %run_scoped3A_88 = tpu.sem_alloc : memref<!tpu.dma_semaphore, #tpu.memory_space<semaphore_mem>>
      %dma_start3A_89 = arith.constant 0 : i32
      %dma_start3A_90 = tpu.memref_slice %arg5[%arg0, %mul3A_2, %dma_start3A_89] : memref<2x10240x128xf32, #tpu.memory_space<hbm>> -> memref<1x640x128xf32, #tpu.memory_space<hbm>>
      %dma_start3A_91 = tpu.memref_squeeze %dma_start3A_90 : memref<1x640x128xf32, #tpu.memory_space<hbm>> -> memref<640x128xf32, #tpu.memory_space<hbm>>
      %dma_start3A_92 = arith.constant 0 : i32
      %dma_start3A_93 = tpu.memref_slice %arg9[%mul3A_2, %dma_start3A_92] : memref<10240x128xf32, #tpu.memory_space<vmem_shared>> -> memref<640x128xf32, #tpu.memory_space<vmem_shared>>
      tpu.enqueue_dma source(%dma_start3A_93 : memref<640x128xf32, #tpu.memory_space<vmem_shared>>) target(%dma_start3A_91 : memref<640x128xf32, #tpu.memory_space<hbm>>) target_semaphore(%run_scoped3A_88 : memref<!tpu.dma_semaphore, #tpu.memory_space<semaphore_mem>>)
      %dma_wait3A_94 = arith.constant 0 : i32
      %dma_wait3A_95 = tpu.memref_slice %arg5[%arg0, %mul3A_2, %dma_wait3A_94] : memref<2x10240x128xf32, #tpu.memory_space<hbm>> -> memref<1x640x128xf32, #tpu.memory_space<hbm>>
      %dma_wait3A_96 = tpu.memref_squeeze %dma_wait3A_95 : memref<1x640x128xf32, #tpu.memory_space<hbm>> -> memref<640x128xf32, #tpu.memory_space<hbm>>
      %dma_wait3A_97 = arith.constant 0 : i32
      %dma_wait3A_98 = tpu.memref_slice %arg9[%mul3A_2, %dma_wait3A_97] : memref<10240x128xf32, #tpu.memory_space<vmem_shared>> -> memref<640x128xf32, #tpu.memory_space<vmem_shared>>
      tpu.wait_dma2 semaphore(%run_scoped3A_88 : memref<!tpu.dma_semaphore, #tpu.memory_space<semaphore_mem>>) src(%dma_wait3A_98 : memref<640x128xf32, #tpu.memory_space<vmem_shared>>) dst(%dma_wait3A_96 : memref<640x128xf32, #tpu.memory_space<hbm>>)
      tpu.yield
    }) : () -> ()
    return
  }
}

#map = affine_map<(d0, d1) -> (0, 0)>
#map1 = affine_map<(d0, d1) -> (0, 0, 0)>
module attributes {stable_mosaic.version = 14 : i64} {
  func.func @_sc_agg(%arg0: i32, %arg1: i32, %arg2: memref<10240x128xf32, #tpu.memory_space<hbm>>, %arg3: memref<5120x128xi32, #tpu.memory_space<hbm>>, %arg4: memref<640x128xf32, #tpu.memory_space<hbm>>, %arg5: memref<2x10240x128xf32, #tpu.memory_space<hbm>>, %arg6: memref<80x128xi32, #tpu.memory_space<vmem>>, %arg7: memref<128x128xf32, #tpu.memory_space<vmem>>, %arg8: memref<128x128xf32, #tpu.memory_space<vmem>>, %arg9: memref<10240x128xf32, #tpu.memory_space<vmem_shared>>, %arg10: memref<!tpu.dma_semaphore, #tpu.memory_space<semaphore_mem>>, %arg11: memref<!tpu.dma_semaphore, #tpu.memory_space<semaphore_mem>>) attributes {dimension_semantics = [#tpu.dimension_semantics<core_parallel>, #tpu.dimension_semantics<subcore_parallel>], iteration_bounds = array<i64: 2, 16>, scalar_prefetch = 0 : i64, scratch_operands = 6 : i64, tpu.core_type = #tpu.core_type<sc_vector_subcore>, window_params = [{transform_indices = #map}, {transform_indices = #map}, {transform_indices = #map}, {transform_indices = #map1}]} {
    %mul3A = arith.constant 16 : i32
    %mul3A_0 = arith.muli %arg0, %mul3A : i32
    %add3A = arith.addi %mul3A_0, %arg1 : i32
    %mul3A_1 = arith.constant 640 : i32
    %mul3A_2 = arith.muli %arg1, %mul3A_1 : i32
    %mul3A_3 = arith.constant 2 : i32
    %mul3A_4 = arith.muli %add3A, %mul3A_3 : i32
    %mul3A_5 = arith.constant 2 : i32
    %mul3A_6 = arith.muli %mul3A_4, %mul3A_5 : i32
    %mul3A_7 = arith.constant 40 : i32
    %mul3A_8 = arith.muli %mul3A_6, %mul3A_7 : i32
    %add3A_9 = arith.constant 0 : i32
    %add3A_10 = arith.addi %mul3A_8, %add3A_9 : i32
    "tpu.region"() ({
      %run_scoped3A_88 = tpu.sem_alloc : memref<!tpu.dma_semaphore, #tpu.memory_space<semaphore_mem>>
      %dma_start3A_89 = arith.constant 0 : i32
      %dma_start3A_90 = tpu.memref_slice %arg3[%add3A_10, %dma_start3A_89] : memref<5120x128xi32, #tpu.memory_space<hbm>> -> memref<80x128xi32, #tpu.memory_space<hbm>>
      %dma_start3A_91 = arith.constant 0 : i32
      %dma_start3A_92 = tpu.memref_slice %arg3[%add3A_10, %dma_start3A_91] : memref<5120x128xi32, #tpu.memory_space<hbm>> -> memref<80x128xi32, #tpu.memory_space<hbm>>
      tpu.enqueue_dma source(%dma_start3A_92 : memref<80x128xi32, #tpu.memory_space<hbm>>) target(%arg6 : memref<80x128xi32, #tpu.memory_space<vmem>>) target_semaphore(%run_scoped3A_88 : memref<!tpu.dma_semaphore, #tpu.memory_space<semaphore_mem>>)
      %dma_wait3A_93 = arith.constant 0 : i32
      %dma_wait3A_94 = tpu.memref_slice %arg3[%add3A_10, %dma_wait3A_93] : memref<5120x128xi32, #tpu.memory_space<hbm>> -> memref<80x128xi32, #tpu.memory_space<hbm>>
      %dma_wait3A_95 = arith.constant 0 : i32
      %dma_wait3A_96 = tpu.memref_slice %arg3[%add3A_10, %dma_wait3A_95] : memref<5120x128xi32, #tpu.memory_space<hbm>> -> memref<80x128xi32, #tpu.memory_space<hbm>>
      tpu.wait_dma2 semaphore(%run_scoped3A_88 : memref<!tpu.dma_semaphore, #tpu.memory_space<semaphore_mem>>) src(%dma_wait3A_96 : memref<80x128xi32, #tpu.memory_space<hbm>>) dst(%arg6 : memref<80x128xi32, #tpu.memory_space<vmem>>)
      tpu.yield
    }) : () -> ()
    %dma_start3A = arith.constant 0 : i32
    %dma_start3A_11 = arith.constant 0 : i32
    %dma_start3A_12 = tpu.memref_slice %arg6[%dma_start3A, %dma_start3A_11] : memref<80x128xi32, #tpu.memory_space<vmem>> -> memref<1x128xi32, #tpu.memory_space<vmem>>
    %dma_start3A_13 = tpu.memref_squeeze %dma_start3A_12 : memref<1x128xi32, #tpu.memory_space<vmem>> -> memref<128xi32, #tpu.memory_space<vmem>>
    %dma_start3A_14 = arith.constant 0 : i32
    %dma_start3A_15 = arith.constant 0 : i32
    %dma_start3A_16 = tpu.memref_slice %arg2[%dma_start3A_14, %dma_start3A_15] : memref<10240x128xf32, #tpu.memory_space<hbm>> -> memref<10240x128xf32, #tpu.memory_space<hbm>>
    tpu.enqueue_indirect_dma source(%dma_start3A_16 : memref<10240x128xf32, #tpu.memory_space<hbm>>) target(%arg7 : memref<128x128xf32, #tpu.memory_space<vmem>>) offsets(%dma_start3A_13 : memref<128xi32, #tpu.memory_space<vmem>>) semaphore(%arg10 : memref<!tpu.dma_semaphore, #tpu.memory_space<semaphore_mem>>)
    %dma_start3A_17 = arith.constant 1 : i32
    %dma_start3A_18 = arith.constant 0 : i32
    %dma_start3A_19 = tpu.memref_slice %arg6[%dma_start3A_17, %dma_start3A_18] : memref<80x128xi32, #tpu.memory_space<vmem>> -> memref<1x128xi32, #tpu.memory_space<vmem>>
    %dma_start3A_20 = tpu.memref_squeeze %dma_start3A_19 : memref<1x128xi32, #tpu.memory_space<vmem>> -> memref<128xi32, #tpu.memory_space<vmem>>
    %dma_start3A_21 = arith.constant 0 : i32
    %dma_start3A_22 = arith.constant 0 : i32
    %dma_start3A_23 = tpu.memref_slice %arg2[%dma_start3A_21, %dma_start3A_22] : memref<10240x128xf32, #tpu.memory_space<hbm>> -> memref<10240x128xf32, #tpu.memory_space<hbm>>
    tpu.enqueue_indirect_dma source(%dma_start3A_23 : memref<10240x128xf32, #tpu.memory_space<hbm>>) target(%arg8 : memref<128x128xf32, #tpu.memory_space<vmem>>) offsets(%dma_start3A_20 : memref<128xi32, #tpu.memory_space<vmem>>) semaphore(%arg11 : memref<!tpu.dma_semaphore, #tpu.memory_space<semaphore_mem>>)
    %eq3A = arith.constant 0 : i32
    %eq3A_24 = arith.cmpi eq, %arg0, %eq3A : i32
    %convert_element_type3A = arith.extui %eq3A_24 : i1 to i32
    %cond3A = arith.constant 0 : i32
    %cond3A_25 = arith.cmpi ne, %convert_element_type3A, %cond3A : i32
    scf.if %cond3A_25 {
      "tpu.region"() ({
        %run_scoped3A_88 = tpu.sem_alloc : memref<!tpu.dma_semaphore, #tpu.memory_space<semaphore_mem>>
        %dma_start3A_89 = arith.constant 0 : i32
        %dma_start3A_90 = tpu.memref_slice %arg9[%mul3A_2, %dma_start3A_89] : memref<10240x128xf32, #tpu.memory_space<vmem_shared>> -> memref<640x128xf32, #tpu.memory_space<vmem_shared>>
        %dma_start3A_91 = arith.constant 0 : i32
        %dma_start3A_92 = tpu.memref_slice %arg2[%mul3A_2, %dma_start3A_91] : memref<10240x128xf32, #tpu.memory_space<hbm>> -> memref<640x128xf32, #tpu.memory_space<hbm>>
        tpu.enqueue_dma source(%dma_start3A_92 : memref<640x128xf32, #tpu.memory_space<hbm>>) target(%dma_start3A_90 : memref<640x128xf32, #tpu.memory_space<vmem_shared>>) target_semaphore(%run_scoped3A_88 : memref<!tpu.dma_semaphore, #tpu.memory_space<semaphore_mem>>)
        %dma_wait3A_93 = arith.constant 0 : i32
        %dma_wait3A_94 = tpu.memref_slice %arg9[%mul3A_2, %dma_wait3A_93] : memref<10240x128xf32, #tpu.memory_space<vmem_shared>> -> memref<640x128xf32, #tpu.memory_space<vmem_shared>>
        %dma_wait3A_95 = arith.constant 0 : i32
        %dma_wait3A_96 = tpu.memref_slice %arg2[%mul3A_2, %dma_wait3A_95] : memref<10240x128xf32, #tpu.memory_space<hbm>> -> memref<640x128xf32, #tpu.memory_space<hbm>>
        tpu.wait_dma2 semaphore(%run_scoped3A_88 : memref<!tpu.dma_semaphore, #tpu.memory_space<semaphore_mem>>) src(%dma_wait3A_96 : memref<640x128xf32, #tpu.memory_space<hbm>>) dst(%dma_wait3A_94 : memref<640x128xf32, #tpu.memory_space<vmem_shared>>)
        tpu.yield
      }) : () -> ()
    } else {
    }
    %ne3A = arith.constant 0 : i32
    %ne3A_26 = arith.cmpi ne, %arg0, %ne3A : i32
    %convert_element_type3A_27 = arith.extui %ne3A_26 : i1 to i32
    %cond3A_28 = arith.constant 0 : i32
    %cond3A_29 = arith.cmpi ne, %convert_element_type3A_27, %cond3A_28 : i32
    scf.if %cond3A_29 {
      "tpu.region"() ({
        %run_scoped3A_88 = tpu.sem_alloc : memref<!tpu.dma_semaphore, #tpu.memory_space<semaphore_mem>>
        %dma_start3A_89 = arith.constant 0 : i32
        %dma_start3A_90 = tpu.memref_slice %arg9[%mul3A_2, %dma_start3A_89] : memref<10240x128xf32, #tpu.memory_space<vmem_shared>> -> memref<640x128xf32, #tpu.memory_space<vmem_shared>>
        tpu.enqueue_dma source(%arg4 : memref<640x128xf32, #tpu.memory_space<hbm>>) target(%dma_start3A_90 : memref<640x128xf32, #tpu.memory_space<vmem_shared>>) target_semaphore(%run_scoped3A_88 : memref<!tpu.dma_semaphore, #tpu.memory_space<semaphore_mem>>)
        %dma_wait3A_91 = arith.constant 0 : i32
        %dma_wait3A_92 = tpu.memref_slice %arg9[%mul3A_2, %dma_wait3A_91] : memref<10240x128xf32, #tpu.memory_space<vmem_shared>> -> memref<640x128xf32, #tpu.memory_space<vmem_shared>>
        tpu.wait_dma2 semaphore(%run_scoped3A_88 : memref<!tpu.dma_semaphore, #tpu.memory_space<semaphore_mem>>) src(%arg4 : memref<640x128xf32, #tpu.memory_space<hbm>>) dst(%dma_wait3A_92 : memref<640x128xf32, #tpu.memory_space<vmem_shared>>)
        tpu.yield
      }) : () -> ()
    } else {
    }
    %barrier3A = arith.constant 0 : index
    tpu.barrier barrier_id(%barrier3A)
    %scan3A = arith.constant 0 : i32
    %scan3A_30 = arith.constant 0 : i32
    %scan3A_31 = arith.constant 19 : i32
    %scan3A_32 = arith.addi %scan3A_30, %scan3A_31 : i32
    %scan3A_33 = arith.constant 1 : i32
    scf.for %scan3A_88 = %scan3A_30 to %scan3A_32 step %scan3A_33  : i32 {
      %mul3A_89 = arith.constant 2 : i32
      %mul3A_90 = arith.muli %mul3A_89, %scan3A_88 : i32
      %add3A_91 = arith.constant 1 : i32
      %add3A_92 = arith.addi %mul3A_90, %add3A_91 : i32
      %dma_wait3A_93 = arith.constant 0 : i32
      %dma_wait3A_94 = tpu.memref_slice %arg6[%mul3A_90, %dma_wait3A_93] : memref<80x128xi32, #tpu.memory_space<vmem>> -> memref<1x128xi32, #tpu.memory_space<vmem>>
      %dma_wait3A_95 = tpu.memref_squeeze %dma_wait3A_94 : memref<1x128xi32, #tpu.memory_space<vmem>> -> memref<128xi32, #tpu.memory_space<vmem>>
      %dma_wait3A_96 = arith.constant 0 : i32
      %dma_wait3A_97 = arith.constant 0 : i32
      %dma_wait3A_98 = tpu.memref_slice %arg2[%dma_wait3A_96, %dma_wait3A_97] : memref<10240x128xf32, #tpu.memory_space<hbm>> -> memref<10240x128xf32, #tpu.memory_space<hbm>>
      tpu.wait_indirect_dma semaphore(%arg10 : memref<!tpu.dma_semaphore, #tpu.memory_space<semaphore_mem>>) src(%dma_wait3A_98 : memref<10240x128xf32, #tpu.memory_space<hbm>>) dst(%arg7 : memref<128x128xf32, #tpu.memory_space<vmem>>)
      %add3A_99 = arith.constant 40 : i32
      %add3A_100 = arith.addi %add3A_99, %mul3A_90 : i32
      "tpu.region"() ({
        %run_scoped3A_125 = tpu.sem_alloc : memref<!tpu.dma_semaphore, #tpu.memory_space<semaphore_mem>>
        %dma_start3A_126 = arith.constant 0 : i32
        %dma_start3A_127 = tpu.memref_slice %arg6[%add3A_100, %dma_start3A_126] : memref<80x128xi32, #tpu.memory_space<vmem>> -> memref<1x128xi32, #tpu.memory_space<vmem>>
        %dma_start3A_128 = tpu.memref_squeeze %dma_start3A_127 : memref<1x128xi32, #tpu.memory_space<vmem>> -> memref<128xi32, #tpu.memory_space<vmem>>
        %dma_start3A_129 = arith.constant 0 : i32
        %dma_start3A_130 = arith.constant 0 : i32
        %dma_start3A_131 = tpu.memref_slice %arg9[%dma_start3A_129, %dma_start3A_130] : memref<10240x128xf32, #tpu.memory_space<vmem_shared>> -> memref<10240x128xf32, #tpu.memory_space<vmem_shared>>
        tpu.enqueue_indirect_dma source(%arg7 : memref<128x128xf32, #tpu.memory_space<vmem>>) target(%dma_start3A_131 : memref<10240x128xf32, #tpu.memory_space<vmem_shared>>) offsets(%dma_start3A_128 : memref<128xi32, #tpu.memory_space<vmem>>) semaphore(%run_scoped3A_125 : memref<!tpu.dma_semaphore, #tpu.memory_space<semaphore_mem>>) {add = true}
        %dma_wait3A_132 = arith.constant 0 : i32
        %dma_wait3A_133 = tpu.memref_slice %arg6[%add3A_100, %dma_wait3A_132] : memref<80x128xi32, #tpu.memory_space<vmem>> -> memref<1x128xi32, #tpu.memory_space<vmem>>
        %dma_wait3A_134 = tpu.memref_squeeze %dma_wait3A_133 : memref<1x128xi32, #tpu.memory_space<vmem>> -> memref<128xi32, #tpu.memory_space<vmem>>
        %dma_wait3A_135 = arith.constant 0 : i32
        %dma_wait3A_136 = arith.constant 0 : i32
        %dma_wait3A_137 = tpu.memref_slice %arg9[%dma_wait3A_135, %dma_wait3A_136] : memref<10240x128xf32, #tpu.memory_space<vmem_shared>> -> memref<10240x128xf32, #tpu.memory_space<vmem_shared>>
        tpu.wait_indirect_dma semaphore(%run_scoped3A_125 : memref<!tpu.dma_semaphore, #tpu.memory_space<semaphore_mem>>) src(%arg7 : memref<128x128xf32, #tpu.memory_space<vmem>>) dst(%dma_wait3A_137 : memref<10240x128xf32, #tpu.memory_space<vmem_shared>>)
        tpu.yield
      }) : () -> ()
      %add3A_101 = arith.constant 2 : i32
      %add3A_102 = arith.addi %mul3A_90, %add3A_101 : i32
      %dma_start3A_103 = arith.constant 0 : i32
      %dma_start3A_104 = tpu.memref_slice %arg6[%add3A_102, %dma_start3A_103] : memref<80x128xi32, #tpu.memory_space<vmem>> -> memref<1x128xi32, #tpu.memory_space<vmem>>
      %dma_start3A_105 = tpu.memref_squeeze %dma_start3A_104 : memref<1x128xi32, #tpu.memory_space<vmem>> -> memref<128xi32, #tpu.memory_space<vmem>>
      %dma_start3A_106 = arith.constant 0 : i32
      %dma_start3A_107 = arith.constant 0 : i32
      %dma_start3A_108 = tpu.memref_slice %arg2[%dma_start3A_106, %dma_start3A_107] : memref<10240x128xf32, #tpu.memory_space<hbm>> -> memref<10240x128xf32, #tpu.memory_space<hbm>>
      tpu.enqueue_indirect_dma source(%dma_start3A_108 : memref<10240x128xf32, #tpu.memory_space<hbm>>) target(%arg7 : memref<128x128xf32, #tpu.memory_space<vmem>>) offsets(%dma_start3A_105 : memref<128xi32, #tpu.memory_space<vmem>>) semaphore(%arg10 : memref<!tpu.dma_semaphore, #tpu.memory_space<semaphore_mem>>)
      %dma_wait3A_109 = arith.constant 0 : i32
      %dma_wait3A_110 = tpu.memref_slice %arg6[%add3A_92, %dma_wait3A_109] : memref<80x128xi32, #tpu.memory_space<vmem>> -> memref<1x128xi32, #tpu.memory_space<vmem>>
      %dma_wait3A_111 = tpu.memref_squeeze %dma_wait3A_110 : memref<1x128xi32, #tpu.memory_space<vmem>> -> memref<128xi32, #tpu.memory_space<vmem>>
      %dma_wait3A_112 = arith.constant 0 : i32
      %dma_wait3A_113 = arith.constant 0 : i32
      %dma_wait3A_114 = tpu.memref_slice %arg2[%dma_wait3A_112, %dma_wait3A_113] : memref<10240x128xf32, #tpu.memory_space<hbm>> -> memref<10240x128xf32, #tpu.memory_space<hbm>>
      tpu.wait_indirect_dma semaphore(%arg11 : memref<!tpu.dma_semaphore, #tpu.memory_space<semaphore_mem>>) src(%dma_wait3A_114 : memref<10240x128xf32, #tpu.memory_space<hbm>>) dst(%arg8 : memref<128x128xf32, #tpu.memory_space<vmem>>)
      %add3A_115 = arith.constant 40 : i32
      %add3A_116 = arith.addi %add3A_115, %add3A_92 : i32
      "tpu.region"() ({
        %run_scoped3A_125 = tpu.sem_alloc : memref<!tpu.dma_semaphore, #tpu.memory_space<semaphore_mem>>
        %dma_start3A_126 = arith.constant 0 : i32
        %dma_start3A_127 = tpu.memref_slice %arg6[%add3A_116, %dma_start3A_126] : memref<80x128xi32, #tpu.memory_space<vmem>> -> memref<1x128xi32, #tpu.memory_space<vmem>>
        %dma_start3A_128 = tpu.memref_squeeze %dma_start3A_127 : memref<1x128xi32, #tpu.memory_space<vmem>> -> memref<128xi32, #tpu.memory_space<vmem>>
        %dma_start3A_129 = arith.constant 0 : i32
        %dma_start3A_130 = arith.constant 0 : i32
        %dma_start3A_131 = tpu.memref_slice %arg9[%dma_start3A_129, %dma_start3A_130] : memref<10240x128xf32, #tpu.memory_space<vmem_shared>> -> memref<10240x128xf32, #tpu.memory_space<vmem_shared>>
        tpu.enqueue_indirect_dma source(%arg8 : memref<128x128xf32, #tpu.memory_space<vmem>>) target(%dma_start3A_131 : memref<10240x128xf32, #tpu.memory_space<vmem_shared>>) offsets(%dma_start3A_128 : memref<128xi32, #tpu.memory_space<vmem>>) semaphore(%run_scoped3A_125 : memref<!tpu.dma_semaphore, #tpu.memory_space<semaphore_mem>>) {add = true}
        %dma_wait3A_132 = arith.constant 0 : i32
        %dma_wait3A_133 = tpu.memref_slice %arg6[%add3A_116, %dma_wait3A_132] : memref<80x128xi32, #tpu.memory_space<vmem>> -> memref<1x128xi32, #tpu.memory_space<vmem>>
        %dma_wait3A_134 = tpu.memref_squeeze %dma_wait3A_133 : memref<1x128xi32, #tpu.memory_space<vmem>> -> memref<128xi32, #tpu.memory_space<vmem>>
        %dma_wait3A_135 = arith.constant 0 : i32
        %dma_wait3A_136 = arith.constant 0 : i32
        %dma_wait3A_137 = tpu.memref_slice %arg9[%dma_wait3A_135, %dma_wait3A_136] : memref<10240x128xf32, #tpu.memory_space<vmem_shared>> -> memref<10240x128xf32, #tpu.memory_space<vmem_shared>>
        tpu.wait_indirect_dma semaphore(%run_scoped3A_125 : memref<!tpu.dma_semaphore, #tpu.memory_space<semaphore_mem>>) src(%arg8 : memref<128x128xf32, #tpu.memory_space<vmem>>) dst(%dma_wait3A_137 : memref<10240x128xf32, #tpu.memory_space<vmem_shared>>)
        tpu.yield
      }) : () -> ()
      %add3A_117 = arith.constant 2 : i32
      %add3A_118 = arith.addi %add3A_92, %add3A_117 : i32
      %dma_start3A_119 = arith.constant 0 : i32
      %dma_start3A_120 = tpu.memref_slice %arg6[%add3A_118, %dma_start3A_119] : memref<80x128xi32, #tpu.memory_space<vmem>> -> memref<1x128xi32, #tpu.memory_space<vmem>>
      %dma_start3A_121 = tpu.memref_squeeze %dma_start3A_120 : memref<1x128xi32, #tpu.memory_space<vmem>> -> memref<128xi32, #tpu.memory_space<vmem>>
      %dma_start3A_122 = arith.constant 0 : i32
      %dma_start3A_123 = arith.constant 0 : i32
      %dma_start3A_124 = tpu.memref_slice %arg2[%dma_start3A_122, %dma_start3A_123] : memref<10240x128xf32, #tpu.memory_space<hbm>> -> memref<10240x128xf32, #tpu.memory_space<hbm>>
      tpu.enqueue_indirect_dma source(%dma_start3A_124 : memref<10240x128xf32, #tpu.memory_space<hbm>>) target(%arg8 : memref<128x128xf32, #tpu.memory_space<vmem>>) offsets(%dma_start3A_121 : memref<128xi32, #tpu.memory_space<vmem>>) semaphore(%arg11 : memref<!tpu.dma_semaphore, #tpu.memory_space<semaphore_mem>>)
    }
    %scan3A_34 = arith.constant 19 : i32
    %dma_wait3A = arith.constant 38 : i32
    %dma_wait3A_35 = arith.constant 0 : i32
    %dma_wait3A_36 = tpu.memref_slice %arg6[%dma_wait3A, %dma_wait3A_35] : memref<80x128xi32, #tpu.memory_space<vmem>> -> memref<1x128xi32, #tpu.memory_space<vmem>>
    %dma_wait3A_37 = tpu.memref_squeeze %dma_wait3A_36 : memref<1x128xi32, #tpu.memory_space<vmem>> -> memref<128xi32, #tpu.memory_space<vmem>>
    %dma_wait3A_38 = arith.constant 0 : i32
    %dma_wait3A_39 = arith.constant 0 : i32
    %dma_wait3A_40 = tpu.memref_slice %arg2[%dma_wait3A_38, %dma_wait3A_39] : memref<10240x128xf32, #tpu.memory_space<hbm>> -> memref<10240x128xf32, #tpu.memory_space<hbm>>
    tpu.wait_indirect_dma semaphore(%arg10 : memref<!tpu.dma_semaphore, #tpu.memory_space<semaphore_mem>>) src(%dma_wait3A_40 : memref<10240x128xf32, #tpu.memory_space<hbm>>) dst(%arg7 : memref<128x128xf32, #tpu.memory_space<vmem>>)
    %run_scoped3A = arith.constant 78 : i32
    "tpu.region"() ({
      %run_scoped3A_88 = tpu.sem_alloc : memref<!tpu.dma_semaphore, #tpu.memory_space<semaphore_mem>>
      %dma_start3A_89 = arith.constant 0 : i32
      %dma_start3A_90 = tpu.memref_slice %arg6[%run_scoped3A, %dma_start3A_89] : memref<80x128xi32, #tpu.memory_space<vmem>> -> memref<1x128xi32, #tpu.memory_space<vmem>>
      %dma_start3A_91 = tpu.memref_squeeze %dma_start3A_90 : memref<1x128xi32, #tpu.memory_space<vmem>> -> memref<128xi32, #tpu.memory_space<vmem>>
      %dma_start3A_92 = arith.constant 0 : i32
      %dma_start3A_93 = arith.constant 0 : i32
      %dma_start3A_94 = tpu.memref_slice %arg9[%dma_start3A_92, %dma_start3A_93] : memref<10240x128xf32, #tpu.memory_space<vmem_shared>> -> memref<10240x128xf32, #tpu.memory_space<vmem_shared>>
      tpu.enqueue_indirect_dma source(%arg7 : memref<128x128xf32, #tpu.memory_space<vmem>>) target(%dma_start3A_94 : memref<10240x128xf32, #tpu.memory_space<vmem_shared>>) offsets(%dma_start3A_91 : memref<128xi32, #tpu.memory_space<vmem>>) semaphore(%run_scoped3A_88 : memref<!tpu.dma_semaphore, #tpu.memory_space<semaphore_mem>>) {add = true}
      %dma_wait3A_95 = arith.constant 0 : i32
      %dma_wait3A_96 = tpu.memref_slice %arg6[%run_scoped3A, %dma_wait3A_95] : memref<80x128xi32, #tpu.memory_space<vmem>> -> memref<1x128xi32, #tpu.memory_space<vmem>>
      %dma_wait3A_97 = tpu.memref_squeeze %dma_wait3A_96 : memref<1x128xi32, #tpu.memory_space<vmem>> -> memref<128xi32, #tpu.memory_space<vmem>>
      %dma_wait3A_98 = arith.constant 0 : i32
      %dma_wait3A_99 = arith.constant 0 : i32
      %dma_wait3A_100 = tpu.memref_slice %arg9[%dma_wait3A_98, %dma_wait3A_99] : memref<10240x128xf32, #tpu.memory_space<vmem_shared>> -> memref<10240x128xf32, #tpu.memory_space<vmem_shared>>
      tpu.wait_indirect_dma semaphore(%run_scoped3A_88 : memref<!tpu.dma_semaphore, #tpu.memory_space<semaphore_mem>>) src(%arg7 : memref<128x128xf32, #tpu.memory_space<vmem>>) dst(%dma_wait3A_100 : memref<10240x128xf32, #tpu.memory_space<vmem_shared>>)
      tpu.yield
    }) : () -> ()
    %dma_wait3A_41 = arith.constant 39 : i32
    %dma_wait3A_42 = arith.constant 0 : i32
    %dma_wait3A_43 = tpu.memref_slice %arg6[%dma_wait3A_41, %dma_wait3A_42] : memref<80x128xi32, #tpu.memory_space<vmem>> -> memref<1x128xi32, #tpu.memory_space<vmem>>
    %dma_wait3A_44 = tpu.memref_squeeze %dma_wait3A_43 : memref<1x128xi32, #tpu.memory_space<vmem>> -> memref<128xi32, #tpu.memory_space<vmem>>
    %dma_wait3A_45 = arith.constant 0 : i32
    %dma_wait3A_46 = arith.constant 0 : i32
    %dma_wait3A_47 = tpu.memref_slice %arg2[%dma_wait3A_45, %dma_wait3A_46] : memref<10240x128xf32, #tpu.memory_space<hbm>> -> memref<10240x128xf32, #tpu.memory_space<hbm>>
    tpu.wait_indirect_dma semaphore(%arg11 : memref<!tpu.dma_semaphore, #tpu.memory_space<semaphore_mem>>) src(%dma_wait3A_47 : memref<10240x128xf32, #tpu.memory_space<hbm>>) dst(%arg8 : memref<128x128xf32, #tpu.memory_space<vmem>>)
    %run_scoped3A_48 = arith.constant 79 : i32
    "tpu.region"() ({
      %run_scoped3A_88 = tpu.sem_alloc : memref<!tpu.dma_semaphore, #tpu.memory_space<semaphore_mem>>
      %dma_start3A_89 = arith.constant 0 : i32
      %dma_start3A_90 = tpu.memref_slice %arg6[%run_scoped3A_48, %dma_start3A_89] : memref<80x128xi32, #tpu.memory_space<vmem>> -> memref<1x128xi32, #tpu.memory_space<vmem>>
      %dma_start3A_91 = tpu.memref_squeeze %dma_start3A_90 : memref<1x128xi32, #tpu.memory_space<vmem>> -> memref<128xi32, #tpu.memory_space<vmem>>
      %dma_start3A_92 = arith.constant 0 : i32
      %dma_start3A_93 = arith.constant 0 : i32
      %dma_start3A_94 = tpu.memref_slice %arg9[%dma_start3A_92, %dma_start3A_93] : memref<10240x128xf32, #tpu.memory_space<vmem_shared>> -> memref<10240x128xf32, #tpu.memory_space<vmem_shared>>
      tpu.enqueue_indirect_dma source(%arg8 : memref<128x128xf32, #tpu.memory_space<vmem>>) target(%dma_start3A_94 : memref<10240x128xf32, #tpu.memory_space<vmem_shared>>) offsets(%dma_start3A_91 : memref<128xi32, #tpu.memory_space<vmem>>) semaphore(%run_scoped3A_88 : memref<!tpu.dma_semaphore, #tpu.memory_space<semaphore_mem>>) {add = true}
      %dma_wait3A_95 = arith.constant 0 : i32
      %dma_wait3A_96 = tpu.memref_slice %arg6[%run_scoped3A_48, %dma_wait3A_95] : memref<80x128xi32, #tpu.memory_space<vmem>> -> memref<1x128xi32, #tpu.memory_space<vmem>>
      %dma_wait3A_97 = tpu.memref_squeeze %dma_wait3A_96 : memref<1x128xi32, #tpu.memory_space<vmem>> -> memref<128xi32, #tpu.memory_space<vmem>>
      %dma_wait3A_98 = arith.constant 0 : i32
      %dma_wait3A_99 = arith.constant 0 : i32
      %dma_wait3A_100 = tpu.memref_slice %arg9[%dma_wait3A_98, %dma_wait3A_99] : memref<10240x128xf32, #tpu.memory_space<vmem_shared>> -> memref<10240x128xf32, #tpu.memory_space<vmem_shared>>
      tpu.wait_indirect_dma semaphore(%run_scoped3A_88 : memref<!tpu.dma_semaphore, #tpu.memory_space<semaphore_mem>>) src(%arg8 : memref<128x128xf32, #tpu.memory_space<vmem>>) dst(%dma_wait3A_100 : memref<10240x128xf32, #tpu.memory_space<vmem_shared>>)
      tpu.yield
    }) : () -> ()
    %add3A_49 = arith.constant 80 : i32
    %add3A_50 = arith.addi %mul3A_8, %add3A_49 : i32
    "tpu.region"() ({
      %run_scoped3A_88 = tpu.sem_alloc : memref<!tpu.dma_semaphore, #tpu.memory_space<semaphore_mem>>
      %dma_start3A_89 = arith.constant 0 : i32
      %dma_start3A_90 = tpu.memref_slice %arg3[%add3A_50, %dma_start3A_89] : memref<5120x128xi32, #tpu.memory_space<hbm>> -> memref<80x128xi32, #tpu.memory_space<hbm>>
      %dma_start3A_91 = arith.constant 0 : i32
      %dma_start3A_92 = tpu.memref_slice %arg3[%add3A_50, %dma_start3A_91] : memref<5120x128xi32, #tpu.memory_space<hbm>> -> memref<80x128xi32, #tpu.memory_space<hbm>>
      tpu.enqueue_dma source(%dma_start3A_92 : memref<80x128xi32, #tpu.memory_space<hbm>>) target(%arg6 : memref<80x128xi32, #tpu.memory_space<vmem>>) target_semaphore(%run_scoped3A_88 : memref<!tpu.dma_semaphore, #tpu.memory_space<semaphore_mem>>)
      %dma_wait3A_93 = arith.constant 0 : i32
      %dma_wait3A_94 = tpu.memref_slice %arg3[%add3A_50, %dma_wait3A_93] : memref<5120x128xi32, #tpu.memory_space<hbm>> -> memref<80x128xi32, #tpu.memory_space<hbm>>
      %dma_wait3A_95 = arith.constant 0 : i32
      %dma_wait3A_96 = tpu.memref_slice %arg3[%add3A_50, %dma_wait3A_95] : memref<5120x128xi32, #tpu.memory_space<hbm>> -> memref<80x128xi32, #tpu.memory_space<hbm>>
      tpu.wait_dma2 semaphore(%run_scoped3A_88 : memref<!tpu.dma_semaphore, #tpu.memory_space<semaphore_mem>>) src(%dma_wait3A_96 : memref<80x128xi32, #tpu.memory_space<hbm>>) dst(%arg6 : memref<80x128xi32, #tpu.memory_space<vmem>>)
      tpu.yield
    }) : () -> ()
    %dma_start3A_51 = arith.constant 0 : i32
    %dma_start3A_52 = arith.constant 0 : i32
    %dma_start3A_53 = tpu.memref_slice %arg6[%dma_start3A_51, %dma_start3A_52] : memref<80x128xi32, #tpu.memory_space<vmem>> -> memref<1x128xi32, #tpu.memory_space<vmem>>
    %dma_start3A_54 = tpu.memref_squeeze %dma_start3A_53 : memref<1x128xi32, #tpu.memory_space<vmem>> -> memref<128xi32, #tpu.memory_space<vmem>>
    %dma_start3A_55 = arith.constant 0 : i32
    %dma_start3A_56 = arith.constant 0 : i32
    %dma_start3A_57 = tpu.memref_slice %arg2[%dma_start3A_55, %dma_start3A_56] : memref<10240x128xf32, #tpu.memory_space<hbm>> -> memref<10240x128xf32, #tpu.memory_space<hbm>>
    tpu.enqueue_indirect_dma source(%dma_start3A_57 : memref<10240x128xf32, #tpu.memory_space<hbm>>) target(%arg7 : memref<128x128xf32, #tpu.memory_space<vmem>>) offsets(%dma_start3A_54 : memref<128xi32, #tpu.memory_space<vmem>>) semaphore(%arg10 : memref<!tpu.dma_semaphore, #tpu.memory_space<semaphore_mem>>)
    %dma_start3A_58 = arith.constant 1 : i32
    %dma_start3A_59 = arith.constant 0 : i32
    %dma_start3A_60 = tpu.memref_slice %arg6[%dma_start3A_58, %dma_start3A_59] : memref<80x128xi32, #tpu.memory_space<vmem>> -> memref<1x128xi32, #tpu.memory_space<vmem>>
    %dma_start3A_61 = tpu.memref_squeeze %dma_start3A_60 : memref<1x128xi32, #tpu.memory_space<vmem>> -> memref<128xi32, #tpu.memory_space<vmem>>
    %dma_start3A_62 = arith.constant 0 : i32
    %dma_start3A_63 = arith.constant 0 : i32
    %dma_start3A_64 = tpu.memref_slice %arg2[%dma_start3A_62, %dma_start3A_63] : memref<10240x128xf32, #tpu.memory_space<hbm>> -> memref<10240x128xf32, #tpu.memory_space<hbm>>
    tpu.enqueue_indirect_dma source(%dma_start3A_64 : memref<10240x128xf32, #tpu.memory_space<hbm>>) target(%arg8 : memref<128x128xf32, #tpu.memory_space<vmem>>) offsets(%dma_start3A_61 : memref<128xi32, #tpu.memory_space<vmem>>) semaphore(%arg11 : memref<!tpu.dma_semaphore, #tpu.memory_space<semaphore_mem>>)
    %scan3A_65 = arith.constant 0 : i32
    %scan3A_66 = arith.constant 0 : i32
    %scan3A_67 = arith.constant 19 : i32
    %scan3A_68 = arith.addi %scan3A_66, %scan3A_67 : i32
    %scan3A_69 = arith.constant 1 : i32
    scf.for %scan3A_88 = %scan3A_66 to %scan3A_68 step %scan3A_69  : i32 {
      %mul3A_89 = arith.constant 2 : i32
      %mul3A_90 = arith.muli %mul3A_89, %scan3A_88 : i32
      %add3A_91 = arith.constant 1 : i32
      %add3A_92 = arith.addi %mul3A_90, %add3A_91 : i32
      %dma_wait3A_93 = arith.constant 0 : i32
      %dma_wait3A_94 = tpu.memref_slice %arg6[%mul3A_90, %dma_wait3A_93] : memref<80x128xi32, #tpu.memory_space<vmem>> -> memref<1x128xi32, #tpu.memory_space<vmem>>
      %dma_wait3A_95 = tpu.memref_squeeze %dma_wait3A_94 : memref<1x128xi32, #tpu.memory_space<vmem>> -> memref<128xi32, #tpu.memory_space<vmem>>
      %dma_wait3A_96 = arith.constant 0 : i32
      %dma_wait3A_97 = arith.constant 0 : i32
      %dma_wait3A_98 = tpu.memref_slice %arg2[%dma_wait3A_96, %dma_wait3A_97] : memref<10240x128xf32, #tpu.memory_space<hbm>> -> memref<10240x128xf32, #tpu.memory_space<hbm>>
      tpu.wait_indirect_dma semaphore(%arg10 : memref<!tpu.dma_semaphore, #tpu.memory_space<semaphore_mem>>) src(%dma_wait3A_98 : memref<10240x128xf32, #tpu.memory_space<hbm>>) dst(%arg7 : memref<128x128xf32, #tpu.memory_space<vmem>>)
      %add3A_99 = arith.constant 40 : i32
      %add3A_100 = arith.addi %add3A_99, %mul3A_90 : i32
      "tpu.region"() ({
        %run_scoped3A_125 = tpu.sem_alloc : memref<!tpu.dma_semaphore, #tpu.memory_space<semaphore_mem>>
        %dma_start3A_126 = arith.constant 0 : i32
        %dma_start3A_127 = tpu.memref_slice %arg6[%add3A_100, %dma_start3A_126] : memref<80x128xi32, #tpu.memory_space<vmem>> -> memref<1x128xi32, #tpu.memory_space<vmem>>
        %dma_start3A_128 = tpu.memref_squeeze %dma_start3A_127 : memref<1x128xi32, #tpu.memory_space<vmem>> -> memref<128xi32, #tpu.memory_space<vmem>>
        %dma_start3A_129 = arith.constant 0 : i32
        %dma_start3A_130 = arith.constant 0 : i32
        %dma_start3A_131 = tpu.memref_slice %arg9[%dma_start3A_129, %dma_start3A_130] : memref<10240x128xf32, #tpu.memory_space<vmem_shared>> -> memref<10240x128xf32, #tpu.memory_space<vmem_shared>>
        tpu.enqueue_indirect_dma source(%arg7 : memref<128x128xf32, #tpu.memory_space<vmem>>) target(%dma_start3A_131 : memref<10240x128xf32, #tpu.memory_space<vmem_shared>>) offsets(%dma_start3A_128 : memref<128xi32, #tpu.memory_space<vmem>>) semaphore(%run_scoped3A_125 : memref<!tpu.dma_semaphore, #tpu.memory_space<semaphore_mem>>) {add = true}
        %dma_wait3A_132 = arith.constant 0 : i32
        %dma_wait3A_133 = tpu.memref_slice %arg6[%add3A_100, %dma_wait3A_132] : memref<80x128xi32, #tpu.memory_space<vmem>> -> memref<1x128xi32, #tpu.memory_space<vmem>>
        %dma_wait3A_134 = tpu.memref_squeeze %dma_wait3A_133 : memref<1x128xi32, #tpu.memory_space<vmem>> -> memref<128xi32, #tpu.memory_space<vmem>>
        %dma_wait3A_135 = arith.constant 0 : i32
        %dma_wait3A_136 = arith.constant 0 : i32
        %dma_wait3A_137 = tpu.memref_slice %arg9[%dma_wait3A_135, %dma_wait3A_136] : memref<10240x128xf32, #tpu.memory_space<vmem_shared>> -> memref<10240x128xf32, #tpu.memory_space<vmem_shared>>
        tpu.wait_indirect_dma semaphore(%run_scoped3A_125 : memref<!tpu.dma_semaphore, #tpu.memory_space<semaphore_mem>>) src(%arg7 : memref<128x128xf32, #tpu.memory_space<vmem>>) dst(%dma_wait3A_137 : memref<10240x128xf32, #tpu.memory_space<vmem_shared>>)
        tpu.yield
      }) : () -> ()
      %add3A_101 = arith.constant 2 : i32
      %add3A_102 = arith.addi %mul3A_90, %add3A_101 : i32
      %dma_start3A_103 = arith.constant 0 : i32
      %dma_start3A_104 = tpu.memref_slice %arg6[%add3A_102, %dma_start3A_103] : memref<80x128xi32, #tpu.memory_space<vmem>> -> memref<1x128xi32, #tpu.memory_space<vmem>>
      %dma_start3A_105 = tpu.memref_squeeze %dma_start3A_104 : memref<1x128xi32, #tpu.memory_space<vmem>> -> memref<128xi32, #tpu.memory_space<vmem>>
      %dma_start3A_106 = arith.constant 0 : i32
      %dma_start3A_107 = arith.constant 0 : i32
      %dma_start3A_108 = tpu.memref_slice %arg2[%dma_start3A_106, %dma_start3A_107] : memref<10240x128xf32, #tpu.memory_space<hbm>> -> memref<10240x128xf32, #tpu.memory_space<hbm>>
      tpu.enqueue_indirect_dma source(%dma_start3A_108 : memref<10240x128xf32, #tpu.memory_space<hbm>>) target(%arg7 : memref<128x128xf32, #tpu.memory_space<vmem>>) offsets(%dma_start3A_105 : memref<128xi32, #tpu.memory_space<vmem>>) semaphore(%arg10 : memref<!tpu.dma_semaphore, #tpu.memory_space<semaphore_mem>>)
      %dma_wait3A_109 = arith.constant 0 : i32
      %dma_wait3A_110 = tpu.memref_slice %arg6[%add3A_92, %dma_wait3A_109] : memref<80x128xi32, #tpu.memory_space<vmem>> -> memref<1x128xi32, #tpu.memory_space<vmem>>
      %dma_wait3A_111 = tpu.memref_squeeze %dma_wait3A_110 : memref<1x128xi32, #tpu.memory_space<vmem>> -> memref<128xi32, #tpu.memory_space<vmem>>
      %dma_wait3A_112 = arith.constant 0 : i32
      %dma_wait3A_113 = arith.constant 0 : i32
      %dma_wait3A_114 = tpu.memref_slice %arg2[%dma_wait3A_112, %dma_wait3A_113] : memref<10240x128xf32, #tpu.memory_space<hbm>> -> memref<10240x128xf32, #tpu.memory_space<hbm>>
      tpu.wait_indirect_dma semaphore(%arg11 : memref<!tpu.dma_semaphore, #tpu.memory_space<semaphore_mem>>) src(%dma_wait3A_114 : memref<10240x128xf32, #tpu.memory_space<hbm>>) dst(%arg8 : memref<128x128xf32, #tpu.memory_space<vmem>>)
      %add3A_115 = arith.constant 40 : i32
      %add3A_116 = arith.addi %add3A_115, %add3A_92 : i32
      "tpu.region"() ({
        %run_scoped3A_125 = tpu.sem_alloc : memref<!tpu.dma_semaphore, #tpu.memory_space<semaphore_mem>>
        %dma_start3A_126 = arith.constant 0 : i32
        %dma_start3A_127 = tpu.memref_slice %arg6[%add3A_116, %dma_start3A_126] : memref<80x128xi32, #tpu.memory_space<vmem>> -> memref<1x128xi32, #tpu.memory_space<vmem>>
        %dma_start3A_128 = tpu.memref_squeeze %dma_start3A_127 : memref<1x128xi32, #tpu.memory_space<vmem>> -> memref<128xi32, #tpu.memory_space<vmem>>
        %dma_start3A_129 = arith.constant 0 : i32
        %dma_start3A_130 = arith.constant 0 : i32
        %dma_start3A_131 = tpu.memref_slice %arg9[%dma_start3A_129, %dma_start3A_130] : memref<10240x128xf32, #tpu.memory_space<vmem_shared>> -> memref<10240x128xf32, #tpu.memory_space<vmem_shared>>
        tpu.enqueue_indirect_dma source(%arg8 : memref<128x128xf32, #tpu.memory_space<vmem>>) target(%dma_start3A_131 : memref<10240x128xf32, #tpu.memory_space<vmem_shared>>) offsets(%dma_start3A_128 : memref<128xi32, #tpu.memory_space<vmem>>) semaphore(%run_scoped3A_125 : memref<!tpu.dma_semaphore, #tpu.memory_space<semaphore_mem>>) {add = true}
        %dma_wait3A_132 = arith.constant 0 : i32
        %dma_wait3A_133 = tpu.memref_slice %arg6[%add3A_116, %dma_wait3A_132] : memref<80x128xi32, #tpu.memory_space<vmem>> -> memref<1x128xi32, #tpu.memory_space<vmem>>
        %dma_wait3A_134 = tpu.memref_squeeze %dma_wait3A_133 : memref<1x128xi32, #tpu.memory_space<vmem>> -> memref<128xi32, #tpu.memory_space<vmem>>
        %dma_wait3A_135 = arith.constant 0 : i32
        %dma_wait3A_136 = arith.constant 0 : i32
        %dma_wait3A_137 = tpu.memref_slice %arg9[%dma_wait3A_135, %dma_wait3A_136] : memref<10240x128xf32, #tpu.memory_space<vmem_shared>> -> memref<10240x128xf32, #tpu.memory_space<vmem_shared>>
        tpu.wait_indirect_dma semaphore(%run_scoped3A_125 : memref<!tpu.dma_semaphore, #tpu.memory_space<semaphore_mem>>) src(%arg8 : memref<128x128xf32, #tpu.memory_space<vmem>>) dst(%dma_wait3A_137 : memref<10240x128xf32, #tpu.memory_space<vmem_shared>>)
        tpu.yield
      }) : () -> ()
      %add3A_117 = arith.constant 2 : i32
      %add3A_118 = arith.addi %add3A_92, %add3A_117 : i32
      %dma_start3A_119 = arith.constant 0 : i32
      %dma_start3A_120 = tpu.memref_slice %arg6[%add3A_118, %dma_start3A_119] : memref<80x128xi32, #tpu.memory_space<vmem>> -> memref<1x128xi32, #tpu.memory_space<vmem>>
      %dma_start3A_121 = tpu.memref_squeeze %dma_start3A_120 : memref<1x128xi32, #tpu.memory_space<vmem>> -> memref<128xi32, #tpu.memory_space<vmem>>
      %dma_start3A_122 = arith.constant 0 : i32
      %dma_start3A_123 = arith.constant 0 : i32
      %dma_start3A_124 = tpu.memref_slice %arg2[%dma_start3A_122, %dma_start3A_123] : memref<10240x128xf32, #tpu.memory_space<hbm>> -> memref<10240x128xf32, #tpu.memory_space<hbm>>
      tpu.enqueue_indirect_dma source(%dma_start3A_124 : memref<10240x128xf32, #tpu.memory_space<hbm>>) target(%arg8 : memref<128x128xf32, #tpu.memory_space<vmem>>) offsets(%dma_start3A_121 : memref<128xi32, #tpu.memory_space<vmem>>) semaphore(%arg11 : memref<!tpu.dma_semaphore, #tpu.memory_space<semaphore_mem>>)
    }
    %scan3A_70 = arith.constant 19 : i32
    %dma_wait3A_71 = arith.constant 38 : i32
    %dma_wait3A_72 = arith.constant 0 : i32
    %dma_wait3A_73 = tpu.memref_slice %arg6[%dma_wait3A_71, %dma_wait3A_72] : memref<80x128xi32, #tpu.memory_space<vmem>> -> memref<1x128xi32, #tpu.memory_space<vmem>>
    %dma_wait3A_74 = tpu.memref_squeeze %dma_wait3A_73 : memref<1x128xi32, #tpu.memory_space<vmem>> -> memref<128xi32, #tpu.memory_space<vmem>>
    %dma_wait3A_75 = arith.constant 0 : i32
    %dma_wait3A_76 = arith.constant 0 : i32
    %dma_wait3A_77 = tpu.memref_slice %arg2[%dma_wait3A_75, %dma_wait3A_76] : memref<10240x128xf32, #tpu.memory_space<hbm>> -> memref<10240x128xf32, #tpu.memory_space<hbm>>
    tpu.wait_indirect_dma semaphore(%arg10 : memref<!tpu.dma_semaphore, #tpu.memory_space<semaphore_mem>>) src(%dma_wait3A_77 : memref<10240x128xf32, #tpu.memory_space<hbm>>) dst(%arg7 : memref<128x128xf32, #tpu.memory_space<vmem>>)
    %run_scoped3A_78 = arith.constant 78 : i32
    "tpu.region"() ({
      %run_scoped3A_88 = tpu.sem_alloc : memref<!tpu.dma_semaphore, #tpu.memory_space<semaphore_mem>>
      %dma_start3A_89 = arith.constant 0 : i32
      %dma_start3A_90 = tpu.memref_slice %arg6[%run_scoped3A_78, %dma_start3A_89] : memref<80x128xi32, #tpu.memory_space<vmem>> -> memref<1x128xi32, #tpu.memory_space<vmem>>
      %dma_start3A_91 = tpu.memref_squeeze %dma_start3A_90 : memref<1x128xi32, #tpu.memory_space<vmem>> -> memref<128xi32, #tpu.memory_space<vmem>>
      %dma_start3A_92 = arith.constant 0 : i32
      %dma_start3A_93 = arith.constant 0 : i32
      %dma_start3A_94 = tpu.memref_slice %arg9[%dma_start3A_92, %dma_start3A_93] : memref<10240x128xf32, #tpu.memory_space<vmem_shared>> -> memref<10240x128xf32, #tpu.memory_space<vmem_shared>>
      tpu.enqueue_indirect_dma source(%arg7 : memref<128x128xf32, #tpu.memory_space<vmem>>) target(%dma_start3A_94 : memref<10240x128xf32, #tpu.memory_space<vmem_shared>>) offsets(%dma_start3A_91 : memref<128xi32, #tpu.memory_space<vmem>>) semaphore(%run_scoped3A_88 : memref<!tpu.dma_semaphore, #tpu.memory_space<semaphore_mem>>) {add = true}
      %dma_wait3A_95 = arith.constant 0 : i32
      %dma_wait3A_96 = tpu.memref_slice %arg6[%run_scoped3A_78, %dma_wait3A_95] : memref<80x128xi32, #tpu.memory_space<vmem>> -> memref<1x128xi32, #tpu.memory_space<vmem>>
      %dma_wait3A_97 = tpu.memref_squeeze %dma_wait3A_96 : memref<1x128xi32, #tpu.memory_space<vmem>> -> memref<128xi32, #tpu.memory_space<vmem>>
      %dma_wait3A_98 = arith.constant 0 : i32
      %dma_wait3A_99 = arith.constant 0 : i32
      %dma_wait3A_100 = tpu.memref_slice %arg9[%dma_wait3A_98, %dma_wait3A_99] : memref<10240x128xf32, #tpu.memory_space<vmem_shared>> -> memref<10240x128xf32, #tpu.memory_space<vmem_shared>>
      tpu.wait_indirect_dma semaphore(%run_scoped3A_88 : memref<!tpu.dma_semaphore, #tpu.memory_space<semaphore_mem>>) src(%arg7 : memref<128x128xf32, #tpu.memory_space<vmem>>) dst(%dma_wait3A_100 : memref<10240x128xf32, #tpu.memory_space<vmem_shared>>)
      tpu.yield
    }) : () -> ()
    %dma_wait3A_79 = arith.constant 39 : i32
    %dma_wait3A_80 = arith.constant 0 : i32
    %dma_wait3A_81 = tpu.memref_slice %arg6[%dma_wait3A_79, %dma_wait3A_80] : memref<80x128xi32, #tpu.memory_space<vmem>> -> memref<1x128xi32, #tpu.memory_space<vmem>>
    %dma_wait3A_82 = tpu.memref_squeeze %dma_wait3A_81 : memref<1x128xi32, #tpu.memory_space<vmem>> -> memref<128xi32, #tpu.memory_space<vmem>>
    %dma_wait3A_83 = arith.constant 0 : i32
    %dma_wait3A_84 = arith.constant 0 : i32
    %dma_wait3A_85 = tpu.memref_slice %arg2[%dma_wait3A_83, %dma_wait3A_84] : memref<10240x128xf32, #tpu.memory_space<hbm>> -> memref<10240x128xf32, #tpu.memory_space<hbm>>
    tpu.wait_indirect_dma semaphore(%arg11 : memref<!tpu.dma_semaphore, #tpu.memory_space<semaphore_mem>>) src(%dma_wait3A_85 : memref<10240x128xf32, #tpu.memory_space<hbm>>) dst(%arg8 : memref<128x128xf32, #tpu.memory_space<vmem>>)
    %run_scoped3A_86 = arith.constant 79 : i32
    "tpu.region"() ({
      %run_scoped3A_88 = tpu.sem_alloc : memref<!tpu.dma_semaphore, #tpu.memory_space<semaphore_mem>>
      %dma_start3A_89 = arith.constant 0 : i32
      %dma_start3A_90 = tpu.memref_slice %arg6[%run_scoped3A_86, %dma_start3A_89] : memref<80x128xi32, #tpu.memory_space<vmem>> -> memref<1x128xi32, #tpu.memory_space<vmem>>
      %dma_start3A_91 = tpu.memref_squeeze %dma_start3A_90 : memref<1x128xi32, #tpu.memory_space<vmem>> -> memref<128xi32, #tpu.memory_space<vmem>>
      %dma_start3A_92 = arith.constant 0 : i32
      %dma_start3A_93 = arith.constant 0 : i32
      %dma_start3A_94 = tpu.memref_slice %arg9[%dma_start3A_92, %dma_start3A_93] : memref<10240x128xf32, #tpu.memory_space<vmem_shared>> -> memref<10240x128xf32, #tpu.memory_space<vmem_shared>>
      tpu.enqueue_indirect_dma source(%arg8 : memref<128x128xf32, #tpu.memory_space<vmem>>) target(%dma_start3A_94 : memref<10240x128xf32, #tpu.memory_space<vmem_shared>>) offsets(%dma_start3A_91 : memref<128xi32, #tpu.memory_space<vmem>>) semaphore(%run_scoped3A_88 : memref<!tpu.dma_semaphore, #tpu.memory_space<semaphore_mem>>) {add = true}
      %dma_wait3A_95 = arith.constant 0 : i32
      %dma_wait3A_96 = tpu.memref_slice %arg6[%run_scoped3A_86, %dma_wait3A_95] : memref<80x128xi32, #tpu.memory_space<vmem>> -> memref<1x128xi32, #tpu.memory_space<vmem>>
      %dma_wait3A_97 = tpu.memref_squeeze %dma_wait3A_96 : memref<1x128xi32, #tpu.memory_space<vmem>> -> memref<128xi32, #tpu.memory_space<vmem>>
      %dma_wait3A_98 = arith.constant 0 : i32
      %dma_wait3A_99 = arith.constant 0 : i32
      %dma_wait3A_100 = tpu.memref_slice %arg9[%dma_wait3A_98, %dma_wait3A_99] : memref<10240x128xf32, #tpu.memory_space<vmem_shared>> -> memref<10240x128xf32, #tpu.memory_space<vmem_shared>>
      tpu.wait_indirect_dma semaphore(%run_scoped3A_88 : memref<!tpu.dma_semaphore, #tpu.memory_space<semaphore_mem>>) src(%arg8 : memref<128x128xf32, #tpu.memory_space<vmem>>) dst(%dma_wait3A_100 : memref<10240x128xf32, #tpu.memory_space<vmem_shared>>)
      tpu.yield
    }) : () -> ()
    %barrier3A_87 = arith.constant 0 : index
    tpu.barrier barrier_id(%barrier3A_87)
    "tpu.region"() ({
      %run_scoped3A_88 = tpu.sem_alloc : memref<!tpu.dma_semaphore, #tpu.memory_space<semaphore_mem>>
      %dma_start3A_89 = arith.constant 0 : i32
      %dma_start3A_90 = tpu.memref_slice %arg5[%arg0, %mul3A_2, %dma_start3A_89] : memref<2x10240x128xf32, #tpu.memory_space<hbm>> -> memref<1x640x128xf32, #tpu.memory_space<hbm>>
      %dma_start3A_91 = tpu.memref_squeeze %dma_start3A_90 : memref<1x640x128xf32, #tpu.memory_space<hbm>> -> memref<640x128xf32, #tpu.memory_space<hbm>>
      %dma_start3A_92 = arith.constant 0 : i32
      %dma_start3A_93 = tpu.memref_slice %arg9[%mul3A_2, %dma_start3A_92] : memref<10240x128xf32, #tpu.memory_space<vmem_shared>> -> memref<640x128xf32, #tpu.memory_space<vmem_shared>>
      tpu.enqueue_dma source(%dma_start3A_93 : memref<640x128xf32, #tpu.memory_space<vmem_shared>>) target(%dma_start3A_91 : memref<640x128xf32, #tpu.memory_space<hbm>>) target_semaphore(%run_scoped3A_88 : memref<!tpu.dma_semaphore, #tpu.memory_space<semaphore_mem>>)
      %dma_wait3A_94 = arith.constant 0 : i32
      %dma_wait3A_95 = tpu.memref_slice %arg5[%arg0, %mul3A_2, %dma_wait3A_94] : memref<2x10240x128xf32, #tpu.memory_space<hbm>> -> memref<1x640x128xf32, #tpu.memory_space<hbm>>
      %dma_wait3A_96 = tpu.memref_squeeze %dma_wait3A_95 : memref<1x640x128xf32, #tpu.memory_space<hbm>> -> memref<640x128xf32, #tpu.memory_space<hbm>>
      %dma_wait3A_97 = arith.constant 0 : i32
      %dma_wait3A_98 = tpu.memref_slice %arg9[%mul3A_2, %dma_wait3A_97] : memref<10240x128xf32, #tpu.memory_space<vmem_shared>> -> memref<640x128xf32, #tpu.memory_space<vmem_shared>>
      tpu.wait_dma2 semaphore(%run_scoped3A_88 : memref<!tpu.dma_semaphore, #tpu.memory_space<semaphore_mem>>) src(%dma_wait3A_98 : memref<640x128xf32, #tpu.memory_space<vmem_shared>>) dst(%dma_wait3A_96 : memref<640x128xf32, #tpu.memory_space<hbm>>)
      tpu.yield
    }) : () -> ()
    return
  }
}

#map = affine_map<(d0, d1) -> (0, 0)>
#map1 = affine_map<(d0, d1) -> (0, 0, 0)>
module attributes {stable_mosaic.version = 14 : i64} {
  func.func @_sc_agg(%arg0: i32, %arg1: i32, %arg2: memref<10240x128xf32, #tpu.memory_space<hbm>>, %arg3: memref<5120x128xi32, #tpu.memory_space<hbm>>, %arg4: memref<640x128xf32, #tpu.memory_space<hbm>>, %arg5: memref<2x10240x128xf32, #tpu.memory_space<hbm>>, %arg6: memref<80x128xi32, #tpu.memory_space<vmem>>, %arg7: memref<128x128xf32, #tpu.memory_space<vmem>>, %arg8: memref<128x128xf32, #tpu.memory_space<vmem>>, %arg9: memref<10240x128xf32, #tpu.memory_space<vmem_shared>>, %arg10: memref<!tpu.dma_semaphore, #tpu.memory_space<semaphore_mem>>, %arg11: memref<!tpu.dma_semaphore, #tpu.memory_space<semaphore_mem>>) attributes {dimension_semantics = [#tpu.dimension_semantics<core_parallel>, #tpu.dimension_semantics<subcore_parallel>], iteration_bounds = array<i64: 2, 16>, scalar_prefetch = 0 : i64, scratch_operands = 6 : i64, tpu.core_type = #tpu.core_type<sc_vector_subcore>, window_params = [{transform_indices = #map}, {transform_indices = #map}, {transform_indices = #map}, {transform_indices = #map1}]} {
    %mul3A = arith.constant 16 : i32
    %mul3A_0 = arith.muli %arg0, %mul3A : i32
    %add3A = arith.addi %mul3A_0, %arg1 : i32
    %mul3A_1 = arith.constant 640 : i32
    %mul3A_2 = arith.muli %arg1, %mul3A_1 : i32
    %mul3A_3 = arith.constant 2 : i32
    %mul3A_4 = arith.muli %add3A, %mul3A_3 : i32
    %mul3A_5 = arith.constant 2 : i32
    %mul3A_6 = arith.muli %mul3A_4, %mul3A_5 : i32
    %mul3A_7 = arith.constant 40 : i32
    %mul3A_8 = arith.muli %mul3A_6, %mul3A_7 : i32
    %add3A_9 = arith.constant 0 : i32
    %add3A_10 = arith.addi %mul3A_8, %add3A_9 : i32
    "tpu.region"() ({
      %run_scoped3A_88 = tpu.sem_alloc : memref<!tpu.dma_semaphore, #tpu.memory_space<semaphore_mem>>
      %dma_start3A_89 = arith.constant 0 : i32
      %dma_start3A_90 = tpu.memref_slice %arg3[%add3A_10, %dma_start3A_89] : memref<5120x128xi32, #tpu.memory_space<hbm>> -> memref<80x128xi32, #tpu.memory_space<hbm>>
      %dma_start3A_91 = arith.constant 0 : i32
      %dma_start3A_92 = tpu.memref_slice %arg3[%add3A_10, %dma_start3A_91] : memref<5120x128xi32, #tpu.memory_space<hbm>> -> memref<80x128xi32, #tpu.memory_space<hbm>>
      tpu.enqueue_dma source(%dma_start3A_92 : memref<80x128xi32, #tpu.memory_space<hbm>>) target(%arg6 : memref<80x128xi32, #tpu.memory_space<vmem>>) target_semaphore(%run_scoped3A_88 : memref<!tpu.dma_semaphore, #tpu.memory_space<semaphore_mem>>)
      %dma_wait3A_93 = arith.constant 0 : i32
      %dma_wait3A_94 = tpu.memref_slice %arg3[%add3A_10, %dma_wait3A_93] : memref<5120x128xi32, #tpu.memory_space<hbm>> -> memref<80x128xi32, #tpu.memory_space<hbm>>
      %dma_wait3A_95 = arith.constant 0 : i32
      %dma_wait3A_96 = tpu.memref_slice %arg3[%add3A_10, %dma_wait3A_95] : memref<5120x128xi32, #tpu.memory_space<hbm>> -> memref<80x128xi32, #tpu.memory_space<hbm>>
      tpu.wait_dma2 semaphore(%run_scoped3A_88 : memref<!tpu.dma_semaphore, #tpu.memory_space<semaphore_mem>>) src(%dma_wait3A_96 : memref<80x128xi32, #tpu.memory_space<hbm>>) dst(%arg6 : memref<80x128xi32, #tpu.memory_space<vmem>>)
      tpu.yield
    }) : () -> ()
    %dma_start3A = arith.constant 0 : i32
    %dma_start3A_11 = arith.constant 0 : i32
    %dma_start3A_12 = tpu.memref_slice %arg6[%dma_start3A, %dma_start3A_11] : memref<80x128xi32, #tpu.memory_space<vmem>> -> memref<1x128xi32, #tpu.memory_space<vmem>>
    %dma_start3A_13 = tpu.memref_squeeze %dma_start3A_12 : memref<1x128xi32, #tpu.memory_space<vmem>> -> memref<128xi32, #tpu.memory_space<vmem>>
    %dma_start3A_14 = arith.constant 0 : i32
    %dma_start3A_15 = arith.constant 0 : i32
    %dma_start3A_16 = tpu.memref_slice %arg2[%dma_start3A_14, %dma_start3A_15] : memref<10240x128xf32, #tpu.memory_space<hbm>> -> memref<10240x128xf32, #tpu.memory_space<hbm>>
    tpu.enqueue_indirect_dma source(%dma_start3A_16 : memref<10240x128xf32, #tpu.memory_space<hbm>>) target(%arg7 : memref<128x128xf32, #tpu.memory_space<vmem>>) offsets(%dma_start3A_13 : memref<128xi32, #tpu.memory_space<vmem>>) semaphore(%arg10 : memref<!tpu.dma_semaphore, #tpu.memory_space<semaphore_mem>>)
    %dma_start3A_17 = arith.constant 1 : i32
    %dma_start3A_18 = arith.constant 0 : i32
    %dma_start3A_19 = tpu.memref_slice %arg6[%dma_start3A_17, %dma_start3A_18] : memref<80x128xi32, #tpu.memory_space<vmem>> -> memref<1x128xi32, #tpu.memory_space<vmem>>
    %dma_start3A_20 = tpu.memref_squeeze %dma_start3A_19 : memref<1x128xi32, #tpu.memory_space<vmem>> -> memref<128xi32, #tpu.memory_space<vmem>>
    %dma_start3A_21 = arith.constant 0 : i32
    %dma_start3A_22 = arith.constant 0 : i32
    %dma_start3A_23 = tpu.memref_slice %arg2[%dma_start3A_21, %dma_start3A_22] : memref<10240x128xf32, #tpu.memory_space<hbm>> -> memref<10240x128xf32, #tpu.memory_space<hbm>>
    tpu.enqueue_indirect_dma source(%dma_start3A_23 : memref<10240x128xf32, #tpu.memory_space<hbm>>) target(%arg8 : memref<128x128xf32, #tpu.memory_space<vmem>>) offsets(%dma_start3A_20 : memref<128xi32, #tpu.memory_space<vmem>>) semaphore(%arg11 : memref<!tpu.dma_semaphore, #tpu.memory_space<semaphore_mem>>)
    %eq3A = arith.constant 0 : i32
    %eq3A_24 = arith.cmpi eq, %arg0, %eq3A : i32
    %convert_element_type3A = arith.extui %eq3A_24 : i1 to i32
    %cond3A = arith.constant 0 : i32
    %cond3A_25 = arith.cmpi ne, %convert_element_type3A, %cond3A : i32
    scf.if %cond3A_25 {
      "tpu.region"() ({
        %run_scoped3A_88 = tpu.sem_alloc : memref<!tpu.dma_semaphore, #tpu.memory_space<semaphore_mem>>
        %dma_start3A_89 = arith.constant 0 : i32
        %dma_start3A_90 = tpu.memref_slice %arg9[%mul3A_2, %dma_start3A_89] : memref<10240x128xf32, #tpu.memory_space<vmem_shared>> -> memref<640x128xf32, #tpu.memory_space<vmem_shared>>
        %dma_start3A_91 = arith.constant 0 : i32
        %dma_start3A_92 = tpu.memref_slice %arg2[%mul3A_2, %dma_start3A_91] : memref<10240x128xf32, #tpu.memory_space<hbm>> -> memref<640x128xf32, #tpu.memory_space<hbm>>
        tpu.enqueue_dma source(%dma_start3A_92 : memref<640x128xf32, #tpu.memory_space<hbm>>) target(%dma_start3A_90 : memref<640x128xf32, #tpu.memory_space<vmem_shared>>) target_semaphore(%run_scoped3A_88 : memref<!tpu.dma_semaphore, #tpu.memory_space<semaphore_mem>>)
        %dma_wait3A_93 = arith.constant 0 : i32
        %dma_wait3A_94 = tpu.memref_slice %arg9[%mul3A_2, %dma_wait3A_93] : memref<10240x128xf32, #tpu.memory_space<vmem_shared>> -> memref<640x128xf32, #tpu.memory_space<vmem_shared>>
        %dma_wait3A_95 = arith.constant 0 : i32
        %dma_wait3A_96 = tpu.memref_slice %arg2[%mul3A_2, %dma_wait3A_95] : memref<10240x128xf32, #tpu.memory_space<hbm>> -> memref<640x128xf32, #tpu.memory_space<hbm>>
        tpu.wait_dma2 semaphore(%run_scoped3A_88 : memref<!tpu.dma_semaphore, #tpu.memory_space<semaphore_mem>>) src(%dma_wait3A_96 : memref<640x128xf32, #tpu.memory_space<hbm>>) dst(%dma_wait3A_94 : memref<640x128xf32, #tpu.memory_space<vmem_shared>>)
        tpu.yield
      }) : () -> ()
    } else {
    }
    %ne3A = arith.constant 0 : i32
    %ne3A_26 = arith.cmpi ne, %arg0, %ne3A : i32
    %convert_element_type3A_27 = arith.extui %ne3A_26 : i1 to i32
    %cond3A_28 = arith.constant 0 : i32
    %cond3A_29 = arith.cmpi ne, %convert_element_type3A_27, %cond3A_28 : i32
    scf.if %cond3A_29 {
      "tpu.region"() ({
        %run_scoped3A_88 = tpu.sem_alloc : memref<!tpu.dma_semaphore, #tpu.memory_space<semaphore_mem>>
        %dma_start3A_89 = arith.constant 0 : i32
        %dma_start3A_90 = tpu.memref_slice %arg9[%mul3A_2, %dma_start3A_89] : memref<10240x128xf32, #tpu.memory_space<vmem_shared>> -> memref<640x128xf32, #tpu.memory_space<vmem_shared>>
        tpu.enqueue_dma source(%arg4 : memref<640x128xf32, #tpu.memory_space<hbm>>) target(%dma_start3A_90 : memref<640x128xf32, #tpu.memory_space<vmem_shared>>) target_semaphore(%run_scoped3A_88 : memref<!tpu.dma_semaphore, #tpu.memory_space<semaphore_mem>>)
        %dma_wait3A_91 = arith.constant 0 : i32
        %dma_wait3A_92 = tpu.memref_slice %arg9[%mul3A_2, %dma_wait3A_91] : memref<10240x128xf32, #tpu.memory_space<vmem_shared>> -> memref<640x128xf32, #tpu.memory_space<vmem_shared>>
        tpu.wait_dma2 semaphore(%run_scoped3A_88 : memref<!tpu.dma_semaphore, #tpu.memory_space<semaphore_mem>>) src(%arg4 : memref<640x128xf32, #tpu.memory_space<hbm>>) dst(%dma_wait3A_92 : memref<640x128xf32, #tpu.memory_space<vmem_shared>>)
        tpu.yield
      }) : () -> ()
    } else {
    }
    %barrier3A = arith.constant 0 : index
    tpu.barrier barrier_id(%barrier3A)
    %scan3A = arith.constant 0 : i32
    %scan3A_30 = arith.constant 0 : i32
    %scan3A_31 = arith.constant 19 : i32
    %scan3A_32 = arith.addi %scan3A_30, %scan3A_31 : i32
    %scan3A_33 = arith.constant 1 : i32
    scf.for %scan3A_88 = %scan3A_30 to %scan3A_32 step %scan3A_33  : i32 {
      %mul3A_89 = arith.constant 2 : i32
      %mul3A_90 = arith.muli %mul3A_89, %scan3A_88 : i32
      %add3A_91 = arith.constant 1 : i32
      %add3A_92 = arith.addi %mul3A_90, %add3A_91 : i32
      %dma_wait3A_93 = arith.constant 0 : i32
      %dma_wait3A_94 = tpu.memref_slice %arg6[%mul3A_90, %dma_wait3A_93] : memref<80x128xi32, #tpu.memory_space<vmem>> -> memref<1x128xi32, #tpu.memory_space<vmem>>
      %dma_wait3A_95 = tpu.memref_squeeze %dma_wait3A_94 : memref<1x128xi32, #tpu.memory_space<vmem>> -> memref<128xi32, #tpu.memory_space<vmem>>
      %dma_wait3A_96 = arith.constant 0 : i32
      %dma_wait3A_97 = arith.constant 0 : i32
      %dma_wait3A_98 = tpu.memref_slice %arg2[%dma_wait3A_96, %dma_wait3A_97] : memref<10240x128xf32, #tpu.memory_space<hbm>> -> memref<10240x128xf32, #tpu.memory_space<hbm>>
      tpu.wait_indirect_dma semaphore(%arg10 : memref<!tpu.dma_semaphore, #tpu.memory_space<semaphore_mem>>) src(%dma_wait3A_98 : memref<10240x128xf32, #tpu.memory_space<hbm>>) dst(%arg7 : memref<128x128xf32, #tpu.memory_space<vmem>>)
      %add3A_99 = arith.constant 40 : i32
      %add3A_100 = arith.addi %add3A_99, %mul3A_90 : i32
      "tpu.region"() ({
        %run_scoped3A_125 = tpu.sem_alloc : memref<!tpu.dma_semaphore, #tpu.memory_space<semaphore_mem>>
        %dma_start3A_126 = arith.constant 0 : i32
        %dma_start3A_127 = tpu.memref_slice %arg6[%add3A_100, %dma_start3A_126] : memref<80x128xi32, #tpu.memory_space<vmem>> -> memref<1x128xi32, #tpu.memory_space<vmem>>
        %dma_start3A_128 = tpu.memref_squeeze %dma_start3A_127 : memref<1x128xi32, #tpu.memory_space<vmem>> -> memref<128xi32, #tpu.memory_space<vmem>>
        %dma_start3A_129 = arith.constant 0 : i32
        %dma_start3A_130 = arith.constant 0 : i32
        %dma_start3A_131 = tpu.memref_slice %arg9[%dma_start3A_129, %dma_start3A_130] : memref<10240x128xf32, #tpu.memory_space<vmem_shared>> -> memref<10240x128xf32, #tpu.memory_space<vmem_shared>>
        tpu.enqueue_indirect_dma source(%arg7 : memref<128x128xf32, #tpu.memory_space<vmem>>) target(%dma_start3A_131 : memref<10240x128xf32, #tpu.memory_space<vmem_shared>>) offsets(%dma_start3A_128 : memref<128xi32, #tpu.memory_space<vmem>>) semaphore(%run_scoped3A_125 : memref<!tpu.dma_semaphore, #tpu.memory_space<semaphore_mem>>) {add = true}
        %dma_wait3A_132 = arith.constant 0 : i32
        %dma_wait3A_133 = tpu.memref_slice %arg6[%add3A_100, %dma_wait3A_132] : memref<80x128xi32, #tpu.memory_space<vmem>> -> memref<1x128xi32, #tpu.memory_space<vmem>>
        %dma_wait3A_134 = tpu.memref_squeeze %dma_wait3A_133 : memref<1x128xi32, #tpu.memory_space<vmem>> -> memref<128xi32, #tpu.memory_space<vmem>>
        %dma_wait3A_135 = arith.constant 0 : i32
        %dma_wait3A_136 = arith.constant 0 : i32
        %dma_wait3A_137 = tpu.memref_slice %arg9[%dma_wait3A_135, %dma_wait3A_136] : memref<10240x128xf32, #tpu.memory_space<vmem_shared>> -> memref<10240x128xf32, #tpu.memory_space<vmem_shared>>
        tpu.wait_indirect_dma semaphore(%run_scoped3A_125 : memref<!tpu.dma_semaphore, #tpu.memory_space<semaphore_mem>>) src(%arg7 : memref<128x128xf32, #tpu.memory_space<vmem>>) dst(%dma_wait3A_137 : memref<10240x128xf32, #tpu.memory_space<vmem_shared>>)
        tpu.yield
      }) : () -> ()
      %add3A_101 = arith.constant 2 : i32
      %add3A_102 = arith.addi %mul3A_90, %add3A_101 : i32
      %dma_start3A_103 = arith.constant 0 : i32
      %dma_start3A_104 = tpu.memref_slice %arg6[%add3A_102, %dma_start3A_103] : memref<80x128xi32, #tpu.memory_space<vmem>> -> memref<1x128xi32, #tpu.memory_space<vmem>>
      %dma_start3A_105 = tpu.memref_squeeze %dma_start3A_104 : memref<1x128xi32, #tpu.memory_space<vmem>> -> memref<128xi32, #tpu.memory_space<vmem>>
      %dma_start3A_106 = arith.constant 0 : i32
      %dma_start3A_107 = arith.constant 0 : i32
      %dma_start3A_108 = tpu.memref_slice %arg2[%dma_start3A_106, %dma_start3A_107] : memref<10240x128xf32, #tpu.memory_space<hbm>> -> memref<10240x128xf32, #tpu.memory_space<hbm>>
      tpu.enqueue_indirect_dma source(%dma_start3A_108 : memref<10240x128xf32, #tpu.memory_space<hbm>>) target(%arg7 : memref<128x128xf32, #tpu.memory_space<vmem>>) offsets(%dma_start3A_105 : memref<128xi32, #tpu.memory_space<vmem>>) semaphore(%arg10 : memref<!tpu.dma_semaphore, #tpu.memory_space<semaphore_mem>>)
      %dma_wait3A_109 = arith.constant 0 : i32
      %dma_wait3A_110 = tpu.memref_slice %arg6[%add3A_92, %dma_wait3A_109] : memref<80x128xi32, #tpu.memory_space<vmem>> -> memref<1x128xi32, #tpu.memory_space<vmem>>
      %dma_wait3A_111 = tpu.memref_squeeze %dma_wait3A_110 : memref<1x128xi32, #tpu.memory_space<vmem>> -> memref<128xi32, #tpu.memory_space<vmem>>
      %dma_wait3A_112 = arith.constant 0 : i32
      %dma_wait3A_113 = arith.constant 0 : i32
      %dma_wait3A_114 = tpu.memref_slice %arg2[%dma_wait3A_112, %dma_wait3A_113] : memref<10240x128xf32, #tpu.memory_space<hbm>> -> memref<10240x128xf32, #tpu.memory_space<hbm>>
      tpu.wait_indirect_dma semaphore(%arg11 : memref<!tpu.dma_semaphore, #tpu.memory_space<semaphore_mem>>) src(%dma_wait3A_114 : memref<10240x128xf32, #tpu.memory_space<hbm>>) dst(%arg8 : memref<128x128xf32, #tpu.memory_space<vmem>>)
      %add3A_115 = arith.constant 40 : i32
      %add3A_116 = arith.addi %add3A_115, %add3A_92 : i32
      "tpu.region"() ({
        %run_scoped3A_125 = tpu.sem_alloc : memref<!tpu.dma_semaphore, #tpu.memory_space<semaphore_mem>>
        %dma_start3A_126 = arith.constant 0 : i32
        %dma_start3A_127 = tpu.memref_slice %arg6[%add3A_116, %dma_start3A_126] : memref<80x128xi32, #tpu.memory_space<vmem>> -> memref<1x128xi32, #tpu.memory_space<vmem>>
        %dma_start3A_128 = tpu.memref_squeeze %dma_start3A_127 : memref<1x128xi32, #tpu.memory_space<vmem>> -> memref<128xi32, #tpu.memory_space<vmem>>
        %dma_start3A_129 = arith.constant 0 : i32
        %dma_start3A_130 = arith.constant 0 : i32
        %dma_start3A_131 = tpu.memref_slice %arg9[%dma_start3A_129, %dma_start3A_130] : memref<10240x128xf32, #tpu.memory_space<vmem_shared>> -> memref<10240x128xf32, #tpu.memory_space<vmem_shared>>
        tpu.enqueue_indirect_dma source(%arg8 : memref<128x128xf32, #tpu.memory_space<vmem>>) target(%dma_start3A_131 : memref<10240x128xf32, #tpu.memory_space<vmem_shared>>) offsets(%dma_start3A_128 : memref<128xi32, #tpu.memory_space<vmem>>) semaphore(%run_scoped3A_125 : memref<!tpu.dma_semaphore, #tpu.memory_space<semaphore_mem>>) {add = true}
        %dma_wait3A_132 = arith.constant 0 : i32
        %dma_wait3A_133 = tpu.memref_slice %arg6[%add3A_116, %dma_wait3A_132] : memref<80x128xi32, #tpu.memory_space<vmem>> -> memref<1x128xi32, #tpu.memory_space<vmem>>
        %dma_wait3A_134 = tpu.memref_squeeze %dma_wait3A_133 : memref<1x128xi32, #tpu.memory_space<vmem>> -> memref<128xi32, #tpu.memory_space<vmem>>
        %dma_wait3A_135 = arith.constant 0 : i32
        %dma_wait3A_136 = arith.constant 0 : i32
        %dma_wait3A_137 = tpu.memref_slice %arg9[%dma_wait3A_135, %dma_wait3A_136] : memref<10240x128xf32, #tpu.memory_space<vmem_shared>> -> memref<10240x128xf32, #tpu.memory_space<vmem_shared>>
        tpu.wait_indirect_dma semaphore(%run_scoped3A_125 : memref<!tpu.dma_semaphore, #tpu.memory_space<semaphore_mem>>) src(%arg8 : memref<128x128xf32, #tpu.memory_space<vmem>>) dst(%dma_wait3A_137 : memref<10240x128xf32, #tpu.memory_space<vmem_shared>>)
        tpu.yield
      }) : () -> ()
      %add3A_117 = arith.constant 2 : i32
      %add3A_118 = arith.addi %add3A_92, %add3A_117 : i32
      %dma_start3A_119 = arith.constant 0 : i32
      %dma_start3A_120 = tpu.memref_slice %arg6[%add3A_118, %dma_start3A_119] : memref<80x128xi32, #tpu.memory_space<vmem>> -> memref<1x128xi32, #tpu.memory_space<vmem>>
      %dma_start3A_121 = tpu.memref_squeeze %dma_start3A_120 : memref<1x128xi32, #tpu.memory_space<vmem>> -> memref<128xi32, #tpu.memory_space<vmem>>
      %dma_start3A_122 = arith.constant 0 : i32
      %dma_start3A_123 = arith.constant 0 : i32
      %dma_start3A_124 = tpu.memref_slice %arg2[%dma_start3A_122, %dma_start3A_123] : memref<10240x128xf32, #tpu.memory_space<hbm>> -> memref<10240x128xf32, #tpu.memory_space<hbm>>
      tpu.enqueue_indirect_dma source(%dma_start3A_124 : memref<10240x128xf32, #tpu.memory_space<hbm>>) target(%arg8 : memref<128x128xf32, #tpu.memory_space<vmem>>) offsets(%dma_start3A_121 : memref<128xi32, #tpu.memory_space<vmem>>) semaphore(%arg11 : memref<!tpu.dma_semaphore, #tpu.memory_space<semaphore_mem>>)
    }
    %scan3A_34 = arith.constant 19 : i32
    %dma_wait3A = arith.constant 38 : i32
    %dma_wait3A_35 = arith.constant 0 : i32
    %dma_wait3A_36 = tpu.memref_slice %arg6[%dma_wait3A, %dma_wait3A_35] : memref<80x128xi32, #tpu.memory_space<vmem>> -> memref<1x128xi32, #tpu.memory_space<vmem>>
    %dma_wait3A_37 = tpu.memref_squeeze %dma_wait3A_36 : memref<1x128xi32, #tpu.memory_space<vmem>> -> memref<128xi32, #tpu.memory_space<vmem>>
    %dma_wait3A_38 = arith.constant 0 : i32
    %dma_wait3A_39 = arith.constant 0 : i32
    %dma_wait3A_40 = tpu.memref_slice %arg2[%dma_wait3A_38, %dma_wait3A_39] : memref<10240x128xf32, #tpu.memory_space<hbm>> -> memref<10240x128xf32, #tpu.memory_space<hbm>>
    tpu.wait_indirect_dma semaphore(%arg10 : memref<!tpu.dma_semaphore, #tpu.memory_space<semaphore_mem>>) src(%dma_wait3A_40 : memref<10240x128xf32, #tpu.memory_space<hbm>>) dst(%arg7 : memref<128x128xf32, #tpu.memory_space<vmem>>)
    %run_scoped3A = arith.constant 78 : i32
    "tpu.region"() ({
      %run_scoped3A_88 = tpu.sem_alloc : memref<!tpu.dma_semaphore, #tpu.memory_space<semaphore_mem>>
      %dma_start3A_89 = arith.constant 0 : i32
      %dma_start3A_90 = tpu.memref_slice %arg6[%run_scoped3A, %dma_start3A_89] : memref<80x128xi32, #tpu.memory_space<vmem>> -> memref<1x128xi32, #tpu.memory_space<vmem>>
      %dma_start3A_91 = tpu.memref_squeeze %dma_start3A_90 : memref<1x128xi32, #tpu.memory_space<vmem>> -> memref<128xi32, #tpu.memory_space<vmem>>
      %dma_start3A_92 = arith.constant 0 : i32
      %dma_start3A_93 = arith.constant 0 : i32
      %dma_start3A_94 = tpu.memref_slice %arg9[%dma_start3A_92, %dma_start3A_93] : memref<10240x128xf32, #tpu.memory_space<vmem_shared>> -> memref<10240x128xf32, #tpu.memory_space<vmem_shared>>
      tpu.enqueue_indirect_dma source(%arg7 : memref<128x128xf32, #tpu.memory_space<vmem>>) target(%dma_start3A_94 : memref<10240x128xf32, #tpu.memory_space<vmem_shared>>) offsets(%dma_start3A_91 : memref<128xi32, #tpu.memory_space<vmem>>) semaphore(%run_scoped3A_88 : memref<!tpu.dma_semaphore, #tpu.memory_space<semaphore_mem>>) {add = true}
      %dma_wait3A_95 = arith.constant 0 : i32
      %dma_wait3A_96 = tpu.memref_slice %arg6[%run_scoped3A, %dma_wait3A_95] : memref<80x128xi32, #tpu.memory_space<vmem>> -> memref<1x128xi32, #tpu.memory_space<vmem>>
      %dma_wait3A_97 = tpu.memref_squeeze %dma_wait3A_96 : memref<1x128xi32, #tpu.memory_space<vmem>> -> memref<128xi32, #tpu.memory_space<vmem>>
      %dma_wait3A_98 = arith.constant 0 : i32
      %dma_wait3A_99 = arith.constant 0 : i32
      %dma_wait3A_100 = tpu.memref_slice %arg9[%dma_wait3A_98, %dma_wait3A_99] : memref<10240x128xf32, #tpu.memory_space<vmem_shared>> -> memref<10240x128xf32, #tpu.memory_space<vmem_shared>>
      tpu.wait_indirect_dma semaphore(%run_scoped3A_88 : memref<!tpu.dma_semaphore, #tpu.memory_space<semaphore_mem>>) src(%arg7 : memref<128x128xf32, #tpu.memory_space<vmem>>) dst(%dma_wait3A_100 : memref<10240x128xf32, #tpu.memory_space<vmem_shared>>)
      tpu.yield
    }) : () -> ()
    %dma_wait3A_41 = arith.constant 39 : i32
    %dma_wait3A_42 = arith.constant 0 : i32
    %dma_wait3A_43 = tpu.memref_slice %arg6[%dma_wait3A_41, %dma_wait3A_42] : memref<80x128xi32, #tpu.memory_space<vmem>> -> memref<1x128xi32, #tpu.memory_space<vmem>>
    %dma_wait3A_44 = tpu.memref_squeeze %dma_wait3A_43 : memref<1x128xi32, #tpu.memory_space<vmem>> -> memref<128xi32, #tpu.memory_space<vmem>>
    %dma_wait3A_45 = arith.constant 0 : i32
    %dma_wait3A_46 = arith.constant 0 : i32
    %dma_wait3A_47 = tpu.memref_slice %arg2[%dma_wait3A_45, %dma_wait3A_46] : memref<10240x128xf32, #tpu.memory_space<hbm>> -> memref<10240x128xf32, #tpu.memory_space<hbm>>
    tpu.wait_indirect_dma semaphore(%arg11 : memref<!tpu.dma_semaphore, #tpu.memory_space<semaphore_mem>>) src(%dma_wait3A_47 : memref<10240x128xf32, #tpu.memory_space<hbm>>) dst(%arg8 : memref<128x128xf32, #tpu.memory_space<vmem>>)
    %run_scoped3A_48 = arith.constant 79 : i32
    "tpu.region"() ({
      %run_scoped3A_88 = tpu.sem_alloc : memref<!tpu.dma_semaphore, #tpu.memory_space<semaphore_mem>>
      %dma_start3A_89 = arith.constant 0 : i32
      %dma_start3A_90 = tpu.memref_slice %arg6[%run_scoped3A_48, %dma_start3A_89] : memref<80x128xi32, #tpu.memory_space<vmem>> -> memref<1x128xi32, #tpu.memory_space<vmem>>
      %dma_start3A_91 = tpu.memref_squeeze %dma_start3A_90 : memref<1x128xi32, #tpu.memory_space<vmem>> -> memref<128xi32, #tpu.memory_space<vmem>>
      %dma_start3A_92 = arith.constant 0 : i32
      %dma_start3A_93 = arith.constant 0 : i32
      %dma_start3A_94 = tpu.memref_slice %arg9[%dma_start3A_92, %dma_start3A_93] : memref<10240x128xf32, #tpu.memory_space<vmem_shared>> -> memref<10240x128xf32, #tpu.memory_space<vmem_shared>>
      tpu.enqueue_indirect_dma source(%arg8 : memref<128x128xf32, #tpu.memory_space<vmem>>) target(%dma_start3A_94 : memref<10240x128xf32, #tpu.memory_space<vmem_shared>>) offsets(%dma_start3A_91 : memref<128xi32, #tpu.memory_space<vmem>>) semaphore(%run_scoped3A_88 : memref<!tpu.dma_semaphore, #tpu.memory_space<semaphore_mem>>) {add = true}
      %dma_wait3A_95 = arith.constant 0 : i32
      %dma_wait3A_96 = tpu.memref_slice %arg6[%run_scoped3A_48, %dma_wait3A_95] : memref<80x128xi32, #tpu.memory_space<vmem>> -> memref<1x128xi32, #tpu.memory_space<vmem>>
      %dma_wait3A_97 = tpu.memref_squeeze %dma_wait3A_96 : memref<1x128xi32, #tpu.memory_space<vmem>> -> memref<128xi32, #tpu.memory_space<vmem>>
      %dma_wait3A_98 = arith.constant 0 : i32
      %dma_wait3A_99 = arith.constant 0 : i32
      %dma_wait3A_100 = tpu.memref_slice %arg9[%dma_wait3A_98, %dma_wait3A_99] : memref<10240x128xf32, #tpu.memory_space<vmem_shared>> -> memref<10240x128xf32, #tpu.memory_space<vmem_shared>>
      tpu.wait_indirect_dma semaphore(%run_scoped3A_88 : memref<!tpu.dma_semaphore, #tpu.memory_space<semaphore_mem>>) src(%arg8 : memref<128x128xf32, #tpu.memory_space<vmem>>) dst(%dma_wait3A_100 : memref<10240x128xf32, #tpu.memory_space<vmem_shared>>)
      tpu.yield
    }) : () -> ()
    %add3A_49 = arith.constant 80 : i32
    %add3A_50 = arith.addi %mul3A_8, %add3A_49 : i32
    "tpu.region"() ({
      %run_scoped3A_88 = tpu.sem_alloc : memref<!tpu.dma_semaphore, #tpu.memory_space<semaphore_mem>>
      %dma_start3A_89 = arith.constant 0 : i32
      %dma_start3A_90 = tpu.memref_slice %arg3[%add3A_50, %dma_start3A_89] : memref<5120x128xi32, #tpu.memory_space<hbm>> -> memref<80x128xi32, #tpu.memory_space<hbm>>
      %dma_start3A_91 = arith.constant 0 : i32
      %dma_start3A_92 = tpu.memref_slice %arg3[%add3A_50, %dma_start3A_91] : memref<5120x128xi32, #tpu.memory_space<hbm>> -> memref<80x128xi32, #tpu.memory_space<hbm>>
      tpu.enqueue_dma source(%dma_start3A_92 : memref<80x128xi32, #tpu.memory_space<hbm>>) target(%arg6 : memref<80x128xi32, #tpu.memory_space<vmem>>) target_semaphore(%run_scoped3A_88 : memref<!tpu.dma_semaphore, #tpu.memory_space<semaphore_mem>>)
      %dma_wait3A_93 = arith.constant 0 : i32
      %dma_wait3A_94 = tpu.memref_slice %arg3[%add3A_50, %dma_wait3A_93] : memref<5120x128xi32, #tpu.memory_space<hbm>> -> memref<80x128xi32, #tpu.memory_space<hbm>>
      %dma_wait3A_95 = arith.constant 0 : i32
      %dma_wait3A_96 = tpu.memref_slice %arg3[%add3A_50, %dma_wait3A_95] : memref<5120x128xi32, #tpu.memory_space<hbm>> -> memref<80x128xi32, #tpu.memory_space<hbm>>
      tpu.wait_dma2 semaphore(%run_scoped3A_88 : memref<!tpu.dma_semaphore, #tpu.memory_space<semaphore_mem>>) src(%dma_wait3A_96 : memref<80x128xi32, #tpu.memory_space<hbm>>) dst(%arg6 : memref<80x128xi32, #tpu.memory_space<vmem>>)
      tpu.yield
    }) : () -> ()
    %dma_start3A_51 = arith.constant 0 : i32
    %dma_start3A_52 = arith.constant 0 : i32
    %dma_start3A_53 = tpu.memref_slice %arg6[%dma_start3A_51, %dma_start3A_52] : memref<80x128xi32, #tpu.memory_space<vmem>> -> memref<1x128xi32, #tpu.memory_space<vmem>>
    %dma_start3A_54 = tpu.memref_squeeze %dma_start3A_53 : memref<1x128xi32, #tpu.memory_space<vmem>> -> memref<128xi32, #tpu.memory_space<vmem>>
    %dma_start3A_55 = arith.constant 0 : i32
    %dma_start3A_56 = arith.constant 0 : i32
    %dma_start3A_57 = tpu.memref_slice %arg2[%dma_start3A_55, %dma_start3A_56] : memref<10240x128xf32, #tpu.memory_space<hbm>> -> memref<10240x128xf32, #tpu.memory_space<hbm>>
    tpu.enqueue_indirect_dma source(%dma_start3A_57 : memref<10240x128xf32, #tpu.memory_space<hbm>>) target(%arg7 : memref<128x128xf32, #tpu.memory_space<vmem>>) offsets(%dma_start3A_54 : memref<128xi32, #tpu.memory_space<vmem>>) semaphore(%arg10 : memref<!tpu.dma_semaphore, #tpu.memory_space<semaphore_mem>>)
    %dma_start3A_58 = arith.constant 1 : i32
    %dma_start3A_59 = arith.constant 0 : i32
    %dma_start3A_60 = tpu.memref_slice %arg6[%dma_start3A_58, %dma_start3A_59] : memref<80x128xi32, #tpu.memory_space<vmem>> -> memref<1x128xi32, #tpu.memory_space<vmem>>
    %dma_start3A_61 = tpu.memref_squeeze %dma_start3A_60 : memref<1x128xi32, #tpu.memory_space<vmem>> -> memref<128xi32, #tpu.memory_space<vmem>>
    %dma_start3A_62 = arith.constant 0 : i32
    %dma_start3A_63 = arith.constant 0 : i32
    %dma_start3A_64 = tpu.memref_slice %arg2[%dma_start3A_62, %dma_start3A_63] : memref<10240x128xf32, #tpu.memory_space<hbm>> -> memref<10240x128xf32, #tpu.memory_space<hbm>>
    tpu.enqueue_indirect_dma source(%dma_start3A_64 : memref<10240x128xf32, #tpu.memory_space<hbm>>) target(%arg8 : memref<128x128xf32, #tpu.memory_space<vmem>>) offsets(%dma_start3A_61 : memref<128xi32, #tpu.memory_space<vmem>>) semaphore(%arg11 : memref<!tpu.dma_semaphore, #tpu.memory_space<semaphore_mem>>)
    %scan3A_65 = arith.constant 0 : i32
    %scan3A_66 = arith.constant 0 : i32
    %scan3A_67 = arith.constant 19 : i32
    %scan3A_68 = arith.addi %scan3A_66, %scan3A_67 : i32
    %scan3A_69 = arith.constant 1 : i32
    scf.for %scan3A_88 = %scan3A_66 to %scan3A_68 step %scan3A_69  : i32 {
      %mul3A_89 = arith.constant 2 : i32
      %mul3A_90 = arith.muli %mul3A_89, %scan3A_88 : i32
      %add3A_91 = arith.constant 1 : i32
      %add3A_92 = arith.addi %mul3A_90, %add3A_91 : i32
      %dma_wait3A_93 = arith.constant 0 : i32
      %dma_wait3A_94 = tpu.memref_slice %arg6[%mul3A_90, %dma_wait3A_93] : memref<80x128xi32, #tpu.memory_space<vmem>> -> memref<1x128xi32, #tpu.memory_space<vmem>>
      %dma_wait3A_95 = tpu.memref_squeeze %dma_wait3A_94 : memref<1x128xi32, #tpu.memory_space<vmem>> -> memref<128xi32, #tpu.memory_space<vmem>>
      %dma_wait3A_96 = arith.constant 0 : i32
      %dma_wait3A_97 = arith.constant 0 : i32
      %dma_wait3A_98 = tpu.memref_slice %arg2[%dma_wait3A_96, %dma_wait3A_97] : memref<10240x128xf32, #tpu.memory_space<hbm>> -> memref<10240x128xf32, #tpu.memory_space<hbm>>
      tpu.wait_indirect_dma semaphore(%arg10 : memref<!tpu.dma_semaphore, #tpu.memory_space<semaphore_mem>>) src(%dma_wait3A_98 : memref<10240x128xf32, #tpu.memory_space<hbm>>) dst(%arg7 : memref<128x128xf32, #tpu.memory_space<vmem>>)
      %add3A_99 = arith.constant 40 : i32
      %add3A_100 = arith.addi %add3A_99, %mul3A_90 : i32
      "tpu.region"() ({
        %run_scoped3A_125 = tpu.sem_alloc : memref<!tpu.dma_semaphore, #tpu.memory_space<semaphore_mem>>
        %dma_start3A_126 = arith.constant 0 : i32
        %dma_start3A_127 = tpu.memref_slice %arg6[%add3A_100, %dma_start3A_126] : memref<80x128xi32, #tpu.memory_space<vmem>> -> memref<1x128xi32, #tpu.memory_space<vmem>>
        %dma_start3A_128 = tpu.memref_squeeze %dma_start3A_127 : memref<1x128xi32, #tpu.memory_space<vmem>> -> memref<128xi32, #tpu.memory_space<vmem>>
        %dma_start3A_129 = arith.constant 0 : i32
        %dma_start3A_130 = arith.constant 0 : i32
        %dma_start3A_131 = tpu.memref_slice %arg9[%dma_start3A_129, %dma_start3A_130] : memref<10240x128xf32, #tpu.memory_space<vmem_shared>> -> memref<10240x128xf32, #tpu.memory_space<vmem_shared>>
        tpu.enqueue_indirect_dma source(%arg7 : memref<128x128xf32, #tpu.memory_space<vmem>>) target(%dma_start3A_131 : memref<10240x128xf32, #tpu.memory_space<vmem_shared>>) offsets(%dma_start3A_128 : memref<128xi32, #tpu.memory_space<vmem>>) semaphore(%run_scoped3A_125 : memref<!tpu.dma_semaphore, #tpu.memory_space<semaphore_mem>>) {add = true}
        %dma_wait3A_132 = arith.constant 0 : i32
        %dma_wait3A_133 = tpu.memref_slice %arg6[%add3A_100, %dma_wait3A_132] : memref<80x128xi32, #tpu.memory_space<vmem>> -> memref<1x128xi32, #tpu.memory_space<vmem>>
        %dma_wait3A_134 = tpu.memref_squeeze %dma_wait3A_133 : memref<1x128xi32, #tpu.memory_space<vmem>> -> memref<128xi32, #tpu.memory_space<vmem>>
        %dma_wait3A_135 = arith.constant 0 : i32
        %dma_wait3A_136 = arith.constant 0 : i32
        %dma_wait3A_137 = tpu.memref_slice %arg9[%dma_wait3A_135, %dma_wait3A_136] : memref<10240x128xf32, #tpu.memory_space<vmem_shared>> -> memref<10240x128xf32, #tpu.memory_space<vmem_shared>>
        tpu.wait_indirect_dma semaphore(%run_scoped3A_125 : memref<!tpu.dma_semaphore, #tpu.memory_space<semaphore_mem>>) src(%arg7 : memref<128x128xf32, #tpu.memory_space<vmem>>) dst(%dma_wait3A_137 : memref<10240x128xf32, #tpu.memory_space<vmem_shared>>)
        tpu.yield
      }) : () -> ()
      %add3A_101 = arith.constant 2 : i32
      %add3A_102 = arith.addi %mul3A_90, %add3A_101 : i32
      %dma_start3A_103 = arith.constant 0 : i32
      %dma_start3A_104 = tpu.memref_slice %arg6[%add3A_102, %dma_start3A_103] : memref<80x128xi32, #tpu.memory_space<vmem>> -> memref<1x128xi32, #tpu.memory_space<vmem>>
      %dma_start3A_105 = tpu.memref_squeeze %dma_start3A_104 : memref<1x128xi32, #tpu.memory_space<vmem>> -> memref<128xi32, #tpu.memory_space<vmem>>
      %dma_start3A_106 = arith.constant 0 : i32
      %dma_start3A_107 = arith.constant 0 : i32
      %dma_start3A_108 = tpu.memref_slice %arg2[%dma_start3A_106, %dma_start3A_107] : memref<10240x128xf32, #tpu.memory_space<hbm>> -> memref<10240x128xf32, #tpu.memory_space<hbm>>
      tpu.enqueue_indirect_dma source(%dma_start3A_108 : memref<10240x128xf32, #tpu.memory_space<hbm>>) target(%arg7 : memref<128x128xf32, #tpu.memory_space<vmem>>) offsets(%dma_start3A_105 : memref<128xi32, #tpu.memory_space<vmem>>) semaphore(%arg10 : memref<!tpu.dma_semaphore, #tpu.memory_space<semaphore_mem>>)
      %dma_wait3A_109 = arith.constant 0 : i32
      %dma_wait3A_110 = tpu.memref_slice %arg6[%add3A_92, %dma_wait3A_109] : memref<80x128xi32, #tpu.memory_space<vmem>> -> memref<1x128xi32, #tpu.memory_space<vmem>>
      %dma_wait3A_111 = tpu.memref_squeeze %dma_wait3A_110 : memref<1x128xi32, #tpu.memory_space<vmem>> -> memref<128xi32, #tpu.memory_space<vmem>>
      %dma_wait3A_112 = arith.constant 0 : i32
      %dma_wait3A_113 = arith.constant 0 : i32
      %dma_wait3A_114 = tpu.memref_slice %arg2[%dma_wait3A_112, %dma_wait3A_113] : memref<10240x128xf32, #tpu.memory_space<hbm>> -> memref<10240x128xf32, #tpu.memory_space<hbm>>
      tpu.wait_indirect_dma semaphore(%arg11 : memref<!tpu.dma_semaphore, #tpu.memory_space<semaphore_mem>>) src(%dma_wait3A_114 : memref<10240x128xf32, #tpu.memory_space<hbm>>) dst(%arg8 : memref<128x128xf32, #tpu.memory_space<vmem>>)
      %add3A_115 = arith.constant 40 : i32
      %add3A_116 = arith.addi %add3A_115, %add3A_92 : i32
      "tpu.region"() ({
        %run_scoped3A_125 = tpu.sem_alloc : memref<!tpu.dma_semaphore, #tpu.memory_space<semaphore_mem>>
        %dma_start3A_126 = arith.constant 0 : i32
        %dma_start3A_127 = tpu.memref_slice %arg6[%add3A_116, %dma_start3A_126] : memref<80x128xi32, #tpu.memory_space<vmem>> -> memref<1x128xi32, #tpu.memory_space<vmem>>
        %dma_start3A_128 = tpu.memref_squeeze %dma_start3A_127 : memref<1x128xi32, #tpu.memory_space<vmem>> -> memref<128xi32, #tpu.memory_space<vmem>>
        %dma_start3A_129 = arith.constant 0 : i32
        %dma_start3A_130 = arith.constant 0 : i32
        %dma_start3A_131 = tpu.memref_slice %arg9[%dma_start3A_129, %dma_start3A_130] : memref<10240x128xf32, #tpu.memory_space<vmem_shared>> -> memref<10240x128xf32, #tpu.memory_space<vmem_shared>>
        tpu.enqueue_indirect_dma source(%arg8 : memref<128x128xf32, #tpu.memory_space<vmem>>) target(%dma_start3A_131 : memref<10240x128xf32, #tpu.memory_space<vmem_shared>>) offsets(%dma_start3A_128 : memref<128xi32, #tpu.memory_space<vmem>>) semaphore(%run_scoped3A_125 : memref<!tpu.dma_semaphore, #tpu.memory_space<semaphore_mem>>) {add = true}
        %dma_wait3A_132 = arith.constant 0 : i32
        %dma_wait3A_133 = tpu.memref_slice %arg6[%add3A_116, %dma_wait3A_132] : memref<80x128xi32, #tpu.memory_space<vmem>> -> memref<1x128xi32, #tpu.memory_space<vmem>>
        %dma_wait3A_134 = tpu.memref_squeeze %dma_wait3A_133 : memref<1x128xi32, #tpu.memory_space<vmem>> -> memref<128xi32, #tpu.memory_space<vmem>>
        %dma_wait3A_135 = arith.constant 0 : i32
        %dma_wait3A_136 = arith.constant 0 : i32
        %dma_wait3A_137 = tpu.memref_slice %arg9[%dma_wait3A_135, %dma_wait3A_136] : memref<10240x128xf32, #tpu.memory_space<vmem_shared>> -> memref<10240x128xf32, #tpu.memory_space<vmem_shared>>
        tpu.wait_indirect_dma semaphore(%run_scoped3A_125 : memref<!tpu.dma_semaphore, #tpu.memory_space<semaphore_mem>>) src(%arg8 : memref<128x128xf32, #tpu.memory_space<vmem>>) dst(%dma_wait3A_137 : memref<10240x128xf32, #tpu.memory_space<vmem_shared>>)
        tpu.yield
      }) : () -> ()
      %add3A_117 = arith.constant 2 : i32
      %add3A_118 = arith.addi %add3A_92, %add3A_117 : i32
      %dma_start3A_119 = arith.constant 0 : i32
      %dma_start3A_120 = tpu.memref_slice %arg6[%add3A_118, %dma_start3A_119] : memref<80x128xi32, #tpu.memory_space<vmem>> -> memref<1x128xi32, #tpu.memory_space<vmem>>
      %dma_start3A_121 = tpu.memref_squeeze %dma_start3A_120 : memref<1x128xi32, #tpu.memory_space<vmem>> -> memref<128xi32, #tpu.memory_space<vmem>>
      %dma_start3A_122 = arith.constant 0 : i32
      %dma_start3A_123 = arith.constant 0 : i32
      %dma_start3A_124 = tpu.memref_slice %arg2[%dma_start3A_122, %dma_start3A_123] : memref<10240x128xf32, #tpu.memory_space<hbm>> -> memref<10240x128xf32, #tpu.memory_space<hbm>>
      tpu.enqueue_indirect_dma source(%dma_start3A_124 : memref<10240x128xf32, #tpu.memory_space<hbm>>) target(%arg8 : memref<128x128xf32, #tpu.memory_space<vmem>>) offsets(%dma_start3A_121 : memref<128xi32, #tpu.memory_space<vmem>>) semaphore(%arg11 : memref<!tpu.dma_semaphore, #tpu.memory_space<semaphore_mem>>)
    }
    %scan3A_70 = arith.constant 19 : i32
    %dma_wait3A_71 = arith.constant 38 : i32
    %dma_wait3A_72 = arith.constant 0 : i32
    %dma_wait3A_73 = tpu.memref_slice %arg6[%dma_wait3A_71, %dma_wait3A_72] : memref<80x128xi32, #tpu.memory_space<vmem>> -> memref<1x128xi32, #tpu.memory_space<vmem>>
    %dma_wait3A_74 = tpu.memref_squeeze %dma_wait3A_73 : memref<1x128xi32, #tpu.memory_space<vmem>> -> memref<128xi32, #tpu.memory_space<vmem>>
    %dma_wait3A_75 = arith.constant 0 : i32
    %dma_wait3A_76 = arith.constant 0 : i32
    %dma_wait3A_77 = tpu.memref_slice %arg2[%dma_wait3A_75, %dma_wait3A_76] : memref<10240x128xf32, #tpu.memory_space<hbm>> -> memref<10240x128xf32, #tpu.memory_space<hbm>>
    tpu.wait_indirect_dma semaphore(%arg10 : memref<!tpu.dma_semaphore, #tpu.memory_space<semaphore_mem>>) src(%dma_wait3A_77 : memref<10240x128xf32, #tpu.memory_space<hbm>>) dst(%arg7 : memref<128x128xf32, #tpu.memory_space<vmem>>)
    %run_scoped3A_78 = arith.constant 78 : i32
    "tpu.region"() ({
      %run_scoped3A_88 = tpu.sem_alloc : memref<!tpu.dma_semaphore, #tpu.memory_space<semaphore_mem>>
      %dma_start3A_89 = arith.constant 0 : i32
      %dma_start3A_90 = tpu.memref_slice %arg6[%run_scoped3A_78, %dma_start3A_89] : memref<80x128xi32, #tpu.memory_space<vmem>> -> memref<1x128xi32, #tpu.memory_space<vmem>>
      %dma_start3A_91 = tpu.memref_squeeze %dma_start3A_90 : memref<1x128xi32, #tpu.memory_space<vmem>> -> memref<128xi32, #tpu.memory_space<vmem>>
      %dma_start3A_92 = arith.constant 0 : i32
      %dma_start3A_93 = arith.constant 0 : i32
      %dma_start3A_94 = tpu.memref_slice %arg9[%dma_start3A_92, %dma_start3A_93] : memref<10240x128xf32, #tpu.memory_space<vmem_shared>> -> memref<10240x128xf32, #tpu.memory_space<vmem_shared>>
      tpu.enqueue_indirect_dma source(%arg7 : memref<128x128xf32, #tpu.memory_space<vmem>>) target(%dma_start3A_94 : memref<10240x128xf32, #tpu.memory_space<vmem_shared>>) offsets(%dma_start3A_91 : memref<128xi32, #tpu.memory_space<vmem>>) semaphore(%run_scoped3A_88 : memref<!tpu.dma_semaphore, #tpu.memory_space<semaphore_mem>>) {add = true}
      %dma_wait3A_95 = arith.constant 0 : i32
      %dma_wait3A_96 = tpu.memref_slice %arg6[%run_scoped3A_78, %dma_wait3A_95] : memref<80x128xi32, #tpu.memory_space<vmem>> -> memref<1x128xi32, #tpu.memory_space<vmem>>
      %dma_wait3A_97 = tpu.memref_squeeze %dma_wait3A_96 : memref<1x128xi32, #tpu.memory_space<vmem>> -> memref<128xi32, #tpu.memory_space<vmem>>
      %dma_wait3A_98 = arith.constant 0 : i32
      %dma_wait3A_99 = arith.constant 0 : i32
      %dma_wait3A_100 = tpu.memref_slice %arg9[%dma_wait3A_98, %dma_wait3A_99] : memref<10240x128xf32, #tpu.memory_space<vmem_shared>> -> memref<10240x128xf32, #tpu.memory_space<vmem_shared>>
      tpu.wait_indirect_dma semaphore(%run_scoped3A_88 : memref<!tpu.dma_semaphore, #tpu.memory_space<semaphore_mem>>) src(%arg7 : memref<128x128xf32, #tpu.memory_space<vmem>>) dst(%dma_wait3A_100 : memref<10240x128xf32, #tpu.memory_space<vmem_shared>>)
      tpu.yield
    }) : () -> ()
    %dma_wait3A_79 = arith.constant 39 : i32
    %dma_wait3A_80 = arith.constant 0 : i32
    %dma_wait3A_81 = tpu.memref_slice %arg6[%dma_wait3A_79, %dma_wait3A_80] : memref<80x128xi32, #tpu.memory_space<vmem>> -> memref<1x128xi32, #tpu.memory_space<vmem>>
    %dma_wait3A_82 = tpu.memref_squeeze %dma_wait3A_81 : memref<1x128xi32, #tpu.memory_space<vmem>> -> memref<128xi32, #tpu.memory_space<vmem>>
    %dma_wait3A_83 = arith.constant 0 : i32
    %dma_wait3A_84 = arith.constant 0 : i32
    %dma_wait3A_85 = tpu.memref_slice %arg2[%dma_wait3A_83, %dma_wait3A_84] : memref<10240x128xf32, #tpu.memory_space<hbm>> -> memref<10240x128xf32, #tpu.memory_space<hbm>>
    tpu.wait_indirect_dma semaphore(%arg11 : memref<!tpu.dma_semaphore, #tpu.memory_space<semaphore_mem>>) src(%dma_wait3A_85 : memref<10240x128xf32, #tpu.memory_space<hbm>>) dst(%arg8 : memref<128x128xf32, #tpu.memory_space<vmem>>)
    %run_scoped3A_86 = arith.constant 79 : i32
    "tpu.region"() ({
      %run_scoped3A_88 = tpu.sem_alloc : memref<!tpu.dma_semaphore, #tpu.memory_space<semaphore_mem>>
      %dma_start3A_89 = arith.constant 0 : i32
      %dma_start3A_90 = tpu.memref_slice %arg6[%run_scoped3A_86, %dma_start3A_89] : memref<80x128xi32, #tpu.memory_space<vmem>> -> memref<1x128xi32, #tpu.memory_space<vmem>>
      %dma_start3A_91 = tpu.memref_squeeze %dma_start3A_90 : memref<1x128xi32, #tpu.memory_space<vmem>> -> memref<128xi32, #tpu.memory_space<vmem>>
      %dma_start3A_92 = arith.constant 0 : i32
      %dma_start3A_93 = arith.constant 0 : i32
      %dma_start3A_94 = tpu.memref_slice %arg9[%dma_start3A_92, %dma_start3A_93] : memref<10240x128xf32, #tpu.memory_space<vmem_shared>> -> memref<10240x128xf32, #tpu.memory_space<vmem_shared>>
      tpu.enqueue_indirect_dma source(%arg8 : memref<128x128xf32, #tpu.memory_space<vmem>>) target(%dma_start3A_94 : memref<10240x128xf32, #tpu.memory_space<vmem_shared>>) offsets(%dma_start3A_91 : memref<128xi32, #tpu.memory_space<vmem>>) semaphore(%run_scoped3A_88 : memref<!tpu.dma_semaphore, #tpu.memory_space<semaphore_mem>>) {add = true}
      %dma_wait3A_95 = arith.constant 0 : i32
      %dma_wait3A_96 = tpu.memref_slice %arg6[%run_scoped3A_86, %dma_wait3A_95] : memref<80x128xi32, #tpu.memory_space<vmem>> -> memref<1x128xi32, #tpu.memory_space<vmem>>
      %dma_wait3A_97 = tpu.memref_squeeze %dma_wait3A_96 : memref<1x128xi32, #tpu.memory_space<vmem>> -> memref<128xi32, #tpu.memory_space<vmem>>
      %dma_wait3A_98 = arith.constant 0 : i32
      %dma_wait3A_99 = arith.constant 0 : i32
      %dma_wait3A_100 = tpu.memref_slice %arg9[%dma_wait3A_98, %dma_wait3A_99] : memref<10240x128xf32, #tpu.memory_space<vmem_shared>> -> memref<10240x128xf32, #tpu.memory_space<vmem_shared>>
      tpu.wait_indirect_dma semaphore(%run_scoped3A_88 : memref<!tpu.dma_semaphore, #tpu.memory_space<semaphore_mem>>) src(%arg8 : memref<128x128xf32, #tpu.memory_space<vmem>>) dst(%dma_wait3A_100 : memref<10240x128xf32, #tpu.memory_space<vmem_shared>>)
      tpu.yield
    }) : () -> ()
    %barrier3A_87 = arith.constant 0 : index
    tpu.barrier barrier_id(%barrier3A_87)
    "tpu.region"() ({
      %run_scoped3A_88 = tpu.sem_alloc : memref<!tpu.dma_semaphore, #tpu.memory_space<semaphore_mem>>
      %dma_start3A_89 = arith.constant 0 : i32
      %dma_start3A_90 = tpu.memref_slice %arg5[%arg0, %mul3A_2, %dma_start3A_89] : memref<2x10240x128xf32, #tpu.memory_space<hbm>> -> memref<1x640x128xf32, #tpu.memory_space<hbm>>
      %dma_start3A_91 = tpu.memref_squeeze %dma_start3A_90 : memref<1x640x128xf32, #tpu.memory_space<hbm>> -> memref<640x128xf32, #tpu.memory_space<hbm>>
      %dma_start3A_92 = arith.constant 0 : i32
      %dma_start3A_93 = tpu.memref_slice %arg9[%mul3A_2, %dma_start3A_92] : memref<10240x128xf32, #tpu.memory_space<vmem_shared>> -> memref<640x128xf32, #tpu.memory_space<vmem_shared>>
      tpu.enqueue_dma source(%dma_start3A_93 : memref<640x128xf32, #tpu.memory_space<vmem_shared>>) target(%dma_start3A_91 : memref<640x128xf32, #tpu.memory_space<hbm>>) target_semaphore(%run_scoped3A_88 : memref<!tpu.dma_semaphore, #tpu.memory_space<semaphore_mem>>)
      %dma_wait3A_94 = arith.constant 0 : i32
      %dma_wait3A_95 = tpu.memref_slice %arg5[%arg0, %mul3A_2, %dma_wait3A_94] : memref<2x10240x128xf32, #tpu.memory_space<hbm>> -> memref<1x640x128xf32, #tpu.memory_space<hbm>>
      %dma_wait3A_96 = tpu.memref_squeeze %dma_wait3A_95 : memref<1x640x128xf32, #tpu.memory_space<hbm>> -> memref<640x128xf32, #tpu.memory_space<hbm>>
      %dma_wait3A_97 = arith.constant 0 : i32
      %dma_wait3A_98 = tpu.memref_slice %arg9[%mul3A_2, %dma_wait3A_97] : memref<10240x128xf32, #tpu.memory_space<vmem_shared>> -> memref<640x128xf32, #tpu.memory_space<vmem_shared>>
      tpu.wait_dma2 semaphore(%run_scoped3A_88 : memref<!tpu.dma_semaphore, #tpu.memory_space<semaphore_mem>>) src(%dma_wait3A_98 : memref<640x128xf32, #tpu.memory_space<vmem_shared>>) dst(%dma_wait3A_96 : memref<640x128xf32, #tpu.memory_space<hbm>>)
      tpu.yield
    }) : () -> ()
    return
  }
}

module attributes {stable_mosaic.version = 14 : i64} {
  func.func @body(%arg0: i32, %arg1: memref<2x2048x128xf32, #tpu.memory_space<vmem>>, %arg2: memref<128x128xf32, #tpu.memory_space<vmem>>, %arg3: memref<1x128xf32, #tpu.memory_space<vmem>>, %arg4: memref<128x128xf32, #tpu.memory_space<vmem>>, %arg5: memref<1x128xf32, #tpu.memory_space<vmem>>, %arg6: memref<2048x128xf32, #tpu.memory_space<vmem>>) attributes {dimension_semantics = [#tpu.dimension_semantics<arbitrary>], iteration_bounds = array<i64: 5>, scalar_prefetch = 0 : i64, scratch_operands = 0 : i64, tpu.core_type = #tpu.core_type<tc>, window_params = [{transform_indices = @transform_0, window_bounds = array<i64: 2, 2048, 128>}, {pipeline_mode = #tpu.pipeline_mode<synchronous>, transform_indices = @transform_1, window_bounds = array<i64: 128, 128>}, {pipeline_mode = #tpu.pipeline_mode<synchronous>, transform_indices = @transform_2, window_bounds = array<i64: 1, 128>}, {pipeline_mode = #tpu.pipeline_mode<synchronous>, transform_indices = @transform_3, window_bounds = array<i64: 128, 128>}, {pipeline_mode = #tpu.pipeline_mode<synchronous>, transform_indices = @transform_4, window_bounds = array<i64: 1, 128>}, {transform_indices = @transform_5, window_bounds = array<i64: 2048, 128>}]} {
    %get3A = arith.constant 0 : index
    %get3A_0 = arith.constant 0 : index
    %get3A_1 = arith.constant 0 : index
    %get3A_2 = vector.load %arg1[%get3A, %get3A_0, %get3A_1] : memref<2x2048x128xf32, #tpu.memory_space<vmem>>, vector<1x2048x128xf32>
    %get3A_3 = vector.shape_cast %get3A_2 : vector<1x2048x128xf32> to vector<2048x128xf32>
    %get3A_4 = arith.constant 1 : index
    %get3A_5 = arith.constant 0 : index
    %get3A_6 = arith.constant 0 : index
    %get3A_7 = vector.load %arg1[%get3A_4, %get3A_5, %get3A_6] : memref<2x2048x128xf32, #tpu.memory_space<vmem>>, vector<1x2048x128xf32>
    %get3A_8 = vector.shape_cast %get3A_7 : vector<1x2048x128xf32> to vector<2048x128xf32>
    %add3A = arith.addf %get3A_3, %get3A_8 : vector<2048x128xf32>
    %get3A_9 = arith.constant 0 : index
    %get3A_10 = arith.constant 0 : index
    %get3A_11 = vector.load %arg2[%get3A_9, %get3A_10] : memref<128x128xf32, #tpu.memory_space<vmem>>, vector<128x128xf32>
    %dot_general3A = arith.constant dense<0.000000e+00> : vector<2048x128xf32>
    %dot_general3A_12 = tpu.matmul %add3A, %get3A_11, %dot_general3A {dimension_numbers = #tpu.dot_dimension_numbers<[1], [0], [0], [1], [0, 0, 1, 1], [], []>, transpose_lhs_hint = false} : vector<2048x128xf32>, vector<128x128xf32>, vector<2048x128xf32> -> vector<2048x128xf32>
    %get3A_13 = arith.constant 0 : index
    %get3A_14 = arith.constant 0 : index
    %get3A_15 = vector.load %arg3[%get3A_13, %get3A_14] : memref<1x128xf32, #tpu.memory_space<vmem>>, vector<1x128xf32>
    %add3A_16 = vector.broadcast %get3A_15 : vector<1x128xf32> to vector<2048x128xf32>
    %add3A_17 = arith.addf %dot_general3A_12, %add3A_16 : vector<2048x128xf32>
    %max3A = arith.constant 0.000000e+00 : f32
    %max3A_18 = vector.broadcast %max3A : f32 to vector<2048x128xf32>
    %max3A_19 = arith.maximumf %add3A_17, %max3A_18 : vector<2048x128xf32>
    %get3A_20 = arith.constant 0 : index
    %get3A_21 = arith.constant 0 : index
    %get3A_22 = vector.load %arg4[%get3A_20, %get3A_21] : memref<128x128xf32, #tpu.memory_space<vmem>>, vector<128x128xf32>
    %dot_general3A_23 = arith.constant dense<0.000000e+00> : vector<2048x128xf32>
    %dot_general3A_24 = tpu.matmul %max3A_19, %get3A_22, %dot_general3A_23 {dimension_numbers = #tpu.dot_dimension_numbers<[1], [0], [0], [1], [0, 0, 1, 1], [], []>, transpose_lhs_hint = false} : vector<2048x128xf32>, vector<128x128xf32>, vector<2048x128xf32> -> vector<2048x128xf32>
    %get3A_25 = arith.constant 0 : index
    %get3A_26 = arith.constant 0 : index
    %get3A_27 = vector.load %arg5[%get3A_25, %get3A_26] : memref<1x128xf32, #tpu.memory_space<vmem>>, vector<1x128xf32>
    %add3A_28 = vector.broadcast %get3A_27 : vector<1x128xf32> to vector<2048x128xf32>
    %add3A_29 = arith.addf %dot_general3A_24, %add3A_28 : vector<2048x128xf32>
    %max3A_30 = arith.constant 0.000000e+00 : f32
    %max3A_31 = vector.broadcast %max3A_30 : f32 to vector<2048x128xf32>
    %max3A_32 = arith.maximumf %add3A_29, %max3A_31 : vector<2048x128xf32>
    %swap3A = arith.constant 0 : index
    %swap3A_33 = arith.constant 0 : index
    %swap3A_34 = vector.load %arg6[%swap3A, %swap3A_33] : memref<2048x128xf32, #tpu.memory_space<vmem>>, vector<2048x128xf32>
    tpu.vector_store %arg6[%swap3A, %swap3A_33], %max3A_32 {strides = array<i32>} : memref<2048x128xf32, #tpu.memory_space<vmem>>, vector<2048x128xf32>,
    return
  }
  func.func @transform_0(%arg0: i32) -> (i32, i32, i32) {
    %c0_i32 = arith.constant 0 : i32
    %c0_i32_0 = arith.constant 0 : i32
    %c0_i32_1 = arith.constant 0 : i32
    return %c0_i32, %arg0, %c0_i32_0 : i32, i32, i32
  }
  func.func @transform_1(%arg0: i32) -> (i32, i32) {
    %c0_i32 = arith.constant 0 : i32
    %c0_i32_0 = arith.constant 0 : i32
    %c0_i32_1 = arith.constant 0 : i32
    return %c0_i32, %c0_i32_0 : i32, i32
  }
  func.func @transform_2(%arg0: i32) -> (i32, i32) {
    %c0_i32 = arith.constant 0 : i32
    %c0_i32_0 = arith.constant 0 : i32
    %c0_i32_1 = arith.constant 0 : i32
    return %c0_i32, %c0_i32_0 : i32, i32
  }
  func.func @transform_3(%arg0: i32) -> (i32, i32) {
    %c0_i32 = arith.constant 0 : i32
    %c0_i32_0 = arith.constant 0 : i32
    %c0_i32_1 = arith.constant 0 : i32
    return %c0_i32, %c0_i32_0 : i32, i32
  }
  func.func @transform_4(%arg0: i32) -> (i32, i32) {
    %c0_i32 = arith.constant 0 : i32
    %c0_i32_0 = arith.constant 0 : i32
    %c0_i32_1 = arith.constant 0 : i32
    return %c0_i32, %c0_i32_0 : i32, i32
  }
  func.func @transform_5(%arg0: i32) -> (i32, i32) {
    %c0_i32 = arith.constant 0 : i32
    %c0_i32_0 = arith.constant 0 : i32
    return %arg0, %c0_i32 : i32, i32
  }
}

module attributes {stable_mosaic.version = 14 : i64} {
  func.func @body(%arg0: i32, %arg1: memref<2x2000x128xf32, #tpu.memory_space<vmem>>, %arg2: memref<128x128xf32, #tpu.memory_space<vmem>>, %arg3: memref<1x128xf32, #tpu.memory_space<vmem>>, %arg4: memref<128x128xf32, #tpu.memory_space<vmem>>, %arg5: memref<1x128xf32, #tpu.memory_space<vmem>>, %arg6: memref<2000x128xf32, #tpu.memory_space<vmem>>) attributes {dimension_semantics = [#tpu.dimension_semantics<arbitrary>], iteration_bounds = array<i64: 5>, scalar_prefetch = 0 : i64, scratch_operands = 0 : i64, tpu.core_type = #tpu.core_type<tc>, window_params = [{transform_indices = @transform_0, window_bounds = array<i64: 2, 2000, 128>}, {pipeline_mode = #tpu.pipeline_mode<synchronous>, transform_indices = @transform_1, window_bounds = array<i64: 128, 128>}, {pipeline_mode = #tpu.pipeline_mode<synchronous>, transform_indices = @transform_2, window_bounds = array<i64: 1, 128>}, {pipeline_mode = #tpu.pipeline_mode<synchronous>, transform_indices = @transform_3, window_bounds = array<i64: 128, 128>}, {pipeline_mode = #tpu.pipeline_mode<synchronous>, transform_indices = @transform_4, window_bounds = array<i64: 1, 128>}, {transform_indices = @transform_5, window_bounds = array<i64: 2000, 128>}]} {
    %get3A = arith.constant 0 : index
    %get3A_0 = arith.constant 0 : index
    %get3A_1 = arith.constant 0 : index
    %get3A_2 = vector.load %arg1[%get3A, %get3A_0, %get3A_1] : memref<2x2000x128xf32, #tpu.memory_space<vmem>>, vector<1x2000x128xf32>
    %get3A_3 = vector.shape_cast %get3A_2 : vector<1x2000x128xf32> to vector<2000x128xf32>
    %get3A_4 = arith.constant 1 : index
    %get3A_5 = arith.constant 0 : index
    %get3A_6 = arith.constant 0 : index
    %get3A_7 = vector.load %arg1[%get3A_4, %get3A_5, %get3A_6] : memref<2x2000x128xf32, #tpu.memory_space<vmem>>, vector<1x2000x128xf32>
    %get3A_8 = vector.shape_cast %get3A_7 : vector<1x2000x128xf32> to vector<2000x128xf32>
    %add3A = arith.addf %get3A_3, %get3A_8 : vector<2000x128xf32>
    %get3A_9 = arith.constant 0 : index
    %get3A_10 = arith.constant 0 : index
    %get3A_11 = vector.load %arg2[%get3A_9, %get3A_10] : memref<128x128xf32, #tpu.memory_space<vmem>>, vector<128x128xf32>
    %dot_general3A = arith.constant dense<0.000000e+00> : vector<2000x128xf32>
    %dot_general3A_12 = tpu.matmul %add3A, %get3A_11, %dot_general3A {dimension_numbers = #tpu.dot_dimension_numbers<[1], [0], [0], [1], [0, 0, 1, 1], [], []>, transpose_lhs_hint = false} : vector<2000x128xf32>, vector<128x128xf32>, vector<2000x128xf32> -> vector<2000x128xf32>
    %get3A_13 = arith.constant 0 : index
    %get3A_14 = arith.constant 0 : index
    %get3A_15 = vector.load %arg3[%get3A_13, %get3A_14] : memref<1x128xf32, #tpu.memory_space<vmem>>, vector<1x128xf32>
    %add3A_16 = vector.broadcast %get3A_15 : vector<1x128xf32> to vector<2000x128xf32>
    %add3A_17 = arith.addf %dot_general3A_12, %add3A_16 : vector<2000x128xf32>
    %max3A = arith.constant 0.000000e+00 : f32
    %max3A_18 = vector.broadcast %max3A : f32 to vector<2000x128xf32>
    %max3A_19 = arith.maximumf %add3A_17, %max3A_18 : vector<2000x128xf32>
    %get3A_20 = arith.constant 0 : index
    %get3A_21 = arith.constant 0 : index
    %get3A_22 = vector.load %arg4[%get3A_20, %get3A_21] : memref<128x128xf32, #tpu.memory_space<vmem>>, vector<128x128xf32>
    %dot_general3A_23 = arith.constant dense<0.000000e+00> : vector<2000x128xf32>
    %dot_general3A_24 = tpu.matmul %max3A_19, %get3A_22, %dot_general3A_23 {dimension_numbers = #tpu.dot_dimension_numbers<[1], [0], [0], [1], [0, 0, 1, 1], [], []>, transpose_lhs_hint = false} : vector<2000x128xf32>, vector<128x128xf32>, vector<2000x128xf32> -> vector<2000x128xf32>
    %get3A_25 = arith.constant 0 : index
    %get3A_26 = arith.constant 0 : index
    %get3A_27 = vector.load %arg5[%get3A_25, %get3A_26] : memref<1x128xf32, #tpu.memory_space<vmem>>, vector<1x128xf32>
    %add3A_28 = vector.broadcast %get3A_27 : vector<1x128xf32> to vector<2000x128xf32>
    %add3A_29 = arith.addf %dot_general3A_24, %add3A_28 : vector<2000x128xf32>
    %swap3A = arith.constant 0 : index
    %swap3A_30 = arith.constant 0 : index
    %swap3A_31 = vector.load %arg6[%swap3A, %swap3A_30] : memref<2000x128xf32, #tpu.memory_space<vmem>>, vector<2000x128xf32>
    tpu.vector_store %arg6[%swap3A, %swap3A_30], %add3A_29 {strides = array<i32>} : memref<2000x128xf32, #tpu.memory_space<vmem>>, vector<2000x128xf32>,
    return
  }
  func.func @transform_0(%arg0: i32) -> (i32, i32, i32) {
    %c0_i32 = arith.constant 0 : i32
    %c0_i32_0 = arith.constant 0 : i32
    %c0_i32_1 = arith.constant 0 : i32
    return %c0_i32, %arg0, %c0_i32_0 : i32, i32, i32
  }
  func.func @transform_1(%arg0: i32) -> (i32, i32) {
    %c0_i32 = arith.constant 0 : i32
    %c0_i32_0 = arith.constant 0 : i32
    %c0_i32_1 = arith.constant 0 : i32
    return %c0_i32, %c0_i32_0 : i32, i32
  }
  func.func @transform_2(%arg0: i32) -> (i32, i32) {
    %c0_i32 = arith.constant 0 : i32
    %c0_i32_0 = arith.constant 0 : i32
    %c0_i32_1 = arith.constant 0 : i32
    return %c0_i32, %c0_i32_0 : i32, i32
  }
  func.func @transform_3(%arg0: i32) -> (i32, i32) {
    %c0_i32 = arith.constant 0 : i32
    %c0_i32_0 = arith.constant 0 : i32
    %c0_i32_1 = arith.constant 0 : i32
    return %c0_i32, %c0_i32_0 : i32, i32
  }
  func.func @transform_4(%arg0: i32) -> (i32, i32) {
    %c0_i32 = arith.constant 0 : i32
    %c0_i32_0 = arith.constant 0 : i32
    %c0_i32_1 = arith.constant 0 : i32
    return %c0_i32, %c0_i32_0 : i32, i32
  }
  func.func @transform_5(%arg0: i32) -> (i32, i32) {
    %c0_i32 = arith.constant 0 : i32
    %c0_i32_0 = arith.constant 0 : i32
    return %arg0, %c0_i32 : i32, i32
  }
}

</mosaic_0001>

<sc_bundles>
// kernel: kernel.11.cloned.1.call-start
scs
__scs_entry_jumppad:
0x0: {  	(pc) =	sbr.rel $0x88, $3  }
0x1: {  	(tag) =	ssettag $0x0;
	lr =	simm.s32 $0x1  }
0x2: {  	[smem:$0x3F93] =	sst lr;
	_ =	strace $0xD0000000  }
0x3: {  	_ = 	snop  }
0x4: {  	_ = 	snop  }
0x5: {  	_ = 	snop  }
0x6: {  	_ = 	snop  }
0x7: {  	_ = 	snop  }
__scs_overlays_trampoline_lowered:
0x8: {  	[smem:$0x3FA2] =	sst s0  }
0x9: {  	[smem:$0x3FA3] =	sst s1  }
0xa: {  	[smem:$0x3FA4] =	sst s2  }
0xb: {  	[smem:$0x3FA5] =	sst s3  }
0xc: {  	[smem:$0x3FA6] =	sst s4  }
0xd: {  	[smem:$0x3FA7] =	sst s5  }
0xe: {  	[smem:$0x3FA8] =	sst s6  }
0xf: {  	[smem:$0x3FA9] =	sst s7  }
0x10: {  	[smem:$0x3FAA] =	sst s8  }
0x11: {  	[smem:$0x3FAB] =	sst s9;
	s0 =	simm.s32 @!p0 $0x0  }
0x12: {  	s1 =	sld [smem:$0x3F91];
	s0 =	simm.s32 @p0 $0x1  }
0x13: {  	[smem:$0x3FAC] =	sst s0;
	s0 =	simm.s32 @!p1 $0x0  }
0x14: {  	s2 =	sld [smem:$0x3F90];
	s0 =	simm.s32 @p1 $0x1  }
0x15: {  	[smem:$0x3FAD] =	sst s0;
	s0 =	simm.s32 @!p2 $0x0  }
0x16: {  	s3 =	sld [smem:$0x3FDB];
	s0 =	simm.s32 @p2 $0x1  }
0x17: {  	s4 =	simm.s32 $0x1BF5;
	[smem:$0x3FAF] =	sst s0  }
0x18: {  	s0 =	sld [smem:$0x3F92];
	_ =	swait.ge [sflag:s4], $0x0  }
0x19: {  	s7 =	sld [smem:$0x3F93]  }
0x1a: {  	s8 =	sadd.s32 $0xFFFFE003, lr  }
0x1b: {  	s9 =	sadd.s32 $0xFFFFFEF7, lr;
	s5 =	simm.s32 $0xFFFFFFFF;
	p2 =	slt.u32 s8, $0xFFFFF086  }
0x1c: {  	p1 =	slt.u32 s9, $0xF7A;
	s5 =	simm.s32 @!p2 $0x0  }
0x1d: {  	s5 =	simm.s32 @p1 $0x1;
	p0 =	seq.s32 s7, s2  }
0x1e: {  	s7 =	smul.u32 @!p0 $0xF7A, s2;
	p2 =	seq.s32 @!p0 s5, $0x0  }
0x1f: {  	s9 =	smul.u32 $0xF7A, s1;
	s8 =	simm.s32 @!p0 $0x1BF5;
	p2 =	por !p2, p0  }
0x20: {  	[sflag:s8] =	ssyncset.s32 @!p0 $0xFFFFF086;
	s6 =	sadd.s32 @!p0 s3, s7;
	s7 =	simm.s32 @!p0 $0x108  }
0x21: {  	s3 =	sadd.s32 s3, s9;
	s6 =	sadd.s32 @!p0 $0x88, s6;
	s7 =	simm.s32 @p2 $0x1082  }
0x22: {  	[simem:s7], [sflag:s8] =	dma.local @!p0 [hbm:s6], $0xF7A  }
0x23: {  	s9 =	sor.u32 $0xD0000000, s2;
	s6 =	simm.s32 $0x108;
	_ =	swait.ge @!p0 [sflag:s8], $0x0  }
0x24: {  	s3 =	sadd.s32 $0x88, s3;
	s6 =	simm.s32 @!p1 $0x1082;
	[sflag:s4] =	ssyncset.s32 $0xFFFFF086  }
0x25: {  	[simem:s6], [sflag:s4] =	dma.local [hbm:s3], $0xF7A  }
0x26: {  	[smem:$0x3F93] =	sst s1;
	(tag) =	ssettag s2;
	_ =	strace s9  }
0x27: {  	s1 =	sld [smem:$0x3FA3]  }
0x28: {  	s2 =	sld [smem:$0x3FA4]  }
0x29: {  	s4 =	sld [smem:$0x3FA6]  }
0x2a: {  	p0 =	seq.s32 s5, $0x0;
	s5 =	sld [smem:$0x3FA7]  }
0x2b: {  	s6 =	sld [smem:$0x3FA8]  }
0x2c: {  	s7 =	sld [smem:$0x3FA9]  }
0x2d: {  	s3 =	simm.s32 $0x108;
	s8 =	sld [smem:$0x3FAA]  }
0x2e: {  	s3 =	simm.s32 @!p0 $0x1082;
	s9 =	sld [smem:$0x3FAB]  }
0x2f: {  	lr =	sadd.s32 s0, s3;
	s0 =	sld [smem:$0x3FA2]  }
0x30: {  	s3 =	sld [smem:$0x3FA5]  }
0x31: {  	[smem:$0x3FAE] =	sst s10  }
0x32: {  	s10 =	sld [smem:$0x3FAC];
	_ =	sdelay $0x3  }
0x33: {  	p0 =	seq.s32 s10, $0x1;
	s10 =	sld [smem:$0x3FAE];
	_ =	sdelay $0x3  }
0x34: {  	[smem:$0x3FAE] =	sst s10  }
0x35: {  	s10 =	sld [smem:$0x3FAD];
	_ =	sdelay $0x3  }
0x36: {  	p1 =	seq.s32 s10, $0x1;
	s10 =	sld [smem:$0x3FAE];
	_ =	sdelay $0x3  }
0x37: {  	[smem:$0x3FAE] =	sst s10  }
0x38: {  	s10 =	sld [smem:$0x3FAF]  }
0x39: {  	_ = 	snop;
	(pc) =	sbr.ind lr, $3  }
0x3a: {  	_ = 	snop  }
0x3b: {  	_ = 	snop  }
0x3c: {  	p2 =	seq.s32 s10, $0x1;
	s10 =	sld [smem:$0x3FAE]  }
0x3d: {  	_ =	shalt  }
0x3e: {  	_ =	shalt  }
0x3f: {  	_ =	shalt  }
0x40: {  	_ =	shalt  }
0x41: {  	_ =	shalt  }
0x42: {  	_ =	shalt  }
0x43: {  	_ =	shalt  }
0x44: {  	_ =	shalt  }
0x45: {  	_ =	shalt  }
0x46: {  	_ =	shalt  }
0x47: {  	_ =	shalt  }
0x48: {  	_ =	shalt  }
0x49: {  	_ =	shalt  }
0x4a: {  	_ =	shalt  }
0x4b: {  	_ =	shalt  }
0x4c: {  	_ =	shalt  }
0x4d: {  	_ =	shalt  }
0x4e: {  	_ =	shalt  }
0x4f: {  	_ =	shalt  }
0x50: {  	_ =	shalt  }
0x51: {  	_ =	shalt  }
0x52: {  	_ =	shalt  }
0x53: {  	_ =	shalt  }
0x54: {  	_ =	shalt  }
0x55: {  	_ =	shalt  }
0x56: {  	_ =	shalt  }
0x57: {  	_ =	shalt  }
0x58: {  	_ =	shalt  }
0x59: {  	_ =	shalt  }
0x5a: {  	_ =	shalt  }
0x5b: {  	_ =	shalt  }
0x5c: {  	_ =	shalt  }
0x5d: {  	_ =	shalt  }
0x5e: {  	_ =	shalt  }
0x5f: {  	_ =	shalt  }
0x60: {  	_ =	shalt  }
0x61: {  	_ =	shalt  }
0x62: {  	_ =	shalt  }
0x63: {  	_ =	shalt  }
0x64: {  	_ =	shalt  }
0x65: {  	_ =	shalt  }
0x66: {  	_ =	shalt  }
0x67: {  	_ =	shalt  }
0x68: {  	_ =	shalt  }
0x69: {  	_ =	shalt  }
0x6a: {  	_ =	shalt  }
0x6b: {  	_ =	shalt  }
0x6c: {  	_ =	shalt  }
0x6d: {  	_ =	shalt  }
0x6e: {  	_ =	shalt  }
0x6f: {  	_ =	shalt  }
0x70: {  	_ =	shalt  }
0x71: {  	_ =	shalt  }
0x72: {  	_ =	shalt  }
0x73: {  	_ =	shalt  }
0x74: {  	_ =	shalt  }
0x75: {  	_ =	shalt  }
0x76: {  	_ =	shalt  }
0x77: {  	_ =	shalt  }
0x78: {  	_ =	shalt  }
0x79: {  	_ =	shalt  }
0x7a: {  	_ =	shalt  }
0x7b: {  	_ =	shalt  }
0x7c: {  	_ =	shalt  }
0x7d: {  	_ =	shalt  }
0x7e: {  	_ =	shalt  }
0x7f: {  	_ =	shalt  }
0x80: {  	_ =	shalt  }
0x81: {  	_ =	shalt  }
0x82: {  	_ =	shalt  }
0x83: {  	_ =	shalt  }
0x84: {  	_ =	shalt  }
0x85: {  	_ =	shalt  }
0x86: {  	_ =	shalt  }
0x87: {  	_ =	shalt  }
.Lfunc_end0:
.L_simem_size_0:
called_computation.1_lowered:
.L_overlay_start_0:
0x88: {  	s2 =	sld [smem:$0x3FD9]  }
0x89: {  	s3 =	sld [smem:$0x3FFE];
	_ =	sdelay $0x1  }
0x8a: {  	s1 =	srdreg.scid  }
0x8b: {  	s0 =	sand.u32 $0x1, s1  }
0x8c: {  	s17 =	sshll.u32 s0, $0xA;
	s2 =	sadd.s32 s3, s2  }
0x8d: {  	s2 =	sadd.s32 s2, s17  }
0x8e: {  	[smem:$0x3FBA] =	sst s2  }
0x8f: {  	_ = 	snop  }
0x90: {  	s2 =	sld [smem:$0x3FD0];
	(tm) =	ssettm $0x1  }
0x91: {  	s18 =	sld [smem:$0x3FFB];
	_ =	sdelay $0x3  }
0x92: {  	_ =	strace s18  }
0x93: {  	s3 =	sld [smem:$0x3FFC];
	_ =	sdelay $0x3  }
0x94: {  	_ =	strace s3  }
0x95: {  	s3 =	sld [smem:$0x3FFD];
	_ =	sdelay $0x3  }
0x96: {  	_ =	strace s3  }
0x97: {  	_ =	strace $0x8FFFFFFF  }
0x98: {  	s19 =	sld [smem:$0x3FDB];
	_ =	sdelay $0x1  }
0x99: {  	s4 =	simm.s32 $_scs_section_size  }
0x9a: {  	s5 =	simm.s32 $_size__tile_overlayer_lowered;
	s6 =	simm.s32 $_tile_overlayer_lowered  }
0x9b: {  	s22 =	simm.s32 $0x1BFF;
	s21 =	sshll.u32 s6, $0x1;
	s3 =	sadd.s32 s4, s19  }
0x9c: {  	s7 =	simm.s32 $0x0;
	s20 =	sshll.u32 s5, $0x1;
	s5 =	sadd.s32 s21, s3  }
0x9d: {  	[timem:s7], [sflag:s22] =	dma.local [hbm:s5], s20  }
0x9e: {  	_ =	swait.ge [sflag:s22], s20  }
0x9f: {  	s4 =	ssub.s32 $0x0, s20;
	[sflag:s22] =	ssyncset.done $0x0  }
0xa0: {  	[sflag:s22] =	ssyncadd.s32 s4;
	_ =	sdelay $0x1  }
0xa1: {  	s23 =	simm.s32 $0x1B8B  }
0xa2: {  	_ =	swait.ge [sflag:s23], $0x1  }
0xa3: {  	[sflag:s23] =	ssyncset.done $0x0  }
0xa4: {  	s25 =	simm.s32 $0x1B8E;
	s24 =	sld [smem:$0x3FFE];
	[sflag:s23] =	ssyncadd.s32 $0xFFFFFFFF  }
0xa5: {  	s26 =	simm.s32 $execute0_lowered;
	[smem:$0x3FD2] =	sst s25  }
0xa6: {  	s5 =	sshll.u32 s26, $0x1;
	_ =	strace $0x80000049;
	[dreg:$0x1] =	wrdreg $0xFFFFFFFF  }
0xa7: {  	s28 =	simm.s32 $_size_execute0_lowered;
	s3 =	sadd.s32 s3, s5;
	[dreg:$0x0] =	wrdreg $0x0  }
0xa8: {  	s5 =	sshll.u32 s28, $0x1;
	[dreg:$0x2] =	wrdreg s3  }
0xa9: {  	[dreg:$0x3] =	wrdreg s5  }
0xaa: {  	[dreg:$0x4] =	wrdreg $0xC0  }
0xab: {  	_ =	task [dreg:s7], $0x5FFFF  }
0xac: {  	[dreg:$0x1] =	wrdreg $0xFFFFFFFF  }
0xad: {  	[dreg:$0x0] =	wrdreg $0x60  }
0xae: {  	[dreg:$0x2] =	wrdreg s24  }
0xaf: {  	[dreg:$0x3] =	wrdreg s2  }
0xb0: {  	[dreg:$0x4] =	wrdreg $0xA8000  }
0xb1: {  	[dreg:$0x5] =	wrdreg $0x9  }
0xb2: {  	_ =	task.clear_ibuf [dreg:s7], $0x6FFFF;
	_ =	strace $0x90000049  }
0xb3: {  	s29 =	simm.s32 $0x9;
	_ =	strace $0x8000004B  }
0xb4: {  	_ =	swait.ge [sflag:s29], $0x1  }
0xb5: {  	[sflag:s29] =	ssyncadd.s32 $0xFFFFFFFF  }
0xb6: {  	_ =	strace $0x9000004B  }
0xb7: {  	_ =	sfence  }
0xb8: {  	s30 =	sld [smem:$0x0];
	_ =	sdelay $0x2  }
0xb9: {  	s31 =	sshll.u32 s1, $0xD;
	s1 =	sshrl.u32 s1, $0x2  }
0xba: {  	s3 =	sand.u32 $0x4000, s31;
	s1 =	sadd.s32 s1, s30  }
0xbb: {  	s0 =	sor.u32 s3, s0;
	s1 =	sshll.u32 s1, $0x11  }
0xbc: {  	s0 =	sor.u32 s1, s0  }
0xbd: {  	s0 =	sadd.s32 $0x8F2B, s0  }
0xbe: {  	[sflag:s0] =	ssyncadd.remote.s32 $0x1  }
0xbf: {  	_ =	sfence.sel $0xFFFF  }
0xc0: {  	[dreg:$0x0] =	wrdreg $0xFFFFFFFF;
	(pc) =	sbr.abs _section_cstart, $3  }
0xc1: {  	[dreg:$0x1] =	wrdreg $0xFFFFFFFF  }
0xc2: {  	_ =	task.clear_ibuf [dreg:s7], $0x2FFFF;
	_ =	strace $0x9FFFFFFF  }
0xc3: {  	(tm) =	ssettm $0x7FFFFFFF  }
tec
execute0_lowered:
.L_overlay_start_1:
0x0: {  	(tag) =	ssettag $0x1  }
0x1: {  	s5 =	rddreg [dreg:$0x0]  }
0x2: {  	s6 =	rddreg [dreg:$0x1]  }
0x3: {  	s1 =	rddreg [dreg:$0x2];
	s2 =	srdreg.scid  }
0x4: {  	s0 =	rddreg [dreg:$0x3];
	s3 =	simm.s32 $0x0;
	s17 =	simm.s32 $0x2  }
0x5: {  	s18 =	simm.s32 $0x2700;
	s19 =	simm.s32 $0x2780;
	s10 =	sand.u32 $0x1, s2  }
0x6: {  	s20 =	simm.s32 $0x0;
	s2 =	stileid.u32;
	s7 =	smul.u32 $0x140000, s10  }
0x7: {  	[smem:$0x7FF] =	sst s3;
	s4 =	sadd.s32 $0x3000, s5;
	s8 =	smul.u32 $0x14000, s2  }
0x8: {  	s14 =	sadd.s32 $0x2B000, s5;
	_ =	strace $0x8000004A;
	s11 =	smul.u32 $0x50000, s2  }
0x9: {  	s24 =	sshll.u32 s10, $0x4;
	s9 =	ssub.s32 $0x2, s10;
	s28 =	smul.u32 $0x2800, s2  }
0xa: {  	p0 =	sne.s32 s10, $0x0;
	s10 =	simm.s32 $0x3;
	s31 =	sshll.u32 s2, $0x6  }
0xb: {  	s12 =	sshrl.u32 s9, $0x1;
	s7 =	sadd.s32 s8, s7;
	s8 =	sor.u32 s2, s24  }
0xc: {  	s9 =	ssub.s32 s9, s12;
	s26 =	sshrl.u32 s11, $0x2;
	s13 =	smul.u32 $0x5000, s8  }
0xd: {  	s11 =	simm.s32 $0x80;
	s12 =	simm.s32 $0x2800;
	s25 =	smul.u32 $0xA00, s8  }
0xe: {  	s7 =	sshrl.u32 s7, $0x3;
	s16 =	sadd.s32 s26, s1;
	s9 =	smax.u32 s9, $0x1  }
0xf: {  	s15 =	sadd.s32 s7, s5;
	s29 =	sshrl.u32 s13, $0x3;
	s5 =	sadd.s32 s6, s25  }
0x10: {  	s8 =	sadd.s32 $0x2D800, s15;
	s13 =	simm.s32 $0x6800;
	s15 =	sshrl.u32 s16, $0x3  }
0x11: {  	s16 =	simm.s32 $0x1;
	s30 =	sadd.s32 s6, s29;
	s6 =	sadd.s32 s4, s28  }
0x12: {  	s7 =	sadd.s32 $0x500, s30;
	s6 =	smov.u32 @p0 s14;
	s14 =	sor.u32 $0x1C03, s31  }
.LBB2_1:
0x13: {  	[tilespmem:s3], [sflag:$0x3] =	stream.linear.gather [hbm4b:s5+s3], $0x2800, $0x38;
	[tilespmem:$0x1E800] =	vst v63  }
0x14: {  	_ =	swait.ge [sflag:s10], $0x2800  }
0x15: {  	[sflag:s10] =	ssyncset.done $0x0  }
0x16: {  	[sflag:s10] =	ssyncadd.s32 $0xFFFFD800  }
0x17: {  	[tilespmem:s12], [sflag:$0x1] =	stream.indirect.gather [hbm4b:s4+s11], $0x80, s3, s11, $0xb8;
	[tilespmem:$0x1E800] =	vst v63  }
0x18: {  	_ = 	snop  }
0x19: {  	[tilespmem:s13], [sflag:$0x2] =	stream.indirect.gather [hbm4b:s4+s11], $0x80, s11, s11, $0xb8;
	[tilespmem:$0x1E800] =	vst v63  }
0x1a: {  	[spmem:s15], [sflag:s14] =	dma.local [hbm:s6], $0x2800  }
0x1b: {  	_ =	swait.ge [sflag:s10], $0x2800  }
0x1c: {  	[sflag:s10] =	ssyncset.done $0x0  }
0x1d: {  	[sflag:s10] =	ssyncadd.s32 $0xFFFFD800  }
0x1e: {  	[bflag:$0x0] =	sbarrier.arrive $0xFFFF  }
0x1f: {  	_ =	swait.ge [sflag:s16], $0x4000  }
0x20: {  	[sflag:s16] =	ssyncset.done $0x0  }
0x21: {  	s21 =	simm.s32 $0x1400;
	[sflag:s16] =	ssyncadd.s32 $0xFFFFC000  }
0x22: {  	[spmem:s1] =	stream.indirect.scatter.add.f32 [tilespmem:s12], [sflag:$0x3], $0x80, s21, s11, $0xb8;
	[tilespmem:$0x1E800] =	vst v63  }
0x23: {  	_ =	swait.ge [sflag:s10], $0x4000  }
0x24: {  	[sflag:s10] =	ssyncset.done $0x0  }
0x25: {  	s30 =	simm.s32 $0x100;
	[sflag:s10] =	ssyncadd.s32 $0xFFFFC000  }
0x26: {  	[tilespmem:s12], [sflag:$0x1] =	stream.indirect.gather [hbm4b:s4+s11], $0x80, s30, s11, $0xb8;
	[tilespmem:$0x1E800] =	vst v63  }
0x27: {  	_ =	swait.ge [sflag:s17], $0x4000  }
0x28: {  	[sflag:s17] =	ssyncset.done $0x0  }
0x29: {  	s31 =	simm.s32 $0x1480;
	[sflag:s17] =	ssyncadd.s32 $0xFFFFC000  }
0x2a: {  	[spmem:s1] =	stream.indirect.scatter.add.f32 [tilespmem:s13], [sflag:$0x3], $0x80, s31, s11, $0xb8;
	[tilespmem:$0x1E800] =	vst v63  }
0x2b: {  	_ =	swait.ge [sflag:s10], $0x4000  }
0x2c: {  	[sflag:s10] =	ssyncset.done $0x0  }
0x2d: {  	s22 =	simm.s32 $0x180;
	s21 =	simm.s32 $0x800;
	[sflag:s10] =	ssyncadd.s32 $0xFFFFC000  }
.LBB2_2:
0x2e: {  	[tilespmem:s13], [sflag:$0x2] =	stream.indirect.gather [hbm4b:s4+s11], $0x80, s22, s11, $0xb8;
	[tilespmem:$0x1E800] =	vst v63  }
0x2f: {  	s22 =	smov.u32 s21  }
0x30: {  	p0 =	sne.s32 s21, $0x4C00;
	s21 =	sadd.s32 $0x400, s21;
	_ =	swait.ge [sflag:s16], $0x4000  }
0x31: {  	s22 =	sshra.s32 s22, $0x2;
	[sflag:s16] =	ssyncset.done $0x0  }
0x32: {  	s23 =	sadd.s32 $0x1300, s22;
	[sflag:s16] =	ssyncadd.s32 $0xFFFFC000  }
0x33: {  	[spmem:s1] =	stream.indirect.scatter.add.f32 [tilespmem:s12], [sflag:$0x3], $0x80, s23, s11, $0xb8;
	[tilespmem:$0x1E800] =	vst v63  }
0x34: {  	_ =	swait.ge [sflag:s10], $0x4000  }
0x35: {  	[sflag:s10] =	ssyncset.done $0x0  }
0x36: {  	[sflag:s10] =	ssyncadd.s32 $0xFFFFC000  }
0x37: {  	[tilespmem:s12], [sflag:$0x1] =	stream.indirect.gather [hbm4b:s4+s11], $0x80, s22, s11, $0xb8;
	[tilespmem:$0x1E800] =	vst v63  }
0x38: {  	_ =	swait.ge [sflag:s17], $0x4000  }
0x39: {  	[sflag:s17] =	ssyncset.done $0x0  }
.Ltmp0:
0x3a: {  	s23 =	sadd.s32 $0x1380, s22;
	[sflag:s17] =	ssyncadd.s32 $0xFFFFC000;
	(pc) =	sbr.rel @p0 .LBB2_2-.Ltmp0, $4  }
0x3b: {  	[spmem:s1] =	stream.indirect.scatter.add.f32 [tilespmem:s13], [sflag:$0x3], $0x80, s23, s11, $0xb8;
	[tilespmem:$0x1E800] =	vst v63  }
0x3c: {  	_ =	swait.ge [sflag:s10], $0x4000  }
0x3d: {  	[sflag:s10] =	ssyncset.done $0x0  }
0x3e: {  	s22 =	sadd.s32 $0x80, s22;
	[sflag:s10] =	ssyncadd.s32 $0xFFFFC000  }
0x3f: {  	[tilespmem:s13], [sflag:$0x2] =	stream.indirect.gather [hbm4b:s4+s11], $0x80, s22, s11, $0xb8;
	[tilespmem:$0x1E800] =	vst v63  }
0x40: {  	_ =	swait.ge [sflag:s16], $0x4000  }
0x41: {  	[sflag:s16] =	ssyncset.done $0x0  }
0x42: {  	[sflag:s16] =	ssyncadd.s32 $0xFFFFC000  }
0x43: {  	[spmem:s1] =	stream.indirect.scatter.add.f32 [tilespmem:s12], [sflag:$0x3], $0x80, s18, s11, $0xb8;
	[tilespmem:$0x1E800] =	vst v63  }
0x44: {  	_ =	swait.ge [sflag:s10], $0x4000  }
0x45: {  	[sflag:s10] =	ssyncset.done $0x0  }
0x46: {  	[sflag:s10] =	ssyncadd.s32 $0xFFFFC000  }
0x47: {  	_ =	swait.ge [sflag:s17], $0x4000  }
0x48: {  	[sflag:s17] =	ssyncset.done $0x0  }
0x49: {  	[sflag:s17] =	ssyncadd.s32 $0xFFFFC000  }
0x4a: {  	[spmem:s1] =	stream.indirect.scatter.add.f32 [tilespmem:s13], [sflag:$0x3], $0x80, s19, s11, $0xb8;
	[tilespmem:$0x1E800] =	vst v63  }
0x4b: {  	_ =	swait.ge [sflag:s10], $0x4000  }
0x4c: {  	[sflag:s10] =	ssyncset.done $0x0  }
0x4d: {  	[sflag:s10] =	ssyncadd.s32 $0xFFFFC000  }
0x4e: {  	[tilespmem:s3], [sflag:$0x3] =	stream.linear.gather [hbm4b:s7+s3], $0x2800, $0x38;
	[tilespmem:$0x1E800] =	vst v63  }
0x4f: {  	_ =	swait.ge [sflag:s10], $0x2800  }
0x50: {  	[sflag:s10] =	ssyncset.done $0x0  }
0x51: {  	[sflag:s10] =	ssyncadd.s32 $0xFFFFD800  }
0x52: {  	[tilespmem:s12], [sflag:$0x1] =	stream.indirect.gather [hbm4b:s4+s11], $0x80, s3, s11, $0xb8;
	[tilespmem:$0x1E800] =	vst v63  }
0x53: {  	_ = 	snop  }
0x54: {  	[tilespmem:s13], [sflag:$0x2] =	stream.indirect.gather [hbm4b:s4+s11], $0x80, s11, s11, $0xb8;
	[tilespmem:$0x1E800] =	vst v63  }
0x55: {  	_ =	swait.ge [sflag:s16], $0x4000  }
0x56: {  	[sflag:s16] =	ssyncset.done $0x0  }
0x57: {  	s21 =	simm.s32 $0x1400;
	[sflag:s16] =	ssyncadd.s32 $0xFFFFC000  }
0x58: {  	[spmem:s1] =	stream.indirect.scatter.add.f32 [tilespmem:s12], [sflag:$0x3], $0x80, s21, s11, $0xb8;
	[tilespmem:$0x1E800] =	vst v63  }
0x59: {  	_ =	swait.ge [sflag:s10], $0x4000  }
0x5a: {  	[sflag:s10] =	ssyncset.done $0x0  }
0x5b: {  	s30 =	simm.s32 $0x100;
	[sflag:s10] =	ssyncadd.s32 $0xFFFFC000  }
0x5c: {  	[tilespmem:s12], [sflag:$0x1] =	stream.indirect.gather [hbm4b:s4+s11], $0x80, s30, s11, $0xb8;
	[tilespmem:$0x1E800] =	vst v63  }
0x5d: {  	_ =	swait.ge [sflag:s17], $0x4000  }
0x5e: {  	[sflag:s17] =	ssyncset.done $0x0  }
0x5f: {  	s31 =	simm.s32 $0x1480;
	[sflag:s17] =	ssyncadd.s32 $0xFFFFC000  }
0x60: {  	[spmem:s1] =	stream.indirect.scatter.add.f32 [tilespmem:s13], [sflag:$0x3], $0x80, s31, s11, $0xb8;
	[tilespmem:$0x1E800] =	vst v63  }
0x61: {  	_ =	swait.ge [sflag:s10], $0x4000  }
0x62: {  	[sflag:s10] =	ssyncset.done $0x0  }
0x63: {  	s22 =	simm.s32 $0x180;
	s21 =	simm.s32 $0x800;
	[sflag:s10] =	ssyncadd.s32 $0xFFFFC000  }
.LBB2_4:
0x64: {  	[tilespmem:s13], [sflag:$0x2] =	stream.indirect.gather [hbm4b:s4+s11], $0x80, s22, s11, $0xb8;
	[tilespmem:$0x1E800] =	vst v63  }
0x65: {  	s22 =	smov.u32 s21  }
0x66: {  	p0 =	sne.s32 s21, $0x4C00;
	s21 =	sadd.s32 $0x400, s21;
	_ =	swait.ge [sflag:s16], $0x4000  }
0x67: {  	s22 =	sshra.s32 s22, $0x2;
	[sflag:s16] =	ssyncset.done $0x0  }
0x68: {  	s23 =	sadd.s32 $0x1300, s22;
	[sflag:s16] =	ssyncadd.s32 $0xFFFFC000  }
0x69: {  	[spmem:s1] =	stream.indirect.scatter.add.f32 [tilespmem:s12], [sflag:$0x3], $0x80, s23, s11, $0xb8;
	[tilespmem:$0x1E800] =	vst v63  }
0x6a: {  	_ =	swait.ge [sflag:s10], $0x4000  }
0x6b: {  	[sflag:s10] =	ssyncset.done $0x0  }
0x6c: {  	[sflag:s10] =	ssyncadd.s32 $0xFFFFC000  }
0x6d: {  	[tilespmem:s12], [sflag:$0x1] =	stream.indirect.gather [hbm4b:s4+s11], $0x80, s22, s11, $0xb8;
	[tilespmem:$0x1E800] =	vst v63  }
0x6e: {  	_ =	swait.ge [sflag:s17], $0x4000  }
0x6f: {  	[sflag:s17] =	ssyncset.done $0x0  }
.Ltmp1:
0x70: {  	s23 =	sadd.s32 $0x1380, s22;
	[sflag:s17] =	ssyncadd.s32 $0xFFFFC000;
	(pc) =	sbr.rel @p0 .LBB2_4-.Ltmp1, $4  }
0x71: {  	[spmem:s1] =	stream.indirect.scatter.add.f32 [tilespmem:s13], [sflag:$0x3], $0x80, s23, s11, $0xb8;
	[tilespmem:$0x1E800] =	vst v63  }
0x72: {  	_ =	swait.ge [sflag:s10], $0x4000  }
0x73: {  	[sflag:s10] =	ssyncset.done $0x0  }
0x74: {  	s22 =	sadd.s32 $0x80, s22;
	[sflag:s10] =	ssyncadd.s32 $0xFFFFC000  }
0x75: {  	[tilespmem:s13], [sflag:$0x2] =	stream.indirect.gather [hbm4b:s4+s11], $0x80, s22, s11, $0xb8;
	[tilespmem:$0x1E800] =	vst v63  }
0x76: {  	_ =	swait.ge [sflag:s16], $0x4000  }
0x77: {  	[sflag:s16] =	ssyncset.done $0x0  }
0x78: {  	[sflag:s16] =	ssyncadd.s32 $0xFFFFC000  }
0x79: {  	[spmem:s1] =	stream.indirect.scatter.add.f32 [tilespmem:s12], [sflag:$0x3], $0x80, s18, s11, $0xb8;
	[tilespmem:$0x1E800] =	vst v63  }
0x7a: {  	_ =	swait.ge [sflag:s10], $0x4000  }
0x7b: {  	[sflag:s10] =	ssyncset.done $0x0  }
0x7c: {  	[sflag:s10] =	ssyncadd.s32 $0xFFFFC000  }
0x7d: {  	_ =	swait.ge [sflag:s17], $0x4000  }
0x7e: {  	[sflag:s17] =	ssyncset.done $0x0  }
0x7f: {  	[sflag:s17] =	ssyncadd.s32 $0xFFFFC000  }
0x80: {  	[spmem:s1] =	stream.indirect.scatter.add.f32 [tilespmem:s13], [sflag:$0x3], $0x80, s19, s11, $0xb8;
	[tilespmem:$0x1E800] =	vst v63  }
0x81: {  	_ =	swait.ge [sflag:s10], $0x4000  }
0x82: {  	s20 =	sadd.s32 $0x1, s20;
	[sflag:s10] =	ssyncset.done $0x0  }
0x83: {  	p0 =	sne.s32 s20, s9;
	[sflag:s10] =	ssyncadd.s32 $0xFFFFC000  }
.Ltmp2:
0x84: {  	[bflag:$0x0] =	sbarrier.arrive $0xFFFF;
	(pc) =	sbr.rel @p0 .LBB2_1-.Ltmp2, $4  }
0x85: {  	[hbm:s8], [sflag:s14] =	dma.local [spmem:s15], $0x2800  }
0x86: {  	_ =	swait.ge [sflag:s10], $0x2800  }
0x87: {  	[sflag:s10] =	ssyncset.done $0x0  }
0x88: {  	[sflag:s10] =	ssyncadd.s32 $0xFFFFD800  }
0x89: {  	_ =	sfence.sel $0x180000  }
0x8a: {  	[bflag:$0x0] =	sbarrier.arrive $0xFFFF  }
0x8b: {  	p0 =	sne.s32 s2, $0x0;
	_ =	strace $0x9000004A  }
0x8c: {  	s0 =	sadd.s32 @!p0 $0x100000, s0;
	[bflag:$0x2] =	sbarrier.arrive $0xFFFF  }
0x8d: {  	[sflag:s0] =	ssyncadd.tile.s32 @!p0 $0x1;
	_ =	shalt  }
.Lfunc_end2:
_tile_overlayer_lowered:
.L_overlay_start_2:
0x8e: {  	(tag) =	ssettag $0x2  }
0x8f: {  	s0 =	rddreg [dreg:$0x0];
	s2 =	stileid.u32  }
0x90: {  	s1 =	rddreg [dreg:$0x1];
	p0 =	sne.s32 s2, $0x0  }
0x91: {  	s3 =	rddreg [dreg:$0x2];
	[bflag:$0x3] =	sbarrier.arrive $0xFFFF;
	s2 =	simm.s32 @!p0 $0x1C03  }
0x92: {  	[timem:s3], [sflag:s2] =	dma.local @!p0 [hbm:s0], s1  }
0x93: {  	s0 =	simm.s32 @!p0 $0x3  }
0x94: {  	_ =	swait.ge @!p0 [sflag:s0], s1  }
0x95: {  	s1 =	ssub.s32 @!p0 $0x0, s1;
	[sflag:s0] =	ssyncset.done @!p0 $0x0  }
0x96: {  	[sflag:s0] =	ssyncadd.s32 @!p0 s1  }
0x97: {  	[bflag:$0x3] =	sbarrier.arrive $0xFFFF  }
0x98: {  	_ =	shalt  }

// kernel: kernel.14.cloned.1.call-start
scs
__scs_entry_jumppad:
0x0: {  	(pc) =	sbr.rel $0x88, $3  }
0x1: {  	(tag) =	ssettag $0x0;
	lr =	simm.s32 $0x1  }
0x2: {  	[smem:$0x3F93] =	sst lr;
	_ =	strace $0xD0000000  }
0x3: {  	_ = 	snop  }
0x4: {  	_ = 	snop  }
0x5: {  	_ = 	snop  }
0x6: {  	_ = 	snop  }
0x7: {  	_ = 	snop  }
__scs_overlays_trampoline_lowered:
0x8: {  	[smem:$0x3FA2] =	sst s0  }
0x9: {  	[smem:$0x3FA3] =	sst s1  }
0xa: {  	[smem:$0x3FA4] =	sst s2  }
0xb: {  	[smem:$0x3FA5] =	sst s3  }
0xc: {  	[smem:$0x3FA6] =	sst s4  }
0xd: {  	[smem:$0x3FA7] =	sst s5  }
0xe: {  	[smem:$0x3FA8] =	sst s6  }
0xf: {  	[smem:$0x3FA9] =	sst s7  }
0x10: {  	[smem:$0x3FAA] =	sst s8  }
0x11: {  	[smem:$0x3FAB] =	sst s9;
	s0 =	simm.s32 @!p0 $0x0  }
0x12: {  	s1 =	sld [smem:$0x3F91];
	s0 =	simm.s32 @p0 $0x1  }
0x13: {  	[smem:$0x3FAC] =	sst s0;
	s0 =	simm.s32 @!p1 $0x0  }
0x14: {  	s2 =	sld [smem:$0x3F90];
	s0 =	simm.s32 @p1 $0x1  }
0x15: {  	[smem:$0x3FAD] =	sst s0;
	s0 =	simm.s32 @!p2 $0x0  }
0x16: {  	s3 =	sld [smem:$0x3FDB];
	s0 =	simm.s32 @p2 $0x1  }
0x17: {  	s4 =	simm.s32 $0x1BF5;
	[smem:$0x3FAF] =	sst s0  }
0x18: {  	s0 =	sld [smem:$0x3F92];
	_ =	swait.ge [sflag:s4], $0x0  }
0x19: {  	s7 =	sld [smem:$0x3F93]  }
0x1a: {  	s8 =	sadd.s32 $0xFFFFE003, lr  }
0x1b: {  	s9 =	sadd.s32 $0xFFFFFEF7, lr;
	s5 =	simm.s32 $0xFFFFFFFF;
	p2 =	slt.u32 s8, $0xFFFFF086  }
0x1c: {  	p1 =	slt.u32 s9, $0xF7A;
	s5 =	simm.s32 @!p2 $0x0  }
0x1d: {  	s5 =	simm.s32 @p1 $0x1;
	p0 =	seq.s32 s7, s2  }
0x1e: {  	s7 =	smul.u32 @!p0 $0xF7A, s2;
	p2 =	seq.s32 @!p0 s5, $0x0  }
0x1f: {  	s9 =	smul.u32 $0xF7A, s1;
	s8 =	simm.s32 @!p0 $0x1BF5;
	p2 =	por !p2, p0  }
0x20: {  	[sflag:s8] =	ssyncset.s32 @!p0 $0xFFFFF086;
	s6 =	sadd.s32 @!p0 s3, s7;
	s7 =	simm.s32 @!p0 $0x108  }
0x21: {  	s3 =	sadd.s32 s3, s9;
	s6 =	sadd.s32 @!p0 $0x88, s6;
	s7 =	simm.s32 @p2 $0x1082  }
0x22: {  	[simem:s7], [sflag:s8] =	dma.local @!p0 [hbm:s6], $0xF7A  }
0x23: {  	s9 =	sor.u32 $0xD0000000, s2;
	s6 =	simm.s32 $0x108;
	_ =	swait.ge @!p0 [sflag:s8], $0x0  }
0x24: {  	s3 =	sadd.s32 $0x88, s3;
	s6 =	simm.s32 @!p1 $0x1082;
	[sflag:s4] =	ssyncset.s32 $0xFFFFF086  }
0x25: {  	[simem:s6], [sflag:s4] =	dma.local [hbm:s3], $0xF7A  }
0x26: {  	[smem:$0x3F93] =	sst s1;
	(tag) =	ssettag s2;
	_ =	strace s9  }
0x27: {  	s1 =	sld [smem:$0x3FA3]  }
0x28: {  	s2 =	sld [smem:$0x3FA4]  }
0x29: {  	s4 =	sld [smem:$0x3FA6]  }
0x2a: {  	p0 =	seq.s32 s5, $0x0;
	s5 =	sld [smem:$0x3FA7]  }
0x2b: {  	s6 =	sld [smem:$0x3FA8]  }
0x2c: {  	s7 =	sld [smem:$0x3FA9]  }
0x2d: {  	s3 =	simm.s32 $0x108;
	s8 =	sld [smem:$0x3FAA]  }
0x2e: {  	s3 =	simm.s32 @!p0 $0x1082;
	s9 =	sld [smem:$0x3FAB]  }
0x2f: {  	lr =	sadd.s32 s0, s3;
	s0 =	sld [smem:$0x3FA2]  }
0x30: {  	s3 =	sld [smem:$0x3FA5]  }
0x31: {  	[smem:$0x3FAE] =	sst s10  }
0x32: {  	s10 =	sld [smem:$0x3FAC];
	_ =	sdelay $0x3  }
0x33: {  	p0 =	seq.s32 s10, $0x1;
	s10 =	sld [smem:$0x3FAE];
	_ =	sdelay $0x3  }
0x34: {  	[smem:$0x3FAE] =	sst s10  }
0x35: {  	s10 =	sld [smem:$0x3FAD];
	_ =	sdelay $0x3  }
0x36: {  	p1 =	seq.s32 s10, $0x1;
	s10 =	sld [smem:$0x3FAE];
	_ =	sdelay $0x3  }
0x37: {  	[smem:$0x3FAE] =	sst s10  }
0x38: {  	s10 =	sld [smem:$0x3FAF]  }
0x39: {  	_ = 	snop;
	(pc) =	sbr.ind lr, $3  }
0x3a: {  	_ = 	snop  }
0x3b: {  	_ = 	snop  }
0x3c: {  	p2 =	seq.s32 s10, $0x1;
	s10 =	sld [smem:$0x3FAE]  }
0x3d: {  	_ =	shalt  }
0x3e: {  	_ =	shalt  }
0x3f: {  	_ =	shalt  }
0x40: {  	_ =	shalt  }
0x41: {  	_ =	shalt  }
0x42: {  	_ =	shalt  }
0x43: {  	_ =	shalt  }
0x44: {  	_ =	shalt  }
0x45: {  	_ =	shalt  }
0x46: {  	_ =	shalt  }
0x47: {  	_ =	shalt  }
0x48: {  	_ =	shalt  }
0x49: {  	_ =	shalt  }
0x4a: {  	_ =	shalt  }
0x4b: {  	_ =	shalt  }
0x4c: {  	_ =	shalt  }
0x4d: {  	_ =	shalt  }
0x4e: {  	_ =	shalt  }
0x4f: {  	_ =	shalt  }
0x50: {  	_ =	shalt  }
0x51: {  	_ =	shalt  }
0x52: {  	_ =	shalt  }
0x53: {  	_ =	shalt  }
0x54: {  	_ =	shalt  }
0x55: {  	_ =	shalt  }
0x56: {  	_ =	shalt  }
0x57: {  	_ =	shalt  }
0x58: {  	_ =	shalt  }
0x59: {  	_ =	shalt  }
0x5a: {  	_ =	shalt  }
0x5b: {  	_ =	shalt  }
0x5c: {  	_ =	shalt  }
0x5d: {  	_ =	shalt  }
0x5e: {  	_ =	shalt  }
0x5f: {  	_ =	shalt  }
0x60: {  	_ =	shalt  }
0x61: {  	_ =	shalt  }
0x62: {  	_ =	shalt  }
0x63: {  	_ =	shalt  }
0x64: {  	_ =	shalt  }
0x65: {  	_ =	shalt  }
0x66: {  	_ =	shalt  }
0x67: {  	_ =	shalt  }
0x68: {  	_ =	shalt  }
0x69: {  	_ =	shalt  }
0x6a: {  	_ =	shalt  }
0x6b: {  	_ =	shalt  }
0x6c: {  	_ =	shalt  }
0x6d: {  	_ =	shalt  }
0x6e: {  	_ =	shalt  }
0x6f: {  	_ =	shalt  }
0x70: {  	_ =	shalt  }
0x71: {  	_ =	shalt  }
0x72: {  	_ =	shalt  }
0x73: {  	_ =	shalt  }
0x74: {  	_ =	shalt  }
0x75: {  	_ =	shalt  }
0x76: {  	_ =	shalt  }
0x77: {  	_ =	shalt  }
0x78: {  	_ =	shalt  }
0x79: {  	_ =	shalt  }
0x7a: {  	_ =	shalt  }
0x7b: {  	_ =	shalt  }
0x7c: {  	_ =	shalt  }
0x7d: {  	_ =	shalt  }
0x7e: {  	_ =	shalt  }
0x7f: {  	_ =	shalt  }
0x80: {  	_ =	shalt  }
0x81: {  	_ =	shalt  }
0x82: {  	_ =	shalt  }
0x83: {  	_ =	shalt  }
0x84: {  	_ =	shalt  }
0x85: {  	_ =	shalt  }
0x86: {  	_ =	shalt  }
0x87: {  	_ =	shalt  }
.Lfunc_end0:
.L_simem_size_0:
called_computation.2_lowered:
.L_overlay_start_0:
0x88: {  	s2 =	sld [smem:$0x3FD9]  }
0x89: {  	s3 =	sld [smem:$0x3FFE];
	_ =	sdelay $0x1  }
0x8a: {  	s1 =	srdreg.scid  }
0x8b: {  	s0 =	sand.u32 $0x1, s1  }
0x8c: {  	s17 =	sshll.u32 s0, $0xA;
	s2 =	sadd.s32 s3, s2  }
0x8d: {  	s2 =	sadd.s32 s2, s17  }
0x8e: {  	[smem:$0x3FBA] =	sst s2  }
0x8f: {  	_ = 	snop  }
0x90: {  	s2 =	sld [smem:$0x3FD0];
	(tm) =	ssettm $0x1  }
0x91: {  	s18 =	sld [smem:$0x3FFB];
	_ =	sdelay $0x3  }
0x92: {  	_ =	strace s18  }
0x93: {  	s3 =	sld [smem:$0x3FFC];
	_ =	sdelay $0x3  }
0x94: {  	_ =	strace s3  }
0x95: {  	s3 =	sld [smem:$0x3FFD];
	_ =	sdelay $0x3  }
0x96: {  	_ =	strace s3  }
0x97: {  	_ =	strace $0x8FFFFFFF  }
0x98: {  	s19 =	sld [smem:$0x3FDB];
	_ =	sdelay $0x1  }
0x99: {  	s4 =	simm.s32 $_scs_section_size  }
0x9a: {  	s5 =	simm.s32 $_size__tile_overlayer_lowered;
	s6 =	simm.s32 $_tile_overlayer_lowered  }
0x9b: {  	s22 =	simm.s32 $0x1BFF;
	s21 =	sshll.u32 s6, $0x1;
	s3 =	sadd.s32 s4, s19  }
0x9c: {  	s7 =	simm.s32 $0x0;
	s20 =	sshll.u32 s5, $0x1;
	s5 =	sadd.s32 s21, s3  }
0x9d: {  	[timem:s7], [sflag:s22] =	dma.local [hbm:s5], s20  }
0x9e: {  	_ =	swait.ge [sflag:s22], s20  }
0x9f: {  	s4 =	ssub.s32 $0x0, s20;
	[sflag:s22] =	ssyncset.done $0x0  }
0xa0: {  	[sflag:s22] =	ssyncadd.s32 s4;
	_ =	sdelay $0x1  }
0xa1: {  	s23 =	simm.s32 $0x1B8B  }
0xa2: {  	_ =	swait.ge [sflag:s23], $0x1  }
0xa3: {  	[sflag:s23] =	ssyncset.done $0x0  }
0xa4: {  	s25 =	simm.s32 $0x1B8E;
	s24 =	sld [smem:$0x3FFE];
	[sflag:s23] =	ssyncadd.s32 $0xFFFFFFFF  }
0xa5: {  	s26 =	simm.s32 $execute0_lowered;
	[smem:$0x3FD2] =	sst s25  }
0xa6: {  	s5 =	sshll.u32 s26, $0x1;
	_ =	strace $0x8000004C;
	[dreg:$0x1] =	wrdreg $0xFFFFFFFF  }
0xa7: {  	s28 =	simm.s32 $_size_execute0_lowered;
	s3 =	sadd.s32 s3, s5;
	[dreg:$0x0] =	wrdreg $0x0  }
0xa8: {  	s5 =	sshll.u32 s28, $0x1;
	[dreg:$0x2] =	wrdreg s3  }
0xa9: {  	[dreg:$0x3] =	wrdreg s5  }
0xaa: {  	[dreg:$0x4] =	wrdreg $0xC0  }
0xab: {  	_ =	task [dreg:s7], $0x5FFFF  }
0xac: {  	[dreg:$0x1] =	wrdreg $0xFFFFFFFF  }
0xad: {  	[dreg:$0x0] =	wrdreg $0x60  }
0xae: {  	[dreg:$0x2] =	wrdreg s24  }
0xaf: {  	[dreg:$0x3] =	wrdreg s2  }
0xb0: {  	[dreg:$0x4] =	wrdreg $0xA8000  }
0xb1: {  	[dreg:$0x5] =	wrdreg $0x9  }
0xb2: {  	_ =	task.clear_ibuf [dreg:s7], $0x6FFFF;
	_ =	strace $0x9000004C  }
0xb3: {  	s29 =	simm.s32 $0x9;
	_ =	strace $0x8000004E  }
0xb4: {  	_ =	swait.ge [sflag:s29], $0x1  }
0xb5: {  	[sflag:s29] =	ssyncadd.s32 $0xFFFFFFFF  }
0xb6: {  	_ =	strace $0x9000004E  }
0xb7: {  	_ =	sfence  }
0xb8: {  	s30 =	sld [smem:$0x0];
	_ =	sdelay $0x2  }
0xb9: {  	s31 =	sshll.u32 s1, $0xD;
	s1 =	sshrl.u32 s1, $0x2  }
0xba: {  	s3 =	sand.u32 $0x4000, s31;
	s1 =	sadd.s32 s1, s30  }
0xbb: {  	s0 =	sor.u32 s3, s0;
	s1 =	sshll.u32 s1, $0x11  }
0xbc: {  	s0 =	sor.u32 s1, s0  }
0xbd: {  	s0 =	sadd.s32 $0x8F2B, s0  }
0xbe: {  	[sflag:s0] =	ssyncadd.remote.s32 $0x1  }
0xbf: {  	_ =	sfence.sel $0xFFFF  }
0xc0: {  	[dreg:$0x0] =	wrdreg $0xFFFFFFFF;
	(pc) =	sbr.abs _section_cstart, $3  }
0xc1: {  	[dreg:$0x1] =	wrdreg $0xFFFFFFFF  }
0xc2: {  	_ =	task.clear_ibuf [dreg:s7], $0x2FFFF;
	_ =	strace $0x9FFFFFFF  }
0xc3: {  	(tm) =	ssettm $0x7FFFFFFF  }
tec
execute0_lowered:
.L_overlay_start_1:
0x0: {  	(tag) =	ssettag $0x1  }
0x1: {  	s5 =	rddreg [dreg:$0x0]  }
0x2: {  	s6 =	rddreg [dreg:$0x1]  }
0x3: {  	s1 =	rddreg [dreg:$0x2];
	s2 =	srdreg.scid  }
0x4: {  	s0 =	rddreg [dreg:$0x3];
	s3 =	simm.s32 $0x0;
	s17 =	simm.s32 $0x2  }
0x5: {  	s18 =	simm.s32 $0x2700;
	s19 =	simm.s32 $0x2780;
	s10 =	sand.u32 $0x1, s2  }
0x6: {  	s20 =	simm.s32 $0x0;
	s2 =	stileid.u32;
	s7 =	smul.u32 $0x140000, s10  }
0x7: {  	[smem:$0x7FF] =	sst s3;
	s4 =	sadd.s32 $0x3000, s5;
	s8 =	smul.u32 $0x14000, s2  }
0x8: {  	s14 =	sadd.s32 $0x2B000, s5;
	_ =	strace $0x8000004D;
	s11 =	smul.u32 $0x50000, s2  }
0x9: {  	s24 =	sshll.u32 s10, $0x4;
	s9 =	ssub.s32 $0x2, s10;
	s28 =	smul.u32 $0x2800, s2  }
0xa: {  	p0 =	sne.s32 s10, $0x0;
	s10 =	simm.s32 $0x3;
	s31 =	sshll.u32 s2, $0x6  }
0xb: {  	s12 =	sshrl.u32 s9, $0x1;
	s7 =	sadd.s32 s8, s7;
	s8 =	sor.u32 s2, s24  }
0xc: {  	s9 =	ssub.s32 s9, s12;
	s26 =	sshrl.u32 s11, $0x2;
	s13 =	smul.u32 $0x5000, s8  }
0xd: {  	s11 =	simm.s32 $0x80;
	s12 =	simm.s32 $0x2800;
	s25 =	smul.u32 $0xA00, s8  }
0xe: {  	s7 =	sshrl.u32 s7, $0x3;
	s16 =	sadd.s32 s26, s1;
	s9 =	smax.u32 s9, $0x1  }
0xf: {  	s15 =	sadd.s32 s7, s5;
	s29 =	sshrl.u32 s13, $0x3;
	s5 =	sadd.s32 s6, s25  }
0x10: {  	s8 =	sadd.s32 $0x2D800, s15;
	s13 =	simm.s32 $0x6800;
	s15 =	sshrl.u32 s16, $0x3  }
0x11: {  	s16 =	simm.s32 $0x1;
	s30 =	sadd.s32 s6, s29;
	s6 =	sadd.s32 s4, s28  }
0x12: {  	s7 =	sadd.s32 $0x500, s30;
	s6 =	smov.u32 @p0 s14;
	s14 =	sor.u32 $0x1C03, s31  }
.LBB2_1:
0x13: {  	[tilespmem:s3], [sflag:$0x3] =	stream.linear.gather [hbm4b:s5+s3], $0x2800, $0x38;
	[tilespmem:$0x1E800] =	vst v63  }
0x14: {  	_ =	swait.ge [sflag:s10], $0x2800  }
0x15: {  	[sflag:s10] =	ssyncset.done $0x0  }
0x16: {  	[sflag:s10] =	ssyncadd.s32 $0xFFFFD800  }
0x17: {  	[tilespmem:s12], [sflag:$0x1] =	stream.indirect.gather [hbm4b:s4+s11], $0x80, s3, s11, $0xb8;
	[tilespmem:$0x1E800] =	vst v63  }
0x18: {  	_ = 	snop  }
0x19: {  	[tilespmem:s13], [sflag:$0x2] =	stream.indirect.gather [hbm4b:s4+s11], $0x80, s11, s11, $0xb8;
	[tilespmem:$0x1E800] =	vst v63  }
0x1a: {  	[spmem:s15], [sflag:s14] =	dma.local [hbm:s6], $0x2800  }
0x1b: {  	_ =	swait.ge [sflag:s10], $0x2800  }
0x1c: {  	[sflag:s10] =	ssyncset.done $0x0  }
0x1d: {  	[sflag:s10] =	ssyncadd.s32 $0xFFFFD800  }
0x1e: {  	[bflag:$0x0] =	sbarrier.arrive $0xFFFF  }
0x1f: {  	_ =	swait.ge [sflag:s16], $0x4000  }
0x20: {  	[sflag:s16] =	ssyncset.done $0x0  }
0x21: {  	s21 =	simm.s32 $0x1400;
	[sflag:s16] =	ssyncadd.s32 $0xFFFFC000  }
0x22: {  	[spmem:s1] =	stream.indirect.scatter.add.f32 [tilespmem:s12], [sflag:$0x3], $0x80, s21, s11, $0xb8;
	[tilespmem:$0x1E800] =	vst v63  }
0x23: {  	_ =	swait.ge [sflag:s10], $0x4000  }
0x24: {  	[sflag:s10] =	ssyncset.done $0x0  }
0x25: {  	s30 =	simm.s32 $0x100;
	[sflag:s10] =	ssyncadd.s32 $0xFFFFC000  }
0x26: {  	[tilespmem:s12], [sflag:$0x1] =	stream.indirect.gather [hbm4b:s4+s11], $0x80, s30, s11, $0xb8;
	[tilespmem:$0x1E800] =	vst v63  }
0x27: {  	_ =	swait.ge [sflag:s17], $0x4000  }
0x28: {  	[sflag:s17] =	ssyncset.done $0x0  }
0x29: {  	s31 =	simm.s32 $0x1480;
	[sflag:s17] =	ssyncadd.s32 $0xFFFFC000  }
0x2a: {  	[spmem:s1] =	stream.indirect.scatter.add.f32 [tilespmem:s13], [sflag:$0x3], $0x80, s31, s11, $0xb8;
	[tilespmem:$0x1E800] =	vst v63  }
0x2b: {  	_ =	swait.ge [sflag:s10], $0x4000  }
0x2c: {  	[sflag:s10] =	ssyncset.done $0x0  }
0x2d: {  	s22 =	simm.s32 $0x180;
	s21 =	simm.s32 $0x800;
	[sflag:s10] =	ssyncadd.s32 $0xFFFFC000  }
.LBB2_2:
0x2e: {  	[tilespmem:s13], [sflag:$0x2] =	stream.indirect.gather [hbm4b:s4+s11], $0x80, s22, s11, $0xb8;
	[tilespmem:$0x1E800] =	vst v63  }
0x2f: {  	s22 =	smov.u32 s21  }
0x30: {  	p0 =	sne.s32 s21, $0x4C00;
	s21 =	sadd.s32 $0x400, s21;
	_ =	swait.ge [sflag:s16], $0x4000  }
0x31: {  	s22 =	sshra.s32 s22, $0x2;
	[sflag:s16] =	ssyncset.done $0x0  }
0x32: {  	s23 =	sadd.s32 $0x1300, s22;
	[sflag:s16] =	ssyncadd.s32 $0xFFFFC000  }
0x33: {  	[spmem:s1] =	stream.indirect.scatter.add.f32 [tilespmem:s12], [sflag:$0x3], $0x80, s23, s11, $0xb8;
	[tilespmem:$0x1E800] =	vst v63  }
0x34: {  	_ =	swait.ge [sflag:s10], $0x4000  }
0x35: {  	[sflag:s10] =	ssyncset.done $0x0  }
0x36: {  	[sflag:s10] =	ssyncadd.s32 $0xFFFFC000  }
0x37: {  	[tilespmem:s12], [sflag:$0x1] =	stream.indirect.gather [hbm4b:s4+s11], $0x80, s22, s11, $0xb8;
	[tilespmem:$0x1E800] =	vst v63  }
0x38: {  	_ =	swait.ge [sflag:s17], $0x4000  }
0x39: {  	[sflag:s17] =	ssyncset.done $0x0  }
.Ltmp0:
0x3a: {  	s23 =	sadd.s32 $0x1380, s22;
	[sflag:s17] =	ssyncadd.s32 $0xFFFFC000;
	(pc) =	sbr.rel @p0 .LBB2_2-.Ltmp0, $4  }
0x3b: {  	[spmem:s1] =	stream.indirect.scatter.add.f32 [tilespmem:s13], [sflag:$0x3], $0x80, s23, s11, $0xb8;
	[tilespmem:$0x1E800] =	vst v63  }
0x3c: {  	_ =	swait.ge [sflag:s10], $0x4000  }
0x3d: {  	[sflag:s10] =	ssyncset.done $0x0  }
0x3e: {  	s22 =	sadd.s32 $0x80, s22;
	[sflag:s10] =	ssyncadd.s32 $0xFFFFC000  }
0x3f: {  	[tilespmem:s13], [sflag:$0x2] =	stream.indirect.gather [hbm4b:s4+s11], $0x80, s22, s11, $0xb8;
	[tilespmem:$0x1E800] =	vst v63  }
0x40: {  	_ =	swait.ge [sflag:s16], $0x4000  }
0x41: {  	[sflag:s16] =	ssyncset.done $0x0  }
0x42: {  	[sflag:s16] =	ssyncadd.s32 $0xFFFFC000  }
0x43: {  	[spmem:s1] =	stream.indirect.scatter.add.f32 [tilespmem:s12], [sflag:$0x3], $0x80, s18, s11, $0xb8;
	[tilespmem:$0x1E800] =	vst v63  }
0x44: {  	_ =	swait.ge [sflag:s10], $0x4000  }
0x45: {  	[sflag:s10] =	ssyncset.done $0x0  }
0x46: {  	[sflag:s10] =	ssyncadd.s32 $0xFFFFC000  }
0x47: {  	_ =	swait.ge [sflag:s17], $0x4000  }
0x48: {  	[sflag:s17] =	ssyncset.done $0x0  }
0x49: {  	[sflag:s17] =	ssyncadd.s32 $0xFFFFC000  }
0x4a: {  	[spmem:s1] =	stream.indirect.scatter.add.f32 [tilespmem:s13], [sflag:$0x3], $0x80, s19, s11, $0xb8;
	[tilespmem:$0x1E800] =	vst v63  }
0x4b: {  	_ =	swait.ge [sflag:s10], $0x4000  }
0x4c: {  	[sflag:s10] =	ssyncset.done $0x0  }
0x4d: {  	[sflag:s10] =	ssyncadd.s32 $0xFFFFC000  }
0x4e: {  	[tilespmem:s3], [sflag:$0x3] =	stream.linear.gather [hbm4b:s7+s3], $0x2800, $0x38;
	[tilespmem:$0x1E800] =	vst v63  }
0x4f: {  	_ =	swait.ge [sflag:s10], $0x2800  }
0x50: {  	[sflag:s10] =	ssyncset.done $0x0  }
0x51: {  	[sflag:s10] =	ssyncadd.s32 $0xFFFFD800  }
0x52: {  	[tilespmem:s12], [sflag:$0x1] =	stream.indirect.gather [hbm4b:s4+s11], $0x80, s3, s11, $0xb8;
	[tilespmem:$0x1E800] =	vst v63  }
0x53: {  	_ = 	snop  }
0x54: {  	[tilespmem:s13], [sflag:$0x2] =	stream.indirect.gather [hbm4b:s4+s11], $0x80, s11, s11, $0xb8;
	[tilespmem:$0x1E800] =	vst v63  }
0x55: {  	_ =	swait.ge [sflag:s16], $0x4000  }
0x56: {  	[sflag:s16] =	ssyncset.done $0x0  }
0x57: {  	s21 =	simm.s32 $0x1400;
	[sflag:s16] =	ssyncadd.s32 $0xFFFFC000  }
0x58: {  	[spmem:s1] =	stream.indirect.scatter.add.f32 [tilespmem:s12], [sflag:$0x3], $0x80, s21, s11, $0xb8;
	[tilespmem:$0x1E800] =	vst v63  }
0x59: {  	_ =	swait.ge [sflag:s10], $0x4000  }
0x5a: {  	[sflag:s10] =	ssyncset.done $0x0  }
0x5b: {  	s30 =	simm.s32 $0x100;
	[sflag:s10] =	ssyncadd.s32 $0xFFFFC000  }
0x5c: {  	[tilespmem:s12], [sflag:$0x1] =	stream.indirect.gather [hbm4b:s4+s11], $0x80, s30, s11, $0xb8;
	[tilespmem:$0x1E800] =	vst v63  }
0x5d: {  	_ =	swait.ge [sflag:s17], $0x4000  }
0x5e: {  	[sflag:s17] =	ssyncset.done $0x0  }
0x5f: {  	s31 =	simm.s32 $0x1480;
	[sflag:s17] =	ssyncadd.s32 $0xFFFFC000  }
0x60: {  	[spmem:s1] =	stream.indirect.scatter.add.f32 [tilespmem:s13], [sflag:$0x3], $0x80, s31, s11, $0xb8;
	[tilespmem:$0x1E800] =	vst v63  }
0x61: {  	_ =	swait.ge [sflag:s10], $0x4000  }
0x62: {  	[sflag:s10] =	ssyncset.done $0x0  }
0x63: {  	s22 =	simm.s32 $0x180;
	s21 =	simm.s32 $0x800;
	[sflag:s10] =	ssyncadd.s32 $0xFFFFC000  }
.LBB2_4:
0x64: {  	[tilespmem:s13], [sflag:$0x2] =	stream.indirect.gather [hbm4b:s4+s11], $0x80, s22, s11, $0xb8;
	[tilespmem:$0x1E800] =	vst v63  }
0x65: {  	s22 =	smov.u32 s21  }
0x66: {  	p0 =	sne.s32 s21, $0x4C00;
	s21 =	sadd.s32 $0x400, s21;
	_ =	swait.ge [sflag:s16], $0x4000  }
0x67: {  	s22 =	sshra.s32 s22, $0x2;
	[sflag:s16] =	ssyncset.done $0x0  }
0x68: {  	s23 =	sadd.s32 $0x1300, s22;
	[sflag:s16] =	ssyncadd.s32 $0xFFFFC000  }
0x69: {  	[spmem:s1] =	stream.indirect.scatter.add.f32 [tilespmem:s12], [sflag:$0x3], $0x80, s23, s11, $0xb8;
	[tilespmem:$0x1E800] =	vst v63  }
0x6a: {  	_ =	swait.ge [sflag:s10], $0x4000  }
0x6b: {  	[sflag:s10] =	ssyncset.done $0x0  }
0x6c: {  	[sflag:s10] =	ssyncadd.s32 $0xFFFFC000  }
0x6d: {  	[tilespmem:s12], [sflag:$0x1] =	stream.indirect.gather [hbm4b:s4+s11], $0x80, s22, s11, $0xb8;
	[tilespmem:$0x1E800] =	vst v63  }
0x6e: {  	_ =	swait.ge [sflag:s17], $0x4000  }
0x6f: {  	[sflag:s17] =	ssyncset.done $0x0  }
.Ltmp1:
0x70: {  	s23 =	sadd.s32 $0x1380, s22;
	[sflag:s17] =	ssyncadd.s32 $0xFFFFC000;
	(pc) =	sbr.rel @p0 .LBB2_4-.Ltmp1, $4  }
0x71: {  	[spmem:s1] =	stream.indirect.scatter.add.f32 [tilespmem:s13], [sflag:$0x3], $0x80, s23, s11, $0xb8;
	[tilespmem:$0x1E800] =	vst v63  }
0x72: {  	_ =	swait.ge [sflag:s10], $0x4000  }
0x73: {  	[sflag:s10] =	ssyncset.done $0x0  }
0x74: {  	s22 =	sadd.s32 $0x80, s22;
	[sflag:s10] =	ssyncadd.s32 $0xFFFFC000  }
0x75: {  	[tilespmem:s13], [sflag:$0x2] =	stream.indirect.gather [hbm4b:s4+s11], $0x80, s22, s11, $0xb8;
	[tilespmem:$0x1E800] =	vst v63  }
0x76: {  	_ =	swait.ge [sflag:s16], $0x4000  }
0x77: {  	[sflag:s16] =	ssyncset.done $0x0  }
0x78: {  	[sflag:s16] =	ssyncadd.s32 $0xFFFFC000  }
0x79: {  	[spmem:s1] =	stream.indirect.scatter.add.f32 [tilespmem:s12], [sflag:$0x3], $0x80, s18, s11, $0xb8;
	[tilespmem:$0x1E800] =	vst v63  }
0x7a: {  	_ =	swait.ge [sflag:s10], $0x4000  }
0x7b: {  	[sflag:s10] =	ssyncset.done $0x0  }
0x7c: {  	[sflag:s10] =	ssyncadd.s32 $0xFFFFC000  }
0x7d: {  	_ =	swait.ge [sflag:s17], $0x4000  }
0x7e: {  	[sflag:s17] =	ssyncset.done $0x0  }
0x7f: {  	[sflag:s17] =	ssyncadd.s32 $0xFFFFC000  }
0x80: {  	[spmem:s1] =	stream.indirect.scatter.add.f32 [tilespmem:s13], [sflag:$0x3], $0x80, s19, s11, $0xb8;
	[tilespmem:$0x1E800] =	vst v63  }
0x81: {  	_ =	swait.ge [sflag:s10], $0x4000  }
0x82: {  	s20 =	sadd.s32 $0x1, s20;
	[sflag:s10] =	ssyncset.done $0x0  }
0x83: {  	p0 =	sne.s32 s20, s9;
	[sflag:s10] =	ssyncadd.s32 $0xFFFFC000  }
.Ltmp2:
0x84: {  	[bflag:$0x0] =	sbarrier.arrive $0xFFFF;
	(pc) =	sbr.rel @p0 .LBB2_1-.Ltmp2, $4  }
0x85: {  	[hbm:s8], [sflag:s14] =	dma.local [spmem:s15], $0x2800  }
0x86: {  	_ =	swait.ge [sflag:s10], $0x2800  }
0x87: {  	[sflag:s10] =	ssyncset.done $0x0  }
0x88: {  	[sflag:s10] =	ssyncadd.s32 $0xFFFFD800  }
0x89: {  	_ =	sfence.sel $0x180000  }
0x8a: {  	[bflag:$0x0] =	sbarrier.arrive $0xFFFF  }
0x8b: {  	p0 =	sne.s32 s2, $0x0;
	_ =	strace $0x9000004D  }
0x8c: {  	s0 =	sadd.s32 @!p0 $0x100000, s0;
	[bflag:$0x2] =	sbarrier.arrive $0xFFFF  }
0x8d: {  	[sflag:s0] =	ssyncadd.tile.s32 @!p0 $0x1;
	_ =	shalt  }
.Lfunc_end2:
_tile_overlayer_lowered:
.L_overlay_start_2:
0x8e: {  	(tag) =	ssettag $0x2  }
0x8f: {  	s0 =	rddreg [dreg:$0x0];
	s2 =	stileid.u32  }
0x90: {  	s1 =	rddreg [dreg:$0x1];
	p0 =	sne.s32 s2, $0x0  }
0x91: {  	s3 =	rddreg [dreg:$0x2];
	[bflag:$0x3] =	sbarrier.arrive $0xFFFF;
	s2 =	simm.s32 @!p0 $0x1C03  }
0x92: {  	[timem:s3], [sflag:s2] =	dma.local @!p0 [hbm:s0], s1  }
0x93: {  	s0 =	simm.s32 @!p0 $0x3  }
0x94: {  	_ =	swait.ge @!p0 [sflag:s0], s1  }
0x95: {  	s1 =	ssub.s32 @!p0 $0x0, s1;
	[sflag:s0] =	ssyncset.done @!p0 $0x0  }
0x96: {  	[sflag:s0] =	ssyncadd.s32 @!p0 s1  }
0x97: {  	[bflag:$0x3] =	sbarrier.arrive $0xFFFF  }
0x98: {  	_ =	shalt  }

// kernel: kernel.8.cloned.1.call-start
scs
__scs_entry_jumppad:
0x0: {  	(pc) =	sbr.rel $0x88, $3  }
0x1: {  	(tag) =	ssettag $0x0;
	lr =	simm.s32 $0x1  }
0x2: {  	[smem:$0x3F93] =	sst lr;
	_ =	strace $0xD0000000  }
0x3: {  	_ = 	snop  }
0x4: {  	_ = 	snop  }
0x5: {  	_ = 	snop  }
0x6: {  	_ = 	snop  }
0x7: {  	_ = 	snop  }
__scs_overlays_trampoline_lowered:
0x8: {  	[smem:$0x3FA2] =	sst s0  }
0x9: {  	[smem:$0x3FA3] =	sst s1  }
0xa: {  	[smem:$0x3FA4] =	sst s2  }
0xb: {  	[smem:$0x3FA5] =	sst s3  }
0xc: {  	[smem:$0x3FA6] =	sst s4  }
0xd: {  	[smem:$0x3FA7] =	sst s5  }
0xe: {  	[smem:$0x3FA8] =	sst s6  }
0xf: {  	[smem:$0x3FA9] =	sst s7  }
0x10: {  	[smem:$0x3FAA] =	sst s8  }
0x11: {  	[smem:$0x3FAB] =	sst s9;
	s0 =	simm.s32 @!p0 $0x0  }
0x12: {  	s1 =	sld [smem:$0x3F91];
	s0 =	simm.s32 @p0 $0x1  }
0x13: {  	[smem:$0x3FAC] =	sst s0;
	s0 =	simm.s32 @!p1 $0x0  }
0x14: {  	s2 =	sld [smem:$0x3F90];
	s0 =	simm.s32 @p1 $0x1  }
0x15: {  	[smem:$0x3FAD] =	sst s0;
	s0 =	simm.s32 @!p2 $0x0  }
0x16: {  	s3 =	sld [smem:$0x3FDB];
	s0 =	simm.s32 @p2 $0x1  }
0x17: {  	s4 =	simm.s32 $0x1BF5;
	[smem:$0x3FAF] =	sst s0  }
0x18: {  	s0 =	sld [smem:$0x3F92];
	_ =	swait.ge [sflag:s4], $0x0  }
0x19: {  	s7 =	sld [smem:$0x3F93]  }
0x1a: {  	s8 =	sadd.s32 $0xFFFFE003, lr  }
0x1b: {  	s9 =	sadd.s32 $0xFFFFFEF7, lr;
	s5 =	simm.s32 $0xFFFFFFFF;
	p2 =	slt.u32 s8, $0xFFFFF086  }
0x1c: {  	p1 =	slt.u32 s9, $0xF7A;
	s5 =	simm.s32 @!p2 $0x0  }
0x1d: {  	s5 =	simm.s32 @p1 $0x1;
	p0 =	seq.s32 s7, s2  }
0x1e: {  	s7 =	smul.u32 @!p0 $0xF7A, s2;
	p2 =	seq.s32 @!p0 s5, $0x0  }
0x1f: {  	s9 =	smul.u32 $0xF7A, s1;
	s8 =	simm.s32 @!p0 $0x1BF5;
	p2 =	por !p2, p0  }
0x20: {  	[sflag:s8] =	ssyncset.s32 @!p0 $0xFFFFF086;
	s6 =	sadd.s32 @!p0 s3, s7;
	s7 =	simm.s32 @!p0 $0x108  }
0x21: {  	s3 =	sadd.s32 s3, s9;
	s6 =	sadd.s32 @!p0 $0x88, s6;
	s7 =	simm.s32 @p2 $0x1082  }
0x22: {  	[simem:s7], [sflag:s8] =	dma.local @!p0 [hbm:s6], $0xF7A  }
0x23: {  	s9 =	sor.u32 $0xD0000000, s2;
	s6 =	simm.s32 $0x108;
	_ =	swait.ge @!p0 [sflag:s8], $0x0  }
0x24: {  	s3 =	sadd.s32 $0x88, s3;
	s6 =	simm.s32 @!p1 $0x1082;
	[sflag:s4] =	ssyncset.s32 $0xFFFFF086  }
0x25: {  	[simem:s6], [sflag:s4] =	dma.local [hbm:s3], $0xF7A  }
0x26: {  	[smem:$0x3F93] =	sst s1;
	(tag) =	ssettag s2;
	_ =	strace s9  }
0x27: {  	s1 =	sld [smem:$0x3FA3]  }
0x28: {  	s2 =	sld [smem:$0x3FA4]  }
0x29: {  	s4 =	sld [smem:$0x3FA6]  }
0x2a: {  	p0 =	seq.s32 s5, $0x0;
	s5 =	sld [smem:$0x3FA7]  }
0x2b: {  	s6 =	sld [smem:$0x3FA8]  }
0x2c: {  	s7 =	sld [smem:$0x3FA9]  }
0x2d: {  	s3 =	simm.s32 $0x108;
	s8 =	sld [smem:$0x3FAA]  }
0x2e: {  	s3 =	simm.s32 @!p0 $0x1082;
	s9 =	sld [smem:$0x3FAB]  }
0x2f: {  	lr =	sadd.s32 s0, s3;
	s0 =	sld [smem:$0x3FA2]  }
0x30: {  	s3 =	sld [smem:$0x3FA5]  }
0x31: {  	[smem:$0x3FAE] =	sst s10  }
0x32: {  	s10 =	sld [smem:$0x3FAC];
	_ =	sdelay $0x3  }
0x33: {  	p0 =	seq.s32 s10, $0x1;
	s10 =	sld [smem:$0x3FAE];
	_ =	sdelay $0x3  }
0x34: {  	[smem:$0x3FAE] =	sst s10  }
0x35: {  	s10 =	sld [smem:$0x3FAD];
	_ =	sdelay $0x3  }
0x36: {  	p1 =	seq.s32 s10, $0x1;
	s10 =	sld [smem:$0x3FAE];
	_ =	sdelay $0x3  }
0x37: {  	[smem:$0x3FAE] =	sst s10  }
0x38: {  	s10 =	sld [smem:$0x3FAF]  }
0x39: {  	_ = 	snop;
	(pc) =	sbr.ind lr, $3  }
0x3a: {  	_ = 	snop  }
0x3b: {  	_ = 	snop  }
0x3c: {  	p2 =	seq.s32 s10, $0x1;
	s10 =	sld [smem:$0x3FAE]  }
0x3d: {  	_ =	shalt  }
0x3e: {  	_ =	shalt  }
0x3f: {  	_ =	shalt  }
0x40: {  	_ =	shalt  }
0x41: {  	_ =	shalt  }
0x42: {  	_ =	shalt  }
0x43: {  	_ =	shalt  }
0x44: {  	_ =	shalt  }
0x45: {  	_ =	shalt  }
0x46: {  	_ =	shalt  }
0x47: {  	_ =	shalt  }
0x48: {  	_ =	shalt  }
0x49: {  	_ =	shalt  }
0x4a: {  	_ =	shalt  }
0x4b: {  	_ =	shalt  }
0x4c: {  	_ =	shalt  }
0x4d: {  	_ =	shalt  }
0x4e: {  	_ =	shalt  }
0x4f: {  	_ =	shalt  }
0x50: {  	_ =	shalt  }
0x51: {  	_ =	shalt  }
0x52: {  	_ =	shalt  }
0x53: {  	_ =	shalt  }
0x54: {  	_ =	shalt  }
0x55: {  	_ =	shalt  }
0x56: {  	_ =	shalt  }
0x57: {  	_ =	shalt  }
0x58: {  	_ =	shalt  }
0x59: {  	_ =	shalt  }
0x5a: {  	_ =	shalt  }
0x5b: {  	_ =	shalt  }
0x5c: {  	_ =	shalt  }
0x5d: {  	_ =	shalt  }
0x5e: {  	_ =	shalt  }
0x5f: {  	_ =	shalt  }
0x60: {  	_ =	shalt  }
0x61: {  	_ =	shalt  }
0x62: {  	_ =	shalt  }
0x63: {  	_ =	shalt  }
0x64: {  	_ =	shalt  }
0x65: {  	_ =	shalt  }
0x66: {  	_ =	shalt  }
0x67: {  	_ =	shalt  }
0x68: {  	_ =	shalt  }
0x69: {  	_ =	shalt  }
0x6a: {  	_ =	shalt  }
0x6b: {  	_ =	shalt  }
0x6c: {  	_ =	shalt  }
0x6d: {  	_ =	shalt  }
0x6e: {  	_ =	shalt  }
0x6f: {  	_ =	shalt  }
0x70: {  	_ =	shalt  }
0x71: {  	_ =	shalt  }
0x72: {  	_ =	shalt  }
0x73: {  	_ =	shalt  }
0x74: {  	_ =	shalt  }
0x75: {  	_ =	shalt  }
0x76: {  	_ =	shalt  }
0x77: {  	_ =	shalt  }
0x78: {  	_ =	shalt  }
0x79: {  	_ =	shalt  }
0x7a: {  	_ =	shalt  }
0x7b: {  	_ =	shalt  }
0x7c: {  	_ =	shalt  }
0x7d: {  	_ =	shalt  }
0x7e: {  	_ =	shalt  }
0x7f: {  	_ =	shalt  }
0x80: {  	_ =	shalt  }
0x81: {  	_ =	shalt  }
0x82: {  	_ =	shalt  }
0x83: {  	_ =	shalt  }
0x84: {  	_ =	shalt  }
0x85: {  	_ =	shalt  }
0x86: {  	_ =	shalt  }
0x87: {  	_ =	shalt  }
.Lfunc_end0:
.L_simem_size_0:
called_computation_lowered:
.L_overlay_start_0:
0x88: {  	s2 =	sld [smem:$0x3FD9]  }
0x89: {  	s3 =	sld [smem:$0x3FFE];
	_ =	sdelay $0x1  }
0x8a: {  	s1 =	srdreg.scid  }
0x8b: {  	s0 =	sand.u32 $0x1, s1  }
0x8c: {  	s17 =	sshll.u32 s0, $0xA;
	s2 =	sadd.s32 s3, s2  }
0x8d: {  	s2 =	sadd.s32 s2, s17  }
0x8e: {  	[smem:$0x3FBA] =	sst s2  }
0x8f: {  	_ = 	snop  }
0x90: {  	s2 =	sld [smem:$0x3FD0];
	(tm) =	ssettm $0x1  }
0x91: {  	s18 =	sld [smem:$0x3FFB];
	_ =	sdelay $0x3  }
0x92: {  	_ =	strace s18  }
0x93: {  	s3 =	sld [smem:$0x3FFC];
	_ =	sdelay $0x3  }
0x94: {  	_ =	strace s3  }
0x95: {  	s3 =	sld [smem:$0x3FFD];
	_ =	sdelay $0x3  }
0x96: {  	_ =	strace s3  }
0x97: {  	_ =	strace $0x8FFFFFFF  }
0x98: {  	s19 =	sld [smem:$0x3FDB];
	_ =	sdelay $0x1  }
0x99: {  	s4 =	simm.s32 $_scs_section_size  }
0x9a: {  	s5 =	simm.s32 $_size__tile_overlayer_lowered;
	s6 =	simm.s32 $_tile_overlayer_lowered  }
0x9b: {  	s22 =	simm.s32 $0x1BFF;
	s21 =	sshll.u32 s6, $0x1;
	s3 =	sadd.s32 s4, s19  }
0x9c: {  	s7 =	simm.s32 $0x0;
	s20 =	sshll.u32 s5, $0x1;
	s5 =	sadd.s32 s21, s3  }
0x9d: {  	[timem:s7], [sflag:s22] =	dma.local [hbm:s5], s20  }
0x9e: {  	_ =	swait.ge [sflag:s22], s20  }
0x9f: {  	s4 =	ssub.s32 $0x0, s20;
	[sflag:s22] =	ssyncset.done $0x0  }
0xa0: {  	[sflag:s22] =	ssyncadd.s32 s4;
	_ =	sdelay $0x1  }
0xa1: {  	s23 =	simm.s32 $0x1B8B  }
0xa2: {  	_ =	swait.ge [sflag:s23], $0x1  }
0xa3: {  	[sflag:s23] =	ssyncset.done $0x0  }
0xa4: {  	s25 =	simm.s32 $0x1B8E;
	s24 =	sld [smem:$0x3FFE];
	[sflag:s23] =	ssyncadd.s32 $0xFFFFFFFF  }
0xa5: {  	s26 =	simm.s32 $execute0_lowered;
	[smem:$0x3FD2] =	sst s25  }
0xa6: {  	s5 =	sshll.u32 s26, $0x1;
	_ =	strace $0x80000046;
	[dreg:$0x1] =	wrdreg $0xFFFFFFFF  }
0xa7: {  	s28 =	simm.s32 $_size_execute0_lowered;
	s3 =	sadd.s32 s3, s5;
	[dreg:$0x0] =	wrdreg $0x0  }
0xa8: {  	s5 =	sshll.u32 s28, $0x1;
	[dreg:$0x2] =	wrdreg s3  }
0xa9: {  	[dreg:$0x3] =	wrdreg s5  }
0xaa: {  	[dreg:$0x4] =	wrdreg $0xC0  }
0xab: {  	_ =	task [dreg:s7], $0x5FFFF  }
0xac: {  	[dreg:$0x1] =	wrdreg $0xFFFFFFFF  }
0xad: {  	[dreg:$0x0] =	wrdreg $0x60  }
0xae: {  	[dreg:$0x2] =	wrdreg s24  }
0xaf: {  	[dreg:$0x3] =	wrdreg s2  }
0xb0: {  	[dreg:$0x4] =	wrdreg $0xA8000  }
0xb1: {  	[dreg:$0x5] =	wrdreg $0x9  }
0xb2: {  	_ =	task.clear_ibuf [dreg:s7], $0x6FFFF;
	_ =	strace $0x90000046  }
0xb3: {  	s29 =	simm.s32 $0x9;
	_ =	strace $0x80000048  }
0xb4: {  	_ =	swait.ge [sflag:s29], $0x1  }
0xb5: {  	[sflag:s29] =	ssyncadd.s32 $0xFFFFFFFF  }
0xb6: {  	_ =	strace $0x90000048  }
0xb7: {  	_ =	sfence  }
0xb8: {  	s30 =	sld [smem:$0x0];
	_ =	sdelay $0x2  }
0xb9: {  	s31 =	sshll.u32 s1, $0xD;
	s1 =	sshrl.u32 s1, $0x2  }
0xba: {  	s3 =	sand.u32 $0x4000, s31;
	s1 =	sadd.s32 s1, s30  }
0xbb: {  	s0 =	sor.u32 s3, s0;
	s1 =	sshll.u32 s1, $0x11  }
0xbc: {  	s0 =	sor.u32 s1, s0  }
0xbd: {  	s0 =	sadd.s32 $0x8F2B, s0  }
0xbe: {  	[sflag:s0] =	ssyncadd.remote.s32 $0x1  }
0xbf: {  	_ =	sfence.sel $0xFFFF  }
0xc0: {  	[dreg:$0x0] =	wrdreg $0xFFFFFFFF;
	(pc) =	sbr.abs _section_cstart, $3  }
0xc1: {  	[dreg:$0x1] =	wrdreg $0xFFFFFFFF  }
0xc2: {  	_ =	task.clear_ibuf [dreg:s7], $0x2FFFF;
	_ =	strace $0x9FFFFFFF  }
0xc3: {  	(tm) =	ssettm $0x7FFFFFFF  }
tec
execute0_lowered:
.L_overlay_start_1:
0x0: {  	(tag) =	ssettag $0x1  }
0x1: {  	s5 =	rddreg [dreg:$0x0]  }
0x2: {  	s6 =	rddreg [dreg:$0x1]  }
0x3: {  	s1 =	rddreg [dreg:$0x2];
	s2 =	srdreg.scid  }
0x4: {  	s0 =	rddreg [dreg:$0x3];
	s3 =	simm.s32 $0x0;
	s17 =	simm.s32 $0x2  }
0x5: {  	s18 =	simm.s32 $0x2700;
	s19 =	simm.s32 $0x2780;
	s10 =	sand.u32 $0x1, s2  }
0x6: {  	s20 =	simm.s32 $0x0;
	s2 =	stileid.u32;
	s7 =	smul.u32 $0x140000, s10  }
0x7: {  	[smem:$0x7FF] =	sst s3;
	s4 =	sadd.s32 $0x3000, s5;
	s8 =	smul.u32 $0x14000, s2  }
0x8: {  	s14 =	sadd.s32 $0x2B000, s5;
	_ =	strace $0x80000047;
	s11 =	smul.u32 $0x50000, s2  }
0x9: {  	s24 =	sshll.u32 s10, $0x4;
	s9 =	ssub.s32 $0x2, s10;
	s28 =	smul.u32 $0x2800, s2  }
0xa: {  	p0 =	sne.s32 s10, $0x0;
	s10 =	simm.s32 $0x3;
	s31 =	sshll.u32 s2, $0x6  }
0xb: {  	s12 =	sshrl.u32 s9, $0x1;
	s7 =	sadd.s32 s8, s7;
	s8 =	sor.u32 s2, s24  }
0xc: {  	s9 =	ssub.s32 s9, s12;
	s26 =	sshrl.u32 s11, $0x2;
	s13 =	smul.u32 $0x5000, s8  }
0xd: {  	s11 =	simm.s32 $0x80;
	s12 =	simm.s32 $0x2800;
	s25 =	smul.u32 $0xA00, s8  }
0xe: {  	s7 =	sshrl.u32 s7, $0x3;
	s16 =	sadd.s32 s26, s1;
	s9 =	smax.u32 s9, $0x1  }
0xf: {  	s15 =	sadd.s32 s7, s5;
	s29 =	sshrl.u32 s13, $0x3;
	s5 =	sadd.s32 s6, s25  }
0x10: {  	s8 =	sadd.s32 $0x2D800, s15;
	s13 =	simm.s32 $0x6800;
	s15 =	sshrl.u32 s16, $0x3  }
0x11: {  	s16 =	simm.s32 $0x1;
	s30 =	sadd.s32 s6, s29;
	s6 =	sadd.s32 s4, s28  }
0x12: {  	s7 =	sadd.s32 $0x500, s30;
	s6 =	smov.u32 @p0 s14;
	s14 =	sor.u32 $0x1C03, s31  }
.LBB2_1:
0x13: {  	[tilespmem:s3], [sflag:$0x3] =	stream.linear.gather [hbm4b:s5+s3], $0x2800, $0x38;
	[tilespmem:$0x1E800] =	vst v63  }
0x14: {  	_ =	swait.ge [sflag:s10], $0x2800  }
0x15: {  	[sflag:s10] =	ssyncset.done $0x0  }
0x16: {  	[sflag:s10] =	ssyncadd.s32 $0xFFFFD800  }
0x17: {  	[tilespmem:s12], [sflag:$0x1] =	stream.indirect.gather [hbm4b:s4+s11], $0x80, s3, s11, $0xb8;
	[tilespmem:$0x1E800] =	vst v63  }
0x18: {  	_ = 	snop  }
0x19: {  	[tilespmem:s13], [sflag:$0x2] =	stream.indirect.gather [hbm4b:s4+s11], $0x80, s11, s11, $0xb8;
	[tilespmem:$0x1E800] =	vst v63  }
0x1a: {  	[spmem:s15], [sflag:s14] =	dma.local [hbm:s6], $0x2800  }
0x1b: {  	_ =	swait.ge [sflag:s10], $0x2800  }
0x1c: {  	[sflag:s10] =	ssyncset.done $0x0  }
0x1d: {  	[sflag:s10] =	ssyncadd.s32 $0xFFFFD800  }
0x1e: {  	[bflag:$0x0] =	sbarrier.arrive $0xFFFF  }
0x1f: {  	_ =	swait.ge [sflag:s16], $0x4000  }
0x20: {  	[sflag:s16] =	ssyncset.done $0x0  }
0x21: {  	s21 =	simm.s32 $0x1400;
	[sflag:s16] =	ssyncadd.s32 $0xFFFFC000  }
0x22: {  	[spmem:s1] =	stream.indirect.scatter.add.f32 [tilespmem:s12], [sflag:$0x3], $0x80, s21, s11, $0xb8;
	[tilespmem:$0x1E800] =	vst v63  }
0x23: {  	_ =	swait.ge [sflag:s10], $0x4000  }
0x24: {  	[sflag:s10] =	ssyncset.done $0x0  }
0x25: {  	s30 =	simm.s32 $0x100;
	[sflag:s10] =	ssyncadd.s32 $0xFFFFC000  }
0x26: {  	[tilespmem:s12], [sflag:$0x1] =	stream.indirect.gather [hbm4b:s4+s11], $0x80, s30, s11, $0xb8;
	[tilespmem:$0x1E800] =	vst v63  }
0x27: {  	_ =	swait.ge [sflag:s17], $0x4000  }
0x28: {  	[sflag:s17] =	ssyncset.done $0x0  }
0x29: {  	s31 =	simm.s32 $0x1480;
	[sflag:s17] =	ssyncadd.s32 $0xFFFFC000  }
0x2a: {  	[spmem:s1] =	stream.indirect.scatter.add.f32 [tilespmem:s13], [sflag:$0x3], $0x80, s31, s11, $0xb8;
	[tilespmem:$0x1E800] =	vst v63  }
0x2b: {  	_ =	swait.ge [sflag:s10], $0x4000  }
0x2c: {  	[sflag:s10] =	ssyncset.done $0x0  }
0x2d: {  	s22 =	simm.s32 $0x180;
	s21 =	simm.s32 $0x800;
	[sflag:s10] =	ssyncadd.s32 $0xFFFFC000  }
.LBB2_2:
0x2e: {  	[tilespmem:s13], [sflag:$0x2] =	stream.indirect.gather [hbm4b:s4+s11], $0x80, s22, s11, $0xb8;
	[tilespmem:$0x1E800] =	vst v63  }
0x2f: {  	s22 =	smov.u32 s21  }
0x30: {  	p0 =	sne.s32 s21, $0x4C00;
	s21 =	sadd.s32 $0x400, s21;
	_ =	swait.ge [sflag:s16], $0x4000  }
0x31: {  	s22 =	sshra.s32 s22, $0x2;
	[sflag:s16] =	ssyncset.done $0x0  }
0x32: {  	s23 =	sadd.s32 $0x1300, s22;
	[sflag:s16] =	ssyncadd.s32 $0xFFFFC000  }
0x33: {  	[spmem:s1] =	stream.indirect.scatter.add.f32 [tilespmem:s12], [sflag:$0x3], $0x80, s23, s11, $0xb8;
	[tilespmem:$0x1E800] =	vst v63  }
0x34: {  	_ =	swait.ge [sflag:s10], $0x4000  }
0x35: {  	[sflag:s10] =	ssyncset.done $0x0  }
0x36: {  	[sflag:s10] =	ssyncadd.s32 $0xFFFFC000  }
0x37: {  	[tilespmem:s12], [sflag:$0x1] =	stream.indirect.gather [hbm4b:s4+s11], $0x80, s22, s11, $0xb8;
	[tilespmem:$0x1E800] =	vst v63  }
0x38: {  	_ =	swait.ge [sflag:s17], $0x4000  }
0x39: {  	[sflag:s17] =	ssyncset.done $0x0  }
.Ltmp0:
0x3a: {  	s23 =	sadd.s32 $0x1380, s22;
	[sflag:s17] =	ssyncadd.s32 $0xFFFFC000;
	(pc) =	sbr.rel @p0 .LBB2_2-.Ltmp0, $4  }
0x3b: {  	[spmem:s1] =	stream.indirect.scatter.add.f32 [tilespmem:s13], [sflag:$0x3], $0x80, s23, s11, $0xb8;
	[tilespmem:$0x1E800] =	vst v63  }
0x3c: {  	_ =	swait.ge [sflag:s10], $0x4000  }
0x3d: {  	[sflag:s10] =	ssyncset.done $0x0  }
0x3e: {  	s22 =	sadd.s32 $0x80, s22;
	[sflag:s10] =	ssyncadd.s32 $0xFFFFC000  }
0x3f: {  	[tilespmem:s13], [sflag:$0x2] =	stream.indirect.gather [hbm4b:s4+s11], $0x80, s22, s11, $0xb8;
	[tilespmem:$0x1E800] =	vst v63  }
0x40: {  	_ =	swait.ge [sflag:s16], $0x4000  }
0x41: {  	[sflag:s16] =	ssyncset.done $0x0  }
0x42: {  	[sflag:s16] =	ssyncadd.s32 $0xFFFFC000  }
0x43: {  	[spmem:s1] =	stream.indirect.scatter.add.f32 [tilespmem:s12], [sflag:$0x3], $0x80, s18, s11, $0xb8;
	[tilespmem:$0x1E800] =	vst v63  }
0x44: {  	_ =	swait.ge [sflag:s10], $0x4000  }
0x45: {  	[sflag:s10] =	ssyncset.done $0x0  }
0x46: {  	[sflag:s10] =	ssyncadd.s32 $0xFFFFC000  }
0x47: {  	_ =	swait.ge [sflag:s17], $0x4000  }
0x48: {  	[sflag:s17] =	ssyncset.done $0x0  }
0x49: {  	[sflag:s17] =	ssyncadd.s32 $0xFFFFC000  }
0x4a: {  	[spmem:s1] =	stream.indirect.scatter.add.f32 [tilespmem:s13], [sflag:$0x3], $0x80, s19, s11, $0xb8;
	[tilespmem:$0x1E800] =	vst v63  }
0x4b: {  	_ =	swait.ge [sflag:s10], $0x4000  }
0x4c: {  	[sflag:s10] =	ssyncset.done $0x0  }
0x4d: {  	[sflag:s10] =	ssyncadd.s32 $0xFFFFC000  }
0x4e: {  	[tilespmem:s3], [sflag:$0x3] =	stream.linear.gather [hbm4b:s7+s3], $0x2800, $0x38;
	[tilespmem:$0x1E800] =	vst v63  }
0x4f: {  	_ =	swait.ge [sflag:s10], $0x2800  }
0x50: {  	[sflag:s10] =	ssyncset.done $0x0  }
0x51: {  	[sflag:s10] =	ssyncadd.s32 $0xFFFFD800  }
0x52: {  	[tilespmem:s12], [sflag:$0x1] =	stream.indirect.gather [hbm4b:s4+s11], $0x80, s3, s11, $0xb8;
	[tilespmem:$0x1E800] =	vst v63  }
0x53: {  	_ = 	snop  }
0x54: {  	[tilespmem:s13], [sflag:$0x2] =	stream.indirect.gather [hbm4b:s4+s11], $0x80, s11, s11, $0xb8;
	[tilespmem:$0x1E800] =	vst v63  }
0x55: {  	_ =	swait.ge [sflag:s16], $0x4000  }
0x56: {  	[sflag:s16] =	ssyncset.done $0x0  }
0x57: {  	s21 =	simm.s32 $0x1400;
	[sflag:s16] =	ssyncadd.s32 $0xFFFFC000  }
0x58: {  	[spmem:s1] =	stream.indirect.scatter.add.f32 [tilespmem:s12], [sflag:$0x3], $0x80, s21, s11, $0xb8;
	[tilespmem:$0x1E800] =	vst v63  }
0x59: {  	_ =	swait.ge [sflag:s10], $0x4000  }
0x5a: {  	[sflag:s10] =	ssyncset.done $0x0  }
0x5b: {  	s30 =	simm.s32 $0x100;
	[sflag:s10] =	ssyncadd.s32 $0xFFFFC000  }
0x5c: {  	[tilespmem:s12], [sflag:$0x1] =	stream.indirect.gather [hbm4b:s4+s11], $0x80, s30, s11, $0xb8;
	[tilespmem:$0x1E800] =	vst v63  }
0x5d: {  	_ =	swait.ge [sflag:s17], $0x4000  }
0x5e: {  	[sflag:s17] =	ssyncset.done $0x0  }
0x5f: {  	s31 =	simm.s32 $0x1480;
	[sflag:s17] =	ssyncadd.s32 $0xFFFFC000  }
0x60: {  	[spmem:s1] =	stream.indirect.scatter.add.f32 [tilespmem:s13], [sflag:$0x3], $0x80, s31, s11, $0xb8;
	[tilespmem:$0x1E800] =	vst v63  }
0x61: {  	_ =	swait.ge [sflag:s10], $0x4000  }
0x62: {  	[sflag:s10] =	ssyncset.done $0x0  }
0x63: {  	s22 =	simm.s32 $0x180;
	s21 =	simm.s32 $0x800;
	[sflag:s10] =	ssyncadd.s32 $0xFFFFC000  }
.LBB2_4:
0x64: {  	[tilespmem:s13], [sflag:$0x2] =	stream.indirect.gather [hbm4b:s4+s11], $0x80, s22, s11, $0xb8;
	[tilespmem:$0x1E800] =	vst v63  }
0x65: {  	s22 =	smov.u32 s21  }
0x66: {  	p0 =	sne.s32 s21, $0x4C00;
	s21 =	sadd.s32 $0x400, s21;
	_ =	swait.ge [sflag:s16], $0x4000  }
0x67: {  	s22 =	sshra.s32 s22, $0x2;
	[sflag:s16] =	ssyncset.done $0x0  }
0x68: {  	s23 =	sadd.s32 $0x1300, s22;
	[sflag:s16] =	ssyncadd.s32 $0xFFFFC000  }
0x69: {  	[spmem:s1] =	stream.indirect.scatter.add.f32 [tilespmem:s12], [sflag:$0x3], $0x80, s23, s11, $0xb8;
	[tilespmem:$0x1E800] =	vst v63  }
0x6a: {  	_ =	swait.ge [sflag:s10], $0x4000  }
0x6b: {  	[sflag:s10] =	ssyncset.done $0x0  }
0x6c: {  	[sflag:s10] =	ssyncadd.s32 $0xFFFFC000  }
0x6d: {  	[tilespmem:s12], [sflag:$0x1] =	stream.indirect.gather [hbm4b:s4+s11], $0x80, s22, s11, $0xb8;
	[tilespmem:$0x1E800] =	vst v63  }
0x6e: {  	_ =	swait.ge [sflag:s17], $0x4000  }
0x6f: {  	[sflag:s17] =	ssyncset.done $0x0  }
.Ltmp1:
0x70: {  	s23 =	sadd.s32 $0x1380, s22;
	[sflag:s17] =	ssyncadd.s32 $0xFFFFC000;
	(pc) =	sbr.rel @p0 .LBB2_4-.Ltmp1, $4  }
0x71: {  	[spmem:s1] =	stream.indirect.scatter.add.f32 [tilespmem:s13], [sflag:$0x3], $0x80, s23, s11, $0xb8;
	[tilespmem:$0x1E800] =	vst v63  }
0x72: {  	_ =	swait.ge [sflag:s10], $0x4000  }
0x73: {  	[sflag:s10] =	ssyncset.done $0x0  }
0x74: {  	s22 =	sadd.s32 $0x80, s22;
	[sflag:s10] =	ssyncadd.s32 $0xFFFFC000  }
0x75: {  	[tilespmem:s13], [sflag:$0x2] =	stream.indirect.gather [hbm4b:s4+s11], $0x80, s22, s11, $0xb8;
	[tilespmem:$0x1E800] =	vst v63  }
0x76: {  	_ =	swait.ge [sflag:s16], $0x4000  }
0x77: {  	[sflag:s16] =	ssyncset.done $0x0  }
0x78: {  	[sflag:s16] =	ssyncadd.s32 $0xFFFFC000  }
0x79: {  	[spmem:s1] =	stream.indirect.scatter.add.f32 [tilespmem:s12], [sflag:$0x3], $0x80, s18, s11, $0xb8;
	[tilespmem:$0x1E800] =	vst v63  }
0x7a: {  	_ =	swait.ge [sflag:s10], $0x4000  }
0x7b: {  	[sflag:s10] =	ssyncset.done $0x0  }
0x7c: {  	[sflag:s10] =	ssyncadd.s32 $0xFFFFC000  }
0x7d: {  	_ =	swait.ge [sflag:s17], $0x4000  }
0x7e: {  	[sflag:s17] =	ssyncset.done $0x0  }
0x7f: {  	[sflag:s17] =	ssyncadd.s32 $0xFFFFC000  }
0x80: {  	[spmem:s1] =	stream.indirect.scatter.add.f32 [tilespmem:s13], [sflag:$0x3], $0x80, s19, s11, $0xb8;
	[tilespmem:$0x1E800] =	vst v63  }
0x81: {  	_ =	swait.ge [sflag:s10], $0x4000  }
0x82: {  	s20 =	sadd.s32 $0x1, s20;
	[sflag:s10] =	ssyncset.done $0x0  }
0x83: {  	p0 =	sne.s32 s20, s9;
	[sflag:s10] =	ssyncadd.s32 $0xFFFFC000  }
.Ltmp2:
0x84: {  	[bflag:$0x0] =	sbarrier.arrive $0xFFFF;
	(pc) =	sbr.rel @p0 .LBB2_1-.Ltmp2, $4  }
0x85: {  	[hbm:s8], [sflag:s14] =	dma.local [spmem:s15], $0x2800  }
0x86: {  	_ =	swait.ge [sflag:s10], $0x2800  }
0x87: {  	[sflag:s10] =	ssyncset.done $0x0  }
0x88: {  	[sflag:s10] =	ssyncadd.s32 $0xFFFFD800  }
0x89: {  	_ =	sfence.sel $0x180000  }
0x8a: {  	[bflag:$0x0] =	sbarrier.arrive $0xFFFF  }
0x8b: {  	p0 =	sne.s32 s2, $0x0;
	_ =	strace $0x90000047  }
0x8c: {  	s0 =	sadd.s32 @!p0 $0x100000, s0;
	[bflag:$0x2] =	sbarrier.arrive $0xFFFF  }
0x8d: {  	[sflag:s0] =	ssyncadd.tile.s32 @!p0 $0x1;
	_ =	shalt  }
.Lfunc_end2:
_tile_overlayer_lowered:
.L_overlay_start_2:
0x8e: {  	(tag) =	ssettag $0x2  }
0x8f: {  	s0 =	rddreg [dreg:$0x0];
	s2 =	stileid.u32  }
0x90: {  	s1 =	rddreg [dreg:$0x1];
	p0 =	sne.s32 s2, $0x0  }
0x91: {  	s3 =	rddreg [dreg:$0x2];
	[bflag:$0x3] =	sbarrier.arrive $0xFFFF;
	s2 =	simm.s32 @!p0 $0x1C03  }
0x92: {  	[timem:s3], [sflag:s2] =	dma.local @!p0 [hbm:s0], s1  }
0x93: {  	s0 =	simm.s32 @!p0 $0x3  }
0x94: {  	_ =	swait.ge @!p0 [sflag:s0], s1  }
0x95: {  	s1 =	ssub.s32 @!p0 $0x0, s1;
	[sflag:s0] =	ssyncset.done @!p0 $0x0  }
0x96: {  	[sflag:s0] =	ssyncadd.s32 @!p0 s1  }
0x97: {  	[bflag:$0x3] =	sbarrier.arrive $0xFFFF  }
0x98: {  	_ =	shalt  }

</sc_bundles>
